<compile_context>
chip_gen: v7x
topology: tpu7x:2x2x1
jax: 0.10.2.dev20260603
libtpu: 0.0.44.dev20260713+nightly
codegen_flags: <defaults>
</compile_context>

<pallas_src>
import jax
import jax.numpy as jnp
from jax.experimental import pallas as pl
from jax.experimental.pallas import tpu as pltpu

_CHUNK = 512


def _attn_kernel(off_ref, mc_ref, h2_ref, q_ref, out_ref):
    b = pl.program_id(0)
    start = off_ref[b]
    n = off_ref[b + 1] - start
    qb = q_ref[0]
    s_len = qb.shape[0]
    m0 = jnp.full((1, s_len), -1e30, jnp.float32)
    d0 = jnp.zeros((1, s_len), jnp.float32)
    a0 = jnp.zeros((s_len, qb.shape[1]), jnp.float32)
    nchunks = (n + _CHUNK - 1) // _CHUNK

    def body(i, carry):
        m, d, acc = carry
        rs = start + i * _CHUNK
        hc = h2_ref[pl.ds(rs, _CHUNK), :]
        s = jax.lax.dot_general(hc, qb, (((1,), (1,)), ((), ())),
                                preferred_element_type=jnp.float32)
        e = i * _CHUNK + jax.lax.broadcasted_iota(jnp.int32, (_CHUNK, 1), 0)
        s = jnp.where(e < n, s, -1e30)
        cm = jnp.max(s, axis=0, keepdims=True)
        mn = jnp.maximum(m, cm)
        corr = jnp.exp(m - mn)
        p = jnp.exp(s - mn)
        dn = d * corr + jnp.sum(p, axis=0, keepdims=True)
        accn = acc * corr.T + jax.lax.dot_general(
            p, hc, (((0,), (0,)), ((), ())), preferred_element_type=jnp.float32)
        return mn, dn, accn

    m, d, acc = jax.lax.fori_loop(0, nchunks, body, (m0, d0, a0))
    mf = jnp.maximum(m, 0.0)
    scale = jnp.exp(m - mf)
    pad = (mc_ref[0] - n).astype(jnp.float32)
    den = d * scale + pad * jnp.exp(-mf)
    out_ref[0] = acc * (scale / den).T


def _attention(h2p, q, offsets, maxc):
    B, S, D = q.shape
    return pl.pallas_call(
        _attn_kernel,
        grid=(B,),
        in_specs=[
            pl.BlockSpec(memory_space=pltpu.SMEM),
            pl.BlockSpec(memory_space=pltpu.SMEM),
            pl.BlockSpec(h2p.shape, lambda b: (0, 0)),
            pl.BlockSpec((1, S, D), lambda b: (b, 0, 0)),
        ],
        out_specs=pl.BlockSpec((1, S, D), lambda b: (b, 0, 0)),
        out_shape=jax.ShapeDtypeStruct((B, S, D), jnp.float32),
        compiler_params=pltpu.CompilerParams(
            dimension_semantics=("parallel",)),
    )(offsets, maxc, h2p, q)


_ECHUNK = 1024
_NBLK = 256


def _segsum_kernel(heads, fh, rpb_ref, hrows_hbm, ea_hbm, sd_hbm, out_ref,
                   hbuf, ebuf, dbuf, sem_h, sem_e, sem_d):
    i = pl.program_id(0)
    d0 = i * _NBLK
    e_lo = rpb_ref[i]
    e_hi = rpb_ref[i + 1]
    start = (e_lo // _ECHUNK) * _ECHUNK
    nch = (e_hi - start + _ECHUNK - 1) // _ECHUNK
    acc0 = tuple(jnp.zeros((_NBLK, fh), jnp.float32) for _ in range(heads))
    riota = jax.lax.broadcasted_iota(jnp.int32, (_ECHUNK, _NBLK), 1)

    def body(j, accs):
        off = start + j * _ECHUNK
        ch = pltpu.make_async_copy(hrows_hbm.at[pl.ds(off, _ECHUNK), :], hbuf, sem_h)
        ce = pltpu.make_async_copy(ea_hbm.at[pl.ds(off, _ECHUNK), :], ebuf, sem_e)
        cd = pltpu.make_async_copy(sd_hbm.at[pl.ds(off, _ECHUNK), :], dbuf, sem_d)
        ch.start(); ce.start(); cd.start()
        ch.wait(); ce.wait(); cd.wait()
        ld = dbuf[...] - d0
        valid = (ld >= 0) & (ld < _NBLK)
        ea = ebuf[...]
        ve = jnp.exp(jnp.where(ea > 0, ea, 0.2 * ea))
        ve = jnp.where(valid, ve, 0.0)
        oh = ld == riota
        hv = hbuf[...]
        new = []
        for h in range(heads):
            w = jnp.where(oh, ve[:, h:h + 1], 0.0)
            new.append(accs[h] + jax.lax.dot_general(
                w, hv[:, h * fh:(h + 1) * fh], (((0,), (0,)), ((), ())),
                preferred_element_type=jnp.float32))
        return tuple(new)

    accs = jax.lax.fori_loop(0, nch, body, acc0)
    out_ref[...] = jnp.concatenate(accs, axis=1) if heads > 1 else accs[0]


def _segsum(hrows, ea, sd2, rpb, heads, fh, nblocks):
    import functools
    f = heads * fh
    kern = functools.partial(_segsum_kernel, heads, fh)
    return pl.pallas_call(
        kern,
        grid=(nblocks,),
        in_specs=[
            pl.BlockSpec(memory_space=pltpu.SMEM),
            pl.BlockSpec(memory_space=pl.ANY),
            pl.BlockSpec(memory_space=pl.ANY),
            pl.BlockSpec(memory_space=pl.ANY),
        ],
        out_specs=pl.BlockSpec((_NBLK, f), lambda i: (i, 0)),
        out_shape=jax.ShapeDtypeStruct((nblocks * _NBLK, f), jnp.float32),
        scratch_shapes=[
            pltpu.VMEM((_ECHUNK, f), jnp.float32),
            pltpu.VMEM((_ECHUNK, 16), jnp.float32),
            pltpu.VMEM((_ECHUNK, 1), jnp.int32),
            pltpu.SemaphoreType.DMA,
            pltpu.SemaphoreType.DMA,
            pltpu.SemaphoreType.DMA,
        ],
        compiler_params=pltpu.CompilerParams(
            dimension_semantics=("parallel",)),
    )(rpb, hrows, ea, sd2)


def _gat(x, ssrc, sdst, sd2, rpb, N, W, a_src, a_dst, bias, heads, out_dim):
    fh = ((out_dim + 1 + 15) // 16) * 16
    h = (x @ W).reshape(N, heads, out_dim)
    as_ = jnp.sum(h * a_src[None, :, :], axis=-1)
    ad_ = jnp.sum(h * a_dst[None, :, :], axis=-1)
    hp = jnp.zeros((N, heads, fh), jnp.float32)
    hp = hp.at[:, :, :out_dim].set(h).at[:, :, out_dim].set(1.0)
    hrows = hp.reshape(N, heads * fh)[ssrc]
    ea = as_[ssrc] + ad_[jnp.minimum(sdst, N - 1)]
    eap = jnp.zeros((ssrc.shape[0], 16), jnp.float32).at[:, :heads].set(ea)
    nblocks = rpb.shape[0] - 1
    seg = _segsum(hrows, eap, sd2, rpb, heads, fh, nblocks)
    seg = seg[:N].reshape(N, heads, fh)
    out = seg[:, :, :out_dim] / seg[:, :, out_dim:out_dim + 1]
    return out.reshape(N, heads * out_dim) + bias


def kernel(x, edge_index, batch, target, W1, a_src1, a_dst1, b1, W2, a_src2, a_dst2, b2, fcg1_W, fcg1_b, emb, attn_Win, attn_Wout, conv_W, conv_b, fcxt_W, fcxt_b, fc1_W, fc1_b, fc2_W, fc2_b, out_W, out_b):
    N = x.shape[0]
    B, S = target.shape
    loop = jnp.arange(N)
    src = jnp.concatenate([edge_index[0], loop])
    dst = jnp.concatenate([edge_index[1], loop])

    E2 = src.shape[0]
    order = jnp.argsort(dst)
    sdst = dst[order].astype(jnp.int32)
    ssrc = src[order].astype(jnp.int32)
    e2p = ((E2 + _ECHUNK - 1) // _ECHUNK + 1) * _ECHUNK
    sdst_p = jnp.full((e2p,), jnp.int32(2 ** 30)).at[:E2].set(sdst)
    ssrc_p = jnp.zeros((e2p,), jnp.int32).at[:E2].set(ssrc)
    sd2 = sdst_p.reshape(e2p, 1)
    nblocks = (N + _NBLK - 1) // _NBLK
    rpb = jnp.searchsorted(sdst, jnp.arange(nblocks + 1, dtype=jnp.int32) * _NBLK
                           ).astype(jnp.int32)

    h1 = jax.nn.elu(_gat(x, ssrc_p, sdst_p, sd2, rpb, N, W1, a_src1, a_dst1, b1, 10, 78))
    h2 = jax.nn.relu(_gat(h1, ssrc_p, sdst_p, sd2, rpb, N, W2, a_src2, a_dst2, b2, 1, 128))

    counts = jnp.bincount(batch, length=B)
    offsets = jnp.concatenate([jnp.zeros((1,), jnp.int32),
                               jnp.cumsum(counts).astype(jnp.int32)])
    maxc = jnp.max(counts).astype(jnp.int32).reshape(1)

    emb_xt = emb[target]
    q = emb_xt @ attn_Win

    padn = ((N + _CHUNK - 1) // _CHUNK + 1) * _CHUNK
    h2p = jnp.zeros((padn, h2.shape[1]), h2.dtype).at[:N].set(h2)
    mix = _attention(h2p, q, offsets, maxc)

    attn_out = jnp.tanh(jnp.concatenate([mix, emb_xt], axis=-1) @ attn_Wout)

    xg = jax.ops.segment_max(h2, batch, num_segments=B)
    xg = jnp.where(jnp.isfinite(xg), xg, 0.0)
    xg = jax.nn.relu(xg @ fcg1_W + fcg1_b)

    conv = jax.lax.conv_general_dilated(attn_out, conv_W, (1,), 'VALID',
                                        dimension_numbers=('NCH', 'OIH', 'NCH'))
    conv = jax.nn.relu(conv + conv_b[None, :, None])
    xt = conv.reshape(B, -1) @ fcxt_W + fcxt_b
    xc = jnp.concatenate([xg, xt], axis=1)
    xc = jax.nn.relu(xc @ fc1_W + fc1_b)
    xc = jax.nn.relu(xc @ fc2_W + fc2_b)
    return xc @ out_W + out_b

# --- scband reference (transcript-rebuilt; emitter-appended) ---
"""Pipeline reference for scband-attn-gatnet-16604343566509 (READ-ONLY COPY).

The authoritative reference and input builder live on the scoring server;
editing this copy changes nothing except your own understanding.
"""

import jax, jax.numpy as jnp
import numpy as np


def _gat_layer(x, src, dst, N, W, a_src, a_dst, bias, heads, out_dim):
    h = (x @ W).reshape(N, heads, out_dim)
    as_ = jnp.sum(h * a_src[None, :, :], axis=-1)
    ad_ = jnp.sum(h * a_dst[None, :, :], axis=-1)
    e = as_[src] + ad_[dst]
    e = jnp.where(e > 0, e, 0.2 * e)
    emax = jax.ops.segment_max(e, dst, num_segments=N)
    emax = jnp.where(jnp.isfinite(emax), emax, 0.0)
    ex = jnp.exp(e - emax[dst])
    den = jax.ops.segment_sum(ex, dst, num_segments=N)
    alpha = ex / (den[dst] + 1e-16)
    out = jax.ops.segment_sum(h[src] * alpha[:, :, None], dst, num_segments=N)
    return out.reshape(N, heads * out_dim) + bias


def setup_inputs(seed: int = 0):
    key = jax.random.key(seed)
    k = lambda i: jax.random.fold_in(key, i)
    N, E, B, S, V = 50000, 800000, 100, 1000, 26
    x = jax.random.normal(k(0), (N, 78), dtype=jnp.float32)
    edge_index = jax.random.randint(k(1), (2, E), 0, N)
    batch = jnp.sort(jax.random.randint(k(2), (N,), 0, B))
    target = jax.random.randint(k(3), (B, S), 0, V)
    p = lambda i, shape, s=0.05: jax.random.normal(k(i), shape, dtype=jnp.float32) * s
    return {
        'x': x, 'edge_index': edge_index, 'batch': batch, 'target': target,
        'W1': p(4, (78, 780)), 'a_src1': p(5, (10, 78)), 'a_dst1': p(6, (10, 78)), 'b1': jnp.zeros((780,), jnp.float32),
        'W2': p(7, (780, 128)), 'a_src2': p(8, (1, 128)), 'a_dst2': p(9, (1, 128)), 'b2': jnp.zeros((128,), jnp.float32),
        'fcg1_W': p(10, (128, 128)), 'fcg1_b': jnp.zeros((128,), jnp.float32),
        'emb': p(11, (26, 128), 0.1),
        'attn_Win': p(12, (128, 128)), 'attn_Wout': p(13, (256, 128)),
        'conv_W': p(14, (32, 1000, 8), 0.02), 'conv_b': jnp.zeros((32,), jnp.float32),
        'fcxt_W': p(15, (3872, 128), 0.02), 'fcxt_b': jnp.zeros((128,), jnp.float32),
        'fc1_W': p(16, (256, 1024)), 'fc1_b': jnp.zeros((1024,), jnp.float32),
        'fc2_W': p(17, (1024, 256)), 'fc2_b': jnp.zeros((256,), jnp.float32),
        'out_W': p(18, (256, 1)), 'out_b': jnp.zeros((1,), jnp.float32),
    }


def reference(x, edge_index, batch, target, W1, a_src1, a_dst1, b1, W2, a_src2, a_dst2, b2,
              fcg1_W, fcg1_b, emb, attn_Win, attn_Wout, conv_W, conv_b, fcxt_W, fcxt_b,
              fc1_W, fc1_b, fc2_W, fc2_b, out_W, out_b):
    N = x.shape[0]
    B = target.shape[0]
    loop = jnp.arange(N)
    src = jnp.concatenate([edge_index[0], loop])
    dst = jnp.concatenate([edge_index[1], loop])
    # GAT layer 1 (heads=10) + ELU, GAT layer 2 (heads=1) + ReLU; dropout skipped (eval)
    h1 = jax.nn.elu(_gat_layer(x, src, dst, N, W1, a_src1, a_dst1, b1, 10, 78))
    h2 = jax.nn.relu(_gat_layer(h1, src, dst, N, W2, a_src2, a_dst2, b2, 1, 128))
    # protein embedding
    emb_xt = emb[target]  # [B, 1000, 128]
    counts = jnp.bincount(batch, length=B)
    pad = (counts.max() - counts).astype(h2.dtype)
    # torchnlp-style general attention: query=emb_xt, context=per-graph node features
    q = emb_xt @ attn_Win

    def _attend(qv):
        s = jnp.sum(qv[batch] * h2, axis=1)
        m = jnp.maximum(jax.ops.segment_max(s, batch, num_segments=B), 0.0)
        ex = jnp.exp(s - m[batch])
        den = jax.ops.segment_sum(ex, batch, num_segments=B) + pad * jnp.exp(-m)
        w = ex / den[batch]
        return jax.ops.segment_sum(h2 * w[:, None], batch, num_segments=B)

    mix = jnp.swapaxes(jax.lax.map(_attend, jnp.swapaxes(q, 0, 1)), 0, 1)
    attn_out = jnp.tanh(jnp.concatenate([mix, emb_xt], axis=-1) @ attn_Wout)  # [B, 1000, 128]
    # global max pool over nodes per graph
    xg = jax.ops.segment_max(h2, batch, num_segments=B)
    xg = jnp.where(jnp.isfinite(xg), xg, 0.0)
    xg = jax.nn.relu(xg @ fcg1_W + fcg1_b)
    # Conv1d(in_channels=1000, out_channels=32, kernel=8) over the 128-dim axis
    conv = jax.lax.conv_general_dilated(attn_out, conv_W, (1,), 'VALID',
                                        dimension_numbers=('NCH', 'OIH', 'NCH'))
    conv = jax.nn.relu(conv + conv_b[None, :, None])  # [B, 32, 121]
    xt = conv.reshape(B, -1) @ fcxt_W + fcxt_b
    xc = jnp.concatenate([xg, xt], axis=1)
    xc = jax.nn.relu(xc @ fc1_W + fc1_b)
    xc = jax.nn.relu(xc @ fc2_W + fc2_b)
    return xc @ out_W + out_b

if __name__ == "__main__":
    import jax
    _d = setup_inputs()
    print(jax.jit(kernel)(*tuple(_d.values())))

</pallas_src>

<mosaic_0001>
module attributes {stable_mosaic.version = 14 : i64} {
  func.func @_segsum_kernel(%arg0: i32, %arg1: memref<197xi32, #tpu.memory_space<smem>>, %arg2: memref<851968x800xf32, #tpu.memory_space<any>>, %arg3: memref<851968x16xf32, #tpu.memory_space<any>>, %arg4: memref<851968x1xi32, #tpu.memory_space<any>>, %arg5: memref<256x800xf32, #tpu.memory_space<vmem>>, %arg6: memref<1024x800xf32, #tpu.memory_space<vmem>>, %arg7: memref<1024x16xf32, #tpu.memory_space<vmem>>, %arg8: memref<1024x1xi32, #tpu.memory_space<vmem>>, %arg9: memref<!tpu.dma_semaphore, #tpu.memory_space<semaphore_mem>>, %arg10: memref<!tpu.dma_semaphore, #tpu.memory_space<semaphore_mem>>, %arg11: memref<!tpu.dma_semaphore, #tpu.memory_space<semaphore_mem>>) attributes {dimension_semantics = [#tpu.dimension_semantics<parallel>], iteration_bounds = array<i64: 196>, scalar_prefetch = 0 : i64, scratch_operands = 6 : i64, tpu.core_type = #tpu.core_type<tc>, window_params = [{transform_indices = @transform_0, window_bounds = array<i64: 197>}, {}, {}, {}, {transform_indices = @transform_4, window_bounds = array<i64: 256, 800>}]} {
    %mul3A = arith.constant 256 : i32
    %mul3A_0 = arith.muli %arg0, %mul3A : i32
    %get3A = arith.index_cast %arg0 : i32 to index
    %get3A_1 = memref.load %arg1[%get3A] : memref<197xi32, #tpu.memory_space<smem>>
    %add3A = arith.constant 1 : i32
    %add3A_2 = arith.addi %arg0, %add3A : i32
    %get3A_3 = arith.index_cast %add3A_2 : i32 to index
    %get3A_4 = memref.load %arg1[%get3A_3] : memref<197xi32, #tpu.memory_space<smem>>
    %jit3A = arith.constant 1024 : i32
    %div3A = arith.divsi %get3A_1, %jit3A : i32
    %sign3A = arith.constant 0 : i32
    %sign3A_5 = arith.cmpi sgt, %get3A_1, %sign3A : i32
    %sign3A_6 = arith.extui %sign3A_5 : i1 to i32
    %sign3A_7 = arith.constant 0 : i32
    %sign3A_8 = arith.cmpi slt, %get3A_1, %sign3A_7 : i32
    %sign3A_9 = arith.extui %sign3A_8 : i1 to i32
    %sign3A_10 = arith.subi %sign3A_6, %sign3A_9 : i32
    %sign3A_11 = arith.constant 0 : i32
    %sign3A_12 = arith.cmpi sgt, %jit3A, %sign3A_11 : i32
    %sign3A_13 = arith.extui %sign3A_12 : i1 to i32
    %sign3A_14 = arith.constant 0 : i32
    %sign3A_15 = arith.cmpi slt, %jit3A, %sign3A_14 : i32
    %sign3A_16 = arith.extui %sign3A_15 : i1 to i32
    %sign3A_17 = arith.subi %sign3A_13, %sign3A_16 : i32
    %ne3A = arith.cmpi ne, %sign3A_10, %sign3A_17 : i32
    %rem3A = arith.remsi %get3A_1, %jit3A : i32
    %ne3A_18 = arith.constant 0 : i32
    %ne3A_19 = arith.cmpi ne, %rem3A, %ne3A_18 : i32
    %and3A = arith.andi %ne3A, %ne3A_19 : i1
    %sub3A = arith.constant 1 : i32
    %sub3A_20 = arith.subi %div3A, %sub3A : i32
    %select_n3A = arith.select %and3A, %sub3A_20, %div3A : i32
    %mul3A_21 = arith.constant 1024 : i32
    %mul3A_22 = arith.muli %select_n3A, %mul3A_21 : i32
    %sub3A_23 = arith.subi %get3A_4, %mul3A_22 : i32
    %add3A_24 = arith.constant 1024 : i32
    %add3A_25 = arith.addi %sub3A_23, %add3A_24 : i32
    %sub3A_26 = arith.constant 1 : i32
    %sub3A_27 = arith.subi %add3A_25, %sub3A_26 : i32
    %jit3A_28 = arith.constant 1024 : i32
    %div3A_29 = arith.divsi %sub3A_27, %jit3A_28 : i32
    %sign3A_30 = arith.constant 0 : i32
    %sign3A_31 = arith.cmpi sgt, %sub3A_27, %sign3A_30 : i32
    %sign3A_32 = arith.extui %sign3A_31 : i1 to i32
    %sign3A_33 = arith.constant 0 : i32
    %sign3A_34 = arith.cmpi slt, %sub3A_27, %sign3A_33 : i32
    %sign3A_35 = arith.extui %sign3A_34 : i1 to i32
    %sign3A_36 = arith.subi %sign3A_32, %sign3A_35 : i32
    %sign3A_37 = arith.constant 0 : i32
    %sign3A_38 = arith.cmpi sgt, %jit3A_28, %sign3A_37 : i32
    %sign3A_39 = arith.extui %sign3A_38 : i1 to i32
    %sign3A_40 = arith.constant 0 : i32
    %sign3A_41 = arith.cmpi slt, %jit3A_28, %sign3A_40 : i32
    %sign3A_42 = arith.extui %sign3A_41 : i1 to i32
    %sign3A_43 = arith.subi %sign3A_39, %sign3A_42 : i32
    %ne3A_44 = arith.cmpi ne, %sign3A_36, %sign3A_43 : i32
    %rem3A_45 = arith.remsi %sub3A_27, %jit3A_28 : i32
    %ne3A_46 = arith.constant 0 : i32
    %ne3A_47 = arith.cmpi ne, %rem3A_45, %ne3A_46 : i32
    %and3A_48 = arith.andi %ne3A_44, %ne3A_47 : i1
    %sub3A_49 = arith.constant 1 : i32
    %sub3A_50 = arith.subi %div3A_29, %sub3A_49 : i32
    %select_n3A_51 = arith.select %and3A_48, %sub3A_50, %div3A_29 : i32
    %broadcast_in_dim3A = arith.constant 0.000000e+00 : f32
    %broadcast_in_dim3A_52 = vector.broadcast %broadcast_in_dim3A : f32 to vector<256x80xf32>
    %broadcast_in_dim3A_53 = arith.constant 0.000000e+00 : f32
    %broadcast_in_dim3A_54 = vector.broadcast %broadcast_in_dim3A_53 : f32 to vector<256x80xf32>
    %broadcast_in_dim3A_55 = arith.constant 0.000000e+00 : f32
    %broadcast_in_dim3A_56 = vector.broadcast %broadcast_in_dim3A_55 : f32 to vector<256x80xf32>
    %broadcast_in_dim3A_57 = arith.constant 0.000000e+00 : f32
    %broadcast_in_dim3A_58 = vector.broadcast %broadcast_in_dim3A_57 : f32 to vector<256x80xf32>
    %broadcast_in_dim3A_59 = arith.constant 0.000000e+00 : f32
    %broadcast_in_dim3A_60 = vector.broadcast %broadcast_in_dim3A_59 : f32 to vector<256x80xf32>
    %broadcast_in_dim3A_61 = arith.constant 0.000000e+00 : f32
    %broadcast_in_dim3A_62 = vector.broadcast %broadcast_in_dim3A_61 : f32 to vector<256x80xf32>
    %broadcast_in_dim3A_63 = arith.constant 0.000000e+00 : f32
    %broadcast_in_dim3A_64 = vector.broadcast %broadcast_in_dim3A_63 : f32 to vector<256x80xf32>
    %broadcast_in_dim3A_65 = arith.constant 0.000000e+00 : f32
    %broadcast_in_dim3A_66 = vector.broadcast %broadcast_in_dim3A_65 : f32 to vector<256x80xf32>
    %broadcast_in_dim3A_67 = arith.constant 0.000000e+00 : f32
    %broadcast_in_dim3A_68 = vector.broadcast %broadcast_in_dim3A_67 : f32 to vector<256x80xf32>
    %broadcast_in_dim3A_69 = arith.constant 0.000000e+00 : f32
    %broadcast_in_dim3A_70 = vector.broadcast %broadcast_in_dim3A_69 : f32 to vector<256x80xf32>
    %iota3A = tpu.iota {dimensions = array<i32: 1>} : vector<1024x256xi32>
    %while3A = arith.constant 0 : i32
    %while3A_71 = arith.subi %select_n3A_51, %while3A : i32
    %while3A_72 = arith.addi %while3A, %while3A_71 : i32
    %while3A_73 = arith.constant 1 : i32
    %while3A_74 = arith.divsi %while3A_71, %while3A_73 : i32
    %while3A_75 = arith.muli %while3A_74, %while3A_73 : i32
    %while3A_76 = arith.addi %while3A, %while3A_75 : i32
    %while3A_77 = arith.constant 1 : i32
    %while3A_78:10 = scf.for %while3A_83 = %while3A to %while3A_76 step %while3A_77 iter_args(%while3A_84 = %broadcast_in_dim3A_52, %while3A_85 = %broadcast_in_dim3A_54, %while3A_86 = %broadcast_in_dim3A_56, %while3A_87 = %broadcast_in_dim3A_58, %while3A_88 = %broadcast_in_dim3A_60, %while3A_89 = %broadcast_in_dim3A_62, %while3A_90 = %broadcast_in_dim3A_64, %while3A_91 = %broadcast_in_dim3A_66, %while3A_92 = %broadcast_in_dim3A_68, %while3A_93 = %broadcast_in_dim3A_70) -> (vector<256x80xf32>, vector<256x80xf32>, vector<256x80xf32>, vector<256x80xf32>, vector<256x80xf32>, vector<256x80xf32>, vector<256x80xf32>, vector<256x80xf32>, vector<256x80xf32>, vector<256x80xf32>)  : i32 {
      %mul3A_94 = arith.constant 1024 : i32
      %mul3A_95 = arith.muli %while3A_83, %mul3A_94 : i32
      %add3A_96 = arith.addi %mul3A_22, %mul3A_95 : i32
      %dma_start3A = arith.constant 0 : i32
      %dma_start3A_97 = tpu.memref_slice %arg2[%add3A_96, %dma_start3A] : memref<851968x800xf32, #tpu.memory_space<any>> -> memref<1024x800xf32, #tpu.memory_space<any>>
      tpu.enqueue_dma source(%dma_start3A_97 : memref<1024x800xf32, #tpu.memory_space<any>>) target(%arg6 : memref<1024x800xf32, #tpu.memory_space<vmem>>) target_semaphore(%arg9 : memref<!tpu.dma_semaphore, #tpu.memory_space<semaphore_mem>>)
      %dma_start3A_98 = arith.constant 0 : i32
      %dma_start3A_99 = tpu.memref_slice %arg3[%add3A_96, %dma_start3A_98] : memref<851968x16xf32, #tpu.memory_space<any>> -> memref<1024x16xf32, #tpu.memory_space<any>>
      tpu.enqueue_dma source(%dma_start3A_99 : memref<1024x16xf32, #tpu.memory_space<any>>) target(%arg7 : memref<1024x16xf32, #tpu.memory_space<vmem>>) target_semaphore(%arg10 : memref<!tpu.dma_semaphore, #tpu.memory_space<semaphore_mem>>)
      %dma_start3A_100 = arith.constant 0 : i32
      %dma_start3A_101 = tpu.memref_slice %arg4[%add3A_96, %dma_start3A_100] : memref<851968x1xi32, #tpu.memory_space<any>> -> memref<1024x1xi32, #tpu.memory_space<any>>
      tpu.enqueue_dma source(%dma_start3A_101 : memref<1024x1xi32, #tpu.memory_space<any>>) target(%arg8 : memref<1024x1xi32, #tpu.memory_space<vmem>>) target_semaphore(%arg11 : memref<!tpu.dma_semaphore, #tpu.memory_space<semaphore_mem>>)
      %dma_wait3A = arith.constant 0 : i32
      %dma_wait3A_102 = tpu.memref_slice %arg2[%add3A_96, %dma_wait3A] : memref<851968x800xf32, #tpu.memory_space<any>> -> memref<1024x800xf32, #tpu.memory_space<any>>
      tpu.wait_dma2 semaphore(%arg9 : memref<!tpu.dma_semaphore, #tpu.memory_space<semaphore_mem>>) src(%dma_wait3A_102 : memref<1024x800xf32, #tpu.memory_space<any>>) dst(%arg6 : memref<1024x800xf32, #tpu.memory_space<vmem>>)
      %dma_wait3A_103 = arith.constant 0 : i32
      %dma_wait3A_104 = tpu.memref_slice %arg3[%add3A_96, %dma_wait3A_103] : memref<851968x16xf32, #tpu.memory_space<any>> -> memref<1024x16xf32, #tpu.memory_space<any>>
      tpu.wait_dma2 semaphore(%arg10 : memref<!tpu.dma_semaphore, #tpu.memory_space<semaphore_mem>>) src(%dma_wait3A_104 : memref<1024x16xf32, #tpu.memory_space<any>>) dst(%arg7 : memref<1024x16xf32, #tpu.memory_space<vmem>>)
      %dma_wait3A_105 = arith.constant 0 : i32
      %dma_wait3A_106 = tpu.memref_slice %arg4[%add3A_96, %dma_wait3A_105] : memref<851968x1xi32, #tpu.memory_space<any>> -> memref<1024x1xi32, #tpu.memory_space<any>>
      tpu.wait_dma2 semaphore(%arg11 : memref<!tpu.dma_semaphore, #tpu.memory_space<semaphore_mem>>) src(%dma_wait3A_106 : memref<1024x1xi32, #tpu.memory_space<any>>) dst(%arg8 : memref<1024x1xi32, #tpu.memory_space<vmem>>)
      %get3A_107 = arith.constant 0 : index
      %get3A_108 = arith.constant 0 : index
      %get3A_109 = vector.load %arg8[%get3A_107, %get3A_108] : memref<1024x1xi32, #tpu.memory_space<vmem>>, vector<1024x1xi32>
      %sub3A_110 = vector.broadcast %mul3A_0 : i32 to vector<1024x1xi32>
      %sub3A_111 = arith.subi %get3A_109, %sub3A_110 : vector<1024x1xi32>
      %ge3A = arith.constant 0 : i32
      %ge3A_112 = vector.broadcast %ge3A : i32 to vector<1024x1xi32>
      %ge3A_113 = arith.cmpi sge, %sub3A_111, %ge3A_112 : vector<1024x1xi32>
      %lt3A = arith.constant 256 : i32
      %lt3A_114 = vector.broadcast %lt3A : i32 to vector<1024x1xi32>
      %lt3A_115 = arith.cmpi slt, %sub3A_111, %lt3A_114 : vector<1024x1xi32>
      %and3A_116 = arith.andi %ge3A_113, %lt3A_115 : vector<1024x1xi1>
      %get3A_117 = arith.constant 0 : index
      %get3A_118 = arith.constant 0 : index
      %get3A_119 = vector.load %arg7[%get3A_117, %get3A_118] : memref<1024x16xf32, #tpu.memory_space<vmem>>, vector<1024x16xf32>
      %gt3A = arith.constant 0.000000e+00 : f32
      %gt3A_120 = vector.broadcast %gt3A : f32 to vector<1024x16xf32>
      %gt3A_121 = arith.cmpf ogt, %get3A_119, %gt3A_120 : vector<1024x16xf32>
      %mul3A_122 = arith.constant 2.000000e-01 : f32
      %mul3A_123 = vector.broadcast %mul3A_122 : f32 to vector<1024x16xf32>
      %mul3A_124 = arith.mulf %mul3A_123, %get3A_119 : vector<1024x16xf32>
      %select_n3A_125 = arith.select %gt3A_121, %get3A_119, %mul3A_124 : vector<1024x16xi1>, vector<1024x16xf32>
      %exp3A = math.exp %select_n3A_125 : vector<1024x16xf32>
      %jit3A_126 = arith.constant 0.000000e+00 : f32
      %broadcast_in_dim3A_127 = vector.shape_cast %and3A_116 : vector<1024x1xi1> to vector<1024x1xi1>
      %broadcast_in_dim3A_128 = vector.broadcast %broadcast_in_dim3A_127 : vector<1024x1xi1> to vector<1024x16xi1>
      %broadcast_in_dim3A_129 = vector.broadcast %jit3A_126 : f32 to vector<1024x16xf32>
      %select_n3A_130 = arith.select %broadcast_in_dim3A_128, %exp3A, %broadcast_in_dim3A_129 : vector<1024x16xi1>, vector<1024x16xf32>
      %eq3A = vector.broadcast %sub3A_111 : vector<1024x1xi32> to vector<1024x256xi32>
      %eq3A_131 = arith.cmpi eq, %eq3A, %iota3A : vector<1024x256xi32>
      %get3A_132 = arith.constant 0 : index
      %get3A_133 = arith.constant 0 : index
      %get3A_134 = vector.load %arg6[%get3A_132, %get3A_133] : memref<1024x800xf32, #tpu.memory_space<vmem>>, vector<1024x800xf32>
      %slice3A = vector.extract_strided_slice %select_n3A_130 {offsets = [0, 0], sizes = [1024, 1], strides = [1, 1]} : vector<1024x16xf32> to vector<1024x1xf32>
      %jit3A_135 = arith.constant 0.000000e+00 : f32
      %broadcast_in_dim3A_136 = vector.shape_cast %slice3A : vector<1024x1xf32> to vector<1024x1xf32>
      %broadcast_in_dim3A_137 = vector.broadcast %broadcast_in_dim3A_136 : vector<1024x1xf32> to vector<1024x256xf32>
      %broadcast_in_dim3A_138 = vector.broadcast %jit3A_135 : f32 to vector<1024x256xf32>
      %select_n3A_139 = arith.select %eq3A_131, %broadcast_in_dim3A_137, %broadcast_in_dim3A_138 : vector<1024x256xi1>, vector<1024x256xf32>
      %slice3A_140 = vector.extract_strided_slice %get3A_134 {offsets = [0, 0], sizes = [1024, 80], strides = [1, 1]} : vector<1024x800xf32> to vector<1024x80xf32>
      %dot_general3A = arith.constant dense<0.000000e+00> : vector<256x80xf32>
      %dot_general3A_141 = tpu.matmul %select_n3A_139, %slice3A_140, %dot_general3A {dimension_numbers = #tpu.dot_dimension_numbers<[0], [0], [1], [1], [0, 1, 1, 1], [], []>, transpose_lhs_hint = false} : vector<1024x256xf32>, vector<1024x80xf32>, vector<256x80xf32> -> vector<256x80xf32>
      %add3A_142 = arith.addf %while3A_84, %dot_general3A_141 : vector<256x80xf32>
      %slice3A_143 = vector.extract_strided_slice %select_n3A_130 {offsets = [0, 1], sizes = [1024, 1], strides = [1, 1]} : vector<1024x16xf32> to vector<1024x1xf32>
      %jit3A_144 = arith.constant 0.000000e+00 : f32
      %broadcast_in_dim3A_145 = vector.shape_cast %slice3A_143 : vector<1024x1xf32> to vector<1024x1xf32>
      %broadcast_in_dim3A_146 = vector.broadcast %broadcast_in_dim3A_145 : vector<1024x1xf32> to vector<1024x256xf32>
      %broadcast_in_dim3A_147 = vector.broadcast %jit3A_144 : f32 to vector<1024x256xf32>
      %select_n3A_148 = arith.select %eq3A_131, %broadcast_in_dim3A_146, %broadcast_in_dim3A_147 : vector<1024x256xi1>, vector<1024x256xf32>
      %slice3A_149 = vector.extract_strided_slice %get3A_134 {offsets = [0, 80], sizes = [1024, 80], strides = [1, 1]} : vector<1024x800xf32> to vector<1024x80xf32>
      %dot_general3A_150 = arith.constant dense<0.000000e+00> : vector<256x80xf32>
      %dot_general3A_151 = tpu.matmul %select_n3A_148, %slice3A_149, %dot_general3A_150 {dimension_numbers = #tpu.dot_dimension_numbers<[0], [0], [1], [1], [0, 1, 1, 1], [], []>, transpose_lhs_hint = false} : vector<1024x256xf32>, vector<1024x80xf32>, vector<256x80xf32> -> vector<256x80xf32>
      %add3A_152 = arith.addf %while3A_85, %dot_general3A_151 : vector<256x80xf32>
      %slice3A_153 = vector.extract_strided_slice %select_n3A_130 {offsets = [0, 2], sizes = [1024, 1], strides = [1, 1]} : vector<1024x16xf32> to vector<1024x1xf32>
      %jit3A_154 = arith.constant 0.000000e+00 : f32
      %broadcast_in_dim3A_155 = vector.shape_cast %slice3A_153 : vector<1024x1xf32> to vector<1024x1xf32>
      %broadcast_in_dim3A_156 = vector.broadcast %broadcast_in_dim3A_155 : vector<1024x1xf32> to vector<1024x256xf32>
      %broadcast_in_dim3A_157 = vector.broadcast %jit3A_154 : f32 to vector<1024x256xf32>
      %select_n3A_158 = arith.select %eq3A_131, %broadcast_in_dim3A_156, %broadcast_in_dim3A_157 : vector<1024x256xi1>, vector<1024x256xf32>
      %slice3A_159 = vector.extract_strided_slice %get3A_134 {offsets = [0, 160], sizes = [1024, 80], strides = [1, 1]} : vector<1024x800xf32> to vector<1024x80xf32>
      %dot_general3A_160 = arith.constant dense<0.000000e+00> : vector<256x80xf32>
      %dot_general3A_161 = tpu.matmul %select_n3A_158, %slice3A_159, %dot_general3A_160 {dimension_numbers = #tpu.dot_dimension_numbers<[0], [0], [1], [1], [0, 1, 1, 1], [], []>, transpose_lhs_hint = false} : vector<1024x256xf32>, vector<1024x80xf32>, vector<256x80xf32> -> vector<256x80xf32>
      %add3A_162 = arith.addf %while3A_86, %dot_general3A_161 : vector<256x80xf32>
      %slice3A_163 = vector.extract_strided_slice %select_n3A_130 {offsets = [0, 3], sizes = [1024, 1], strides = [1, 1]} : vector<1024x16xf32> to vector<1024x1xf32>
      %jit3A_164 = arith.constant 0.000000e+00 : f32
      %broadcast_in_dim3A_165 = vector.shape_cast %slice3A_163 : vector<1024x1xf32> to vector<1024x1xf32>
      %broadcast_in_dim3A_166 = vector.broadcast %broadcast_in_dim3A_165 : vector<1024x1xf32> to vector<1024x256xf32>
      %broadcast_in_dim3A_167 = vector.broadcast %jit3A_164 : f32 to vector<1024x256xf32>
      %select_n3A_168 = arith.select %eq3A_131, %broadcast_in_dim3A_166, %broadcast_in_dim3A_167 : vector<1024x256xi1>, vector<1024x256xf32>
      %slice3A_169 = vector.extract_strided_slice %get3A_134 {offsets = [0, 240], sizes = [1024, 80], strides = [1, 1]} : vector<1024x800xf32> to vector<1024x80xf32>
      %dot_general3A_170 = arith.constant dense<0.000000e+00> : vector<256x80xf32>
      %dot_general3A_171 = tpu.matmul %select_n3A_168, %slice3A_169, %dot_general3A_170 {dimension_numbers = #tpu.dot_dimension_numbers<[0], [0], [1], [1], [0, 1, 1, 1], [], []>, transpose_lhs_hint = false} : vector<1024x256xf32>, vector<1024x80xf32>, vector<256x80xf32> -> vector<256x80xf32>
      %add3A_172 = arith.addf %while3A_87, %dot_general3A_171 : vector<256x80xf32>
      %slice3A_173 = vector.extract_strided_slice %select_n3A_130 {offsets = [0, 4], sizes = [1024, 1], strides = [1, 1]} : vector<1024x16xf32> to vector<1024x1xf32>
      %jit3A_174 = arith.constant 0.000000e+00 : f32
      %broadcast_in_dim3A_175 = vector.shape_cast %slice3A_173 : vector<1024x1xf32> to vector<1024x1xf32>
      %broadcast_in_dim3A_176 = vector.broadcast %broadcast_in_dim3A_175 : vector<1024x1xf32> to vector<1024x256xf32>
      %broadcast_in_dim3A_177 = vector.broadcast %jit3A_174 : f32 to vector<1024x256xf32>
      %select_n3A_178 = arith.select %eq3A_131, %broadcast_in_dim3A_176, %broadcast_in_dim3A_177 : vector<1024x256xi1>, vector<1024x256xf32>
      %slice3A_179 = vector.extract_strided_slice %get3A_134 {offsets = [0, 320], sizes = [1024, 80], strides = [1, 1]} : vector<1024x800xf32> to vector<1024x80xf32>
      %dot_general3A_180 = arith.constant dense<0.000000e+00> : vector<256x80xf32>
      %dot_general3A_181 = tpu.matmul %select_n3A_178, %slice3A_179, %dot_general3A_180 {dimension_numbers = #tpu.dot_dimension_numbers<[0], [0], [1], [1], [0, 1, 1, 1], [], []>, transpose_lhs_hint = false} : vector<1024x256xf32>, vector<1024x80xf32>, vector<256x80xf32> -> vector<256x80xf32>
      %add3A_182 = arith.addf %while3A_88, %dot_general3A_181 : vector<256x80xf32>
      %slice3A_183 = vector.extract_strided_slice %select_n3A_130 {offsets = [0, 5], sizes = [1024, 1], strides = [1, 1]} : vector<1024x16xf32> to vector<1024x1xf32>
      %jit3A_184 = arith.constant 0.000000e+00 : f32
      %broadcast_in_dim3A_185 = vector.shape_cast %slice3A_183 : vector<1024x1xf32> to vector<1024x1xf32>
      %broadcast_in_dim3A_186 = vector.broadcast %broadcast_in_dim3A_185 : vector<1024x1xf32> to vector<1024x256xf32>
      %broadcast_in_dim3A_187 = vector.broadcast %jit3A_184 : f32 to vector<1024x256xf32>
      %select_n3A_188 = arith.select %eq3A_131, %broadcast_in_dim3A_186, %broadcast_in_dim3A_187 : vector<1024x256xi1>, vector<1024x256xf32>
      %slice3A_189 = vector.extract_strided_slice %get3A_134 {offsets = [0, 400], sizes = [1024, 80], strides = [1, 1]} : vector<1024x800xf32> to vector<1024x80xf32>
      %dot_general3A_190 = arith.constant dense<0.000000e+00> : vector<256x80xf32>
      %dot_general3A_191 = tpu.matmul %select_n3A_188, %slice3A_189, %dot_general3A_190 {dimension_numbers = #tpu.dot_dimension_numbers<[0], [0], [1], [1], [0, 1, 1, 1], [], []>, transpose_lhs_hint = false} : vector<1024x256xf32>, vector<1024x80xf32>, vector<256x80xf32> -> vector<256x80xf32>
      %add3A_192 = arith.addf %while3A_89, %dot_general3A_191 : vector<256x80xf32>
      %slice3A_193 = vector.extract_strided_slice %select_n3A_130 {offsets = [0, 6], sizes = [1024, 1], strides = [1, 1]} : vector<1024x16xf32> to vector<1024x1xf32>
      %jit3A_194 = arith.constant 0.000000e+00 : f32
      %broadcast_in_dim3A_195 = vector.shape_cast %slice3A_193 : vector<1024x1xf32> to vector<1024x1xf32>
      %broadcast_in_dim3A_196 = vector.broadcast %broadcast_in_dim3A_195 : vector<1024x1xf32> to vector<1024x256xf32>
      %broadcast_in_dim3A_197 = vector.broadcast %jit3A_194 : f32 to vector<1024x256xf32>
      %select_n3A_198 = arith.select %eq3A_131, %broadcast_in_dim3A_196, %broadcast_in_dim3A_197 : vector<1024x256xi1>, vector<1024x256xf32>
      %slice3A_199 = vector.extract_strided_slice %get3A_134 {offsets = [0, 480], sizes = [1024, 80], strides = [1, 1]} : vector<1024x800xf32> to vector<1024x80xf32>
      %dot_general3A_200 = arith.constant dense<0.000000e+00> : vector<256x80xf32>
      %dot_general3A_201 = tpu.matmul %select_n3A_198, %slice3A_199, %dot_general3A_200 {dimension_numbers = #tpu.dot_dimension_numbers<[0], [0], [1], [1], [0, 1, 1, 1], [], []>, transpose_lhs_hint = false} : vector<1024x256xf32>, vector<1024x80xf32>, vector<256x80xf32> -> vector<256x80xf32>
      %add3A_202 = arith.addf %while3A_90, %dot_general3A_201 : vector<256x80xf32>
      %slice3A_203 = vector.extract_strided_slice %select_n3A_130 {offsets = [0, 7], sizes = [1024, 1], strides = [1, 1]} : vector<1024x16xf32> to vector<1024x1xf32>
      %jit3A_204 = arith.constant 0.000000e+00 : f32
      %broadcast_in_dim3A_205 = vector.shape_cast %slice3A_203 : vector<1024x1xf32> to vector<1024x1xf32>
      %broadcast_in_dim3A_206 = vector.broadcast %broadcast_in_dim3A_205 : vector<1024x1xf32> to vector<1024x256xf32>
      %broadcast_in_dim3A_207 = vector.broadcast %jit3A_204 : f32 to vector<1024x256xf32>
      %select_n3A_208 = arith.select %eq3A_131, %broadcast_in_dim3A_206, %broadcast_in_dim3A_207 : vector<1024x256xi1>, vector<1024x256xf32>
      %slice3A_209 = vector.extract_strided_slice %get3A_134 {offsets = [0, 560], sizes = [1024, 80], strides = [1, 1]} : vector<1024x800xf32> to vector<1024x80xf32>
      %dot_general3A_210 = arith.constant dense<0.000000e+00> : vector<256x80xf32>
      %dot_general3A_211 = tpu.matmul %select_n3A_208, %slice3A_209, %dot_general3A_210 {dimension_numbers = #tpu.dot_dimension_numbers<[0], [0], [1], [1], [0, 1, 1, 1], [], []>, transpose_lhs_hint = false} : vector<1024x256xf32>, vector<1024x80xf32>, vector<256x80xf32> -> vector<256x80xf32>
      %add3A_212 = arith.addf %while3A_91, %dot_general3A_211 : vector<256x80xf32>
      %slice3A_213 = vector.extract_strided_slice %select_n3A_130 {offsets = [0, 8], sizes = [1024, 1], strides = [1, 1]} : vector<1024x16xf32> to vector<1024x1xf32>
      %jit3A_214 = arith.constant 0.000000e+00 : f32
      %broadcast_in_dim3A_215 = vector.shape_cast %slice3A_213 : vector<1024x1xf32> to vector<1024x1xf32>
      %broadcast_in_dim3A_216 = vector.broadcast %broadcast_in_dim3A_215 : vector<1024x1xf32> to vector<1024x256xf32>
      %broadcast_in_dim3A_217 = vector.broadcast %jit3A_214 : f32 to vector<1024x256xf32>
      %select_n3A_218 = arith.select %eq3A_131, %broadcast_in_dim3A_216, %broadcast_in_dim3A_217 : vector<1024x256xi1>, vector<1024x256xf32>
      %slice3A_219 = vector.extract_strided_slice %get3A_134 {offsets = [0, 640], sizes = [1024, 80], strides = [1, 1]} : vector<1024x800xf32> to vector<1024x80xf32>
      %dot_general3A_220 = arith.constant dense<0.000000e+00> : vector<256x80xf32>
      %dot_general3A_221 = tpu.matmul %select_n3A_218, %slice3A_219, %dot_general3A_220 {dimension_numbers = #tpu.dot_dimension_numbers<[0], [0], [1], [1], [0, 1, 1, 1], [], []>, transpose_lhs_hint = false} : vector<1024x256xf32>, vector<1024x80xf32>, vector<256x80xf32> -> vector<256x80xf32>
      %add3A_222 = arith.addf %while3A_92, %dot_general3A_221 : vector<256x80xf32>
      %slice3A_223 = vector.extract_strided_slice %select_n3A_130 {offsets = [0, 9], sizes = [1024, 1], strides = [1, 1]} : vector<1024x16xf32> to vector<1024x1xf32>
      %jit3A_224 = arith.constant 0.000000e+00 : f32
      %broadcast_in_dim3A_225 = vector.shape_cast %slice3A_223 : vector<1024x1xf32> to vector<1024x1xf32>
      %broadcast_in_dim3A_226 = vector.broadcast %broadcast_in_dim3A_225 : vector<1024x1xf32> to vector<1024x256xf32>
      %broadcast_in_dim3A_227 = vector.broadcast %jit3A_224 : f32 to vector<1024x256xf32>
      %select_n3A_228 = arith.select %eq3A_131, %broadcast_in_dim3A_226, %broadcast_in_dim3A_227 : vector<1024x256xi1>, vector<1024x256xf32>
      %slice3A_229 = vector.extract_strided_slice %get3A_134 {offsets = [0, 720], sizes = [1024, 80], strides = [1, 1]} : vector<1024x800xf32> to vector<1024x80xf32>
      %dot_general3A_230 = arith.constant dense<0.000000e+00> : vector<256x80xf32>
      %dot_general3A_231 = tpu.matmul %select_n3A_228, %slice3A_229, %dot_general3A_230 {dimension_numbers = #tpu.dot_dimension_numbers<[0], [0], [1], [1], [0, 1, 1, 1], [], []>, transpose_lhs_hint = false} : vector<1024x256xf32>, vector<1024x80xf32>, vector<256x80xf32> -> vector<256x80xf32>
      %add3A_232 = arith.addf %while3A_93, %dot_general3A_231 : vector<256x80xf32>
      scf.yield %add3A_142, %add3A_152, %add3A_162, %add3A_172, %add3A_182, %add3A_192, %add3A_202, %add3A_212, %add3A_222, %add3A_232 : vector<256x80xf32>, vector<256x80xf32>, vector<256x80xf32>, vector<256x80xf32>, vector<256x80xf32>, vector<256x80xf32>, vector<256x80xf32>, vector<256x80xf32>, vector<256x80xf32>, vector<256x80xf32>
    }
    %while3A_79 = arith.constant 1 : i32
    %while3A_80:10 = scf.for %while3A_83 = %while3A_76 to %while3A_72 step %while3A_79 iter_args(%while3A_84 = %while3A_78#0, %while3A_85 = %while3A_78#1, %while3A_86 = %while3A_78#2, %while3A_87 = %while3A_78#3, %while3A_88 = %while3A_78#4, %while3A_89 = %while3A_78#5, %while3A_90 = %while3A_78#6, %while3A_91 = %while3A_78#7, %while3A_92 = %while3A_78#8, %while3A_93 = %while3A_78#9) -> (vector<256x80xf32>, vector<256x80xf32>, vector<256x80xf32>, vector<256x80xf32>, vector<256x80xf32>, vector<256x80xf32>, vector<256x80xf32>, vector<256x80xf32>, vector<256x80xf32>, vector<256x80xf32>)  : i32 {
      %mul3A_94 = arith.constant 1024 : i32
      %mul3A_95 = arith.muli %while3A_83, %mul3A_94 : i32
      %add3A_96 = arith.addi %mul3A_22, %mul3A_95 : i32
      %dma_start3A = arith.constant 0 : i32
      %dma_start3A_97 = tpu.memref_slice %arg2[%add3A_96, %dma_start3A] : memref<851968x800xf32, #tpu.memory_space<any>> -> memref<1024x800xf32, #tpu.memory_space<any>>
      tpu.enqueue_dma source(%dma_start3A_97 : memref<1024x800xf32, #tpu.memory_space<any>>) target(%arg6 : memref<1024x800xf32, #tpu.memory_space<vmem>>) target_semaphore(%arg9 : memref<!tpu.dma_semaphore, #tpu.memory_space<semaphore_mem>>)
      %dma_start3A_98 = arith.constant 0 : i32
      %dma_start3A_99 = tpu.memref_slice %arg3[%add3A_96, %dma_start3A_98] : memref<851968x16xf32, #tpu.memory_space<any>> -> memref<1024x16xf32, #tpu.memory_space<any>>
      tpu.enqueue_dma source(%dma_start3A_99 : memref<1024x16xf32, #tpu.memory_space<any>>) target(%arg7 : memref<1024x16xf32, #tpu.memory_space<vmem>>) target_semaphore(%arg10 : memref<!tpu.dma_semaphore, #tpu.memory_space<semaphore_mem>>)
      %dma_start3A_100 = arith.constant 0 : i32
      %dma_start3A_101 = tpu.memref_slice %arg4[%add3A_96, %dma_start3A_100] : memref<851968x1xi32, #tpu.memory_space<any>> -> memref<1024x1xi32, #tpu.memory_space<any>>
      tpu.enqueue_dma source(%dma_start3A_101 : memref<1024x1xi32, #tpu.memory_space<any>>) target(%arg8 : memref<1024x1xi32, #tpu.memory_space<vmem>>) target_semaphore(%arg11 : memref<!tpu.dma_semaphore, #tpu.memory_space<semaphore_mem>>)
      %dma_wait3A = arith.constant 0 : i32
      %dma_wait3A_102 = tpu.memref_slice %arg2[%add3A_96, %dma_wait3A] : memref<851968x800xf32, #tpu.memory_space<any>> -> memref<1024x800xf32, #tpu.memory_space<any>>
      tpu.wait_dma2 semaphore(%arg9 : memref<!tpu.dma_semaphore, #tpu.memory_space<semaphore_mem>>) src(%dma_wait3A_102 : memref<1024x800xf32, #tpu.memory_space<any>>) dst(%arg6 : memref<1024x800xf32, #tpu.memory_space<vmem>>)
      %dma_wait3A_103 = arith.constant 0 : i32
      %dma_wait3A_104 = tpu.memref_slice %arg3[%add3A_96, %dma_wait3A_103] : memref<851968x16xf32, #tpu.memory_space<any>> -> memref<1024x16xf32, #tpu.memory_space<any>>
      tpu.wait_dma2 semaphore(%arg10 : memref<!tpu.dma_semaphore, #tpu.memory_space<semaphore_mem>>) src(%dma_wait3A_104 : memref<1024x16xf32, #tpu.memory_space<any>>) dst(%arg7 : memref<1024x16xf32, #tpu.memory_space<vmem>>)
      %dma_wait3A_105 = arith.constant 0 : i32
      %dma_wait3A_106 = tpu.memref_slice %arg4[%add3A_96, %dma_wait3A_105] : memref<851968x1xi32, #tpu.memory_space<any>> -> memref<1024x1xi32, #tpu.memory_space<any>>
      tpu.wait_dma2 semaphore(%arg11 : memref<!tpu.dma_semaphore, #tpu.memory_space<semaphore_mem>>) src(%dma_wait3A_106 : memref<1024x1xi32, #tpu.memory_space<any>>) dst(%arg8 : memref<1024x1xi32, #tpu.memory_space<vmem>>)
      %get3A_107 = arith.constant 0 : index
      %get3A_108 = arith.constant 0 : index
      %get3A_109 = vector.load %arg8[%get3A_107, %get3A_108] : memref<1024x1xi32, #tpu.memory_space<vmem>>, vector<1024x1xi32>
      %sub3A_110 = vector.broadcast %mul3A_0 : i32 to vector<1024x1xi32>
      %sub3A_111 = arith.subi %get3A_109, %sub3A_110 : vector<1024x1xi32>
      %ge3A = arith.constant 0 : i32
      %ge3A_112 = vector.broadcast %ge3A : i32 to vector<1024x1xi32>
      %ge3A_113 = arith.cmpi sge, %sub3A_111, %ge3A_112 : vector<1024x1xi32>
      %lt3A = arith.constant 256 : i32
      %lt3A_114 = vector.broadcast %lt3A : i32 to vector<1024x1xi32>
      %lt3A_115 = arith.cmpi slt, %sub3A_111, %lt3A_114 : vector<1024x1xi32>
      %and3A_116 = arith.andi %ge3A_113, %lt3A_115 : vector<1024x1xi1>
      %get3A_117 = arith.constant 0 : index
      %get3A_118 = arith.constant 0 : index
      %get3A_119 = vector.load %arg7[%get3A_117, %get3A_118] : memref<1024x16xf32, #tpu.memory_space<vmem>>, vector<1024x16xf32>
      %gt3A = arith.constant 0.000000e+00 : f32
      %gt3A_120 = vector.broadcast %gt3A : f32 to vector<1024x16xf32>
      %gt3A_121 = arith.cmpf ogt, %get3A_119, %gt3A_120 : vector<1024x16xf32>
      %mul3A_122 = arith.constant 2.000000e-01 : f32
      %mul3A_123 = vector.broadcast %mul3A_122 : f32 to vector<1024x16xf32>
      %mul3A_124 = arith.mulf %mul3A_123, %get3A_119 : vector<1024x16xf32>
      %select_n3A_125 = arith.select %gt3A_121, %get3A_119, %mul3A_124 : vector<1024x16xi1>, vector<1024x16xf32>
      %exp3A = math.exp %select_n3A_125 : vector<1024x16xf32>
      %jit3A_126 = arith.constant 0.000000e+00 : f32
      %broadcast_in_dim3A_127 = vector.shape_cast %and3A_116 : vector<1024x1xi1> to vector<1024x1xi1>
      %broadcast_in_dim3A_128 = vector.broadcast %broadcast_in_dim3A_127 : vector<1024x1xi1> to vector<1024x16xi1>
      %broadcast_in_dim3A_129 = vector.broadcast %jit3A_126 : f32 to vector<1024x16xf32>
      %select_n3A_130 = arith.select %broadcast_in_dim3A_128, %exp3A, %broadcast_in_dim3A_129 : vector<1024x16xi1>, vector<1024x16xf32>
      %eq3A = vector.broadcast %sub3A_111 : vector<1024x1xi32> to vector<1024x256xi32>
      %eq3A_131 = arith.cmpi eq, %eq3A, %iota3A : vector<1024x256xi32>
      %get3A_132 = arith.constant 0 : index
      %get3A_133 = arith.constant 0 : index
      %get3A_134 = vector.load %arg6[%get3A_132, %get3A_133] : memref<1024x800xf32, #tpu.memory_space<vmem>>, vector<1024x800xf32>
      %slice3A = vector.extract_strided_slice %select_n3A_130 {offsets = [0, 0], sizes = [1024, 1], strides = [1, 1]} : vector<1024x16xf32> to vector<1024x1xf32>
      %jit3A_135 = arith.constant 0.000000e+00 : f32
      %broadcast_in_dim3A_136 = vector.shape_cast %slice3A : vector<1024x1xf32> to vector<1024x1xf32>
      %broadcast_in_dim3A_137 = vector.broadcast %broadcast_in_dim3A_136 : vector<1024x1xf32> to vector<1024x256xf32>
      %broadcast_in_dim3A_138 = vector.broadcast %jit3A_135 : f32 to vector<1024x256xf32>
      %select_n3A_139 = arith.select %eq3A_131, %broadcast_in_dim3A_137, %broadcast_in_dim3A_138 : vector<1024x256xi1>, vector<1024x256xf32>
      %slice3A_140 = vector.extract_strided_slice %get3A_134 {offsets = [0, 0], sizes = [1024, 80], strides = [1, 1]} : vector<1024x800xf32> to vector<1024x80xf32>
      %dot_general3A = arith.constant dense<0.000000e+00> : vector<256x80xf32>
      %dot_general3A_141 = tpu.matmul %select_n3A_139, %slice3A_140, %dot_general3A {dimension_numbers = #tpu.dot_dimension_numbers<[0], [0], [1], [1], [0, 1, 1, 1], [], []>, transpose_lhs_hint = false} : vector<1024x256xf32>, vector<1024x80xf32>, vector<256x80xf32> -> vector<256x80xf32>
      %add3A_142 = arith.addf %while3A_84, %dot_general3A_141 : vector<256x80xf32>
      %slice3A_143 = vector.extract_strided_slice %select_n3A_130 {offsets = [0, 1], sizes = [1024, 1], strides = [1, 1]} : vector<1024x16xf32> to vector<1024x1xf32>
      %jit3A_144 = arith.constant 0.000000e+00 : f32
      %broadcast_in_dim3A_145 = vector.shape_cast %slice3A_143 : vector<1024x1xf32> to vector<1024x1xf32>
      %broadcast_in_dim3A_146 = vector.broadcast %broadcast_in_dim3A_145 : vector<1024x1xf32> to vector<1024x256xf32>
      %broadcast_in_dim3A_147 = vector.broadcast %jit3A_144 : f32 to vector<1024x256xf32>
      %select_n3A_148 = arith.select %eq3A_131, %broadcast_in_dim3A_146, %broadcast_in_dim3A_147 : vector<1024x256xi1>, vector<1024x256xf32>
      %slice3A_149 = vector.extract_strided_slice %get3A_134 {offsets = [0, 80], sizes = [1024, 80], strides = [1, 1]} : vector<1024x800xf32> to vector<1024x80xf32>
      %dot_general3A_150 = arith.constant dense<0.000000e+00> : vector<256x80xf32>
      %dot_general3A_151 = tpu.matmul %select_n3A_148, %slice3A_149, %dot_general3A_150 {dimension_numbers = #tpu.dot_dimension_numbers<[0], [0], [1], [1], [0, 1, 1, 1], [], []>, transpose_lhs_hint = false} : vector<1024x256xf32>, vector<1024x80xf32>, vector<256x80xf32> -> vector<256x80xf32>
      %add3A_152 = arith.addf %while3A_85, %dot_general3A_151 : vector<256x80xf32>
      %slice3A_153 = vector.extract_strided_slice %select_n3A_130 {offsets = [0, 2], sizes = [1024, 1], strides = [1, 1]} : vector<1024x16xf32> to vector<1024x1xf32>
      %jit3A_154 = arith.constant 0.000000e+00 : f32
      %broadcast_in_dim3A_155 = vector.shape_cast %slice3A_153 : vector<1024x1xf32> to vector<1024x1xf32>
      %broadcast_in_dim3A_156 = vector.broadcast %broadcast_in_dim3A_155 : vector<1024x1xf32> to vector<1024x256xf32>
      %broadcast_in_dim3A_157 = vector.broadcast %jit3A_154 : f32 to vector<1024x256xf32>
      %select_n3A_158 = arith.select %eq3A_131, %broadcast_in_dim3A_156, %broadcast_in_dim3A_157 : vector<1024x256xi1>, vector<1024x256xf32>
      %slice3A_159 = vector.extract_strided_slice %get3A_134 {offsets = [0, 160], sizes = [1024, 80], strides = [1, 1]} : vector<1024x800xf32> to vector<1024x80xf32>
      %dot_general3A_160 = arith.constant dense<0.000000e+00> : vector<256x80xf32>
      %dot_general3A_161 = tpu.matmul %select_n3A_158, %slice3A_159, %dot_general3A_160 {dimension_numbers = #tpu.dot_dimension_numbers<[0], [0], [1], [1], [0, 1, 1, 1], [], []>, transpose_lhs_hint = false} : vector<1024x256xf32>, vector<1024x80xf32>, vector<256x80xf32> -> vector<256x80xf32>
      %add3A_162 = arith.addf %while3A_86, %dot_general3A_161 : vector<256x80xf32>
      %slice3A_163 = vector.extract_strided_slice %select_n3A_130 {offsets = [0, 3], sizes = [1024, 1], strides = [1, 1]} : vector<1024x16xf32> to vector<1024x1xf32>
      %jit3A_164 = arith.constant 0.000000e+00 : f32
      %broadcast_in_dim3A_165 = vector.shape_cast %slice3A_163 : vector<1024x1xf32> to vector<1024x1xf32>
      %broadcast_in_dim3A_166 = vector.broadcast %broadcast_in_dim3A_165 : vector<1024x1xf32> to vector<1024x256xf32>
      %broadcast_in_dim3A_167 = vector.broadcast %jit3A_164 : f32 to vector<1024x256xf32>
      %select_n3A_168 = arith.select %eq3A_131, %broadcast_in_dim3A_166, %broadcast_in_dim3A_167 : vector<1024x256xi1>, vector<1024x256xf32>
      %slice3A_169 = vector.extract_strided_slice %get3A_134 {offsets = [0, 240], sizes = [1024, 80], strides = [1, 1]} : vector<1024x800xf32> to vector<1024x80xf32>
      %dot_general3A_170 = arith.constant dense<0.000000e+00> : vector<256x80xf32>
      %dot_general3A_171 = tpu.matmul %select_n3A_168, %slice3A_169, %dot_general3A_170 {dimension_numbers = #tpu.dot_dimension_numbers<[0], [0], [1], [1], [0, 1, 1, 1], [], []>, transpose_lhs_hint = false} : vector<1024x256xf32>, vector<1024x80xf32>, vector<256x80xf32> -> vector<256x80xf32>
      %add3A_172 = arith.addf %while3A_87, %dot_general3A_171 : vector<256x80xf32>
      %slice3A_173 = vector.extract_strided_slice %select_n3A_130 {offsets = [0, 4], sizes = [1024, 1], strides = [1, 1]} : vector<1024x16xf32> to vector<1024x1xf32>
      %jit3A_174 = arith.constant 0.000000e+00 : f32
      %broadcast_in_dim3A_175 = vector.shape_cast %slice3A_173 : vector<1024x1xf32> to vector<1024x1xf32>
      %broadcast_in_dim3A_176 = vector.broadcast %broadcast_in_dim3A_175 : vector<1024x1xf32> to vector<1024x256xf32>
      %broadcast_in_dim3A_177 = vector.broadcast %jit3A_174 : f32 to vector<1024x256xf32>
      %select_n3A_178 = arith.select %eq3A_131, %broadcast_in_dim3A_176, %broadcast_in_dim3A_177 : vector<1024x256xi1>, vector<1024x256xf32>
      %slice3A_179 = vector.extract_strided_slice %get3A_134 {offsets = [0, 320], sizes = [1024, 80], strides = [1, 1]} : vector<1024x800xf32> to vector<1024x80xf32>
      %dot_general3A_180 = arith.constant dense<0.000000e+00> : vector<256x80xf32>
      %dot_general3A_181 = tpu.matmul %select_n3A_178, %slice3A_179, %dot_general3A_180 {dimension_numbers = #tpu.dot_dimension_numbers<[0], [0], [1], [1], [0, 1, 1, 1], [], []>, transpose_lhs_hint = false} : vector<1024x256xf32>, vector<1024x80xf32>, vector<256x80xf32> -> vector<256x80xf32>
      %add3A_182 = arith.addf %while3A_88, %dot_general3A_181 : vector<256x80xf32>
      %slice3A_183 = vector.extract_strided_slice %select_n3A_130 {offsets = [0, 5], sizes = [1024, 1], strides = [1, 1]} : vector<1024x16xf32> to vector<1024x1xf32>
      %jit3A_184 = arith.constant 0.000000e+00 : f32
      %broadcast_in_dim3A_185 = vector.shape_cast %slice3A_183 : vector<1024x1xf32> to vector<1024x1xf32>
      %broadcast_in_dim3A_186 = vector.broadcast %broadcast_in_dim3A_185 : vector<1024x1xf32> to vector<1024x256xf32>
      %broadcast_in_dim3A_187 = vector.broadcast %jit3A_184 : f32 to vector<1024x256xf32>
      %select_n3A_188 = arith.select %eq3A_131, %broadcast_in_dim3A_186, %broadcast_in_dim3A_187 : vector<1024x256xi1>, vector<1024x256xf32>
      %slice3A_189 = vector.extract_strided_slice %get3A_134 {offsets = [0, 400], sizes = [1024, 80], strides = [1, 1]} : vector<1024x800xf32> to vector<1024x80xf32>
      %dot_general3A_190 = arith.constant dense<0.000000e+00> : vector<256x80xf32>
      %dot_general3A_191 = tpu.matmul %select_n3A_188, %slice3A_189, %dot_general3A_190 {dimension_numbers = #tpu.dot_dimension_numbers<[0], [0], [1], [1], [0, 1, 1, 1], [], []>, transpose_lhs_hint = false} : vector<1024x256xf32>, vector<1024x80xf32>, vector<256x80xf32> -> vector<256x80xf32>
      %add3A_192 = arith.addf %while3A_89, %dot_general3A_191 : vector<256x80xf32>
      %slice3A_193 = vector.extract_strided_slice %select_n3A_130 {offsets = [0, 6], sizes = [1024, 1], strides = [1, 1]} : vector<1024x16xf32> to vector<1024x1xf32>
      %jit3A_194 = arith.constant 0.000000e+00 : f32
      %broadcast_in_dim3A_195 = vector.shape_cast %slice3A_193 : vector<1024x1xf32> to vector<1024x1xf32>
      %broadcast_in_dim3A_196 = vector.broadcast %broadcast_in_dim3A_195 : vector<1024x1xf32> to vector<1024x256xf32>
      %broadcast_in_dim3A_197 = vector.broadcast %jit3A_194 : f32 to vector<1024x256xf32>
      %select_n3A_198 = arith.select %eq3A_131, %broadcast_in_dim3A_196, %broadcast_in_dim3A_197 : vector<1024x256xi1>, vector<1024x256xf32>
      %slice3A_199 = vector.extract_strided_slice %get3A_134 {offsets = [0, 480], sizes = [1024, 80], strides = [1, 1]} : vector<1024x800xf32> to vector<1024x80xf32>
      %dot_general3A_200 = arith.constant dense<0.000000e+00> : vector<256x80xf32>
      %dot_general3A_201 = tpu.matmul %select_n3A_198, %slice3A_199, %dot_general3A_200 {dimension_numbers = #tpu.dot_dimension_numbers<[0], [0], [1], [1], [0, 1, 1, 1], [], []>, transpose_lhs_hint = false} : vector<1024x256xf32>, vector<1024x80xf32>, vector<256x80xf32> -> vector<256x80xf32>
      %add3A_202 = arith.addf %while3A_90, %dot_general3A_201 : vector<256x80xf32>
      %slice3A_203 = vector.extract_strided_slice %select_n3A_130 {offsets = [0, 7], sizes = [1024, 1], strides = [1, 1]} : vector<1024x16xf32> to vector<1024x1xf32>
      %jit3A_204 = arith.constant 0.000000e+00 : f32
      %broadcast_in_dim3A_205 = vector.shape_cast %slice3A_203 : vector<1024x1xf32> to vector<1024x1xf32>
      %broadcast_in_dim3A_206 = vector.broadcast %broadcast_in_dim3A_205 : vector<1024x1xf32> to vector<1024x256xf32>
      %broadcast_in_dim3A_207 = vector.broadcast %jit3A_204 : f32 to vector<1024x256xf32>
      %select_n3A_208 = arith.select %eq3A_131, %broadcast_in_dim3A_206, %broadcast_in_dim3A_207 : vector<1024x256xi1>, vector<1024x256xf32>
      %slice3A_209 = vector.extract_strided_slice %get3A_134 {offsets = [0, 560], sizes = [1024, 80], strides = [1, 1]} : vector<1024x800xf32> to vector<1024x80xf32>
      %dot_general3A_210 = arith.constant dense<0.000000e+00> : vector<256x80xf32>
      %dot_general3A_211 = tpu.matmul %select_n3A_208, %slice3A_209, %dot_general3A_210 {dimension_numbers = #tpu.dot_dimension_numbers<[0], [0], [1], [1], [0, 1, 1, 1], [], []>, transpose_lhs_hint = false} : vector<1024x256xf32>, vector<1024x80xf32>, vector<256x80xf32> -> vector<256x80xf32>
      %add3A_212 = arith.addf %while3A_91, %dot_general3A_211 : vector<256x80xf32>
      %slice3A_213 = vector.extract_strided_slice %select_n3A_130 {offsets = [0, 8], sizes = [1024, 1], strides = [1, 1]} : vector<1024x16xf32> to vector<1024x1xf32>
      %jit3A_214 = arith.constant 0.000000e+00 : f32
      %broadcast_in_dim3A_215 = vector.shape_cast %slice3A_213 : vector<1024x1xf32> to vector<1024x1xf32>
      %broadcast_in_dim3A_216 = vector.broadcast %broadcast_in_dim3A_215 : vector<1024x1xf32> to vector<1024x256xf32>
      %broadcast_in_dim3A_217 = vector.broadcast %jit3A_214 : f32 to vector<1024x256xf32>
      %select_n3A_218 = arith.select %eq3A_131, %broadcast_in_dim3A_216, %broadcast_in_dim3A_217 : vector<1024x256xi1>, vector<1024x256xf32>
      %slice3A_219 = vector.extract_strided_slice %get3A_134 {offsets = [0, 640], sizes = [1024, 80], strides = [1, 1]} : vector<1024x800xf32> to vector<1024x80xf32>
      %dot_general3A_220 = arith.constant dense<0.000000e+00> : vector<256x80xf32>
      %dot_general3A_221 = tpu.matmul %select_n3A_218, %slice3A_219, %dot_general3A_220 {dimension_numbers = #tpu.dot_dimension_numbers<[0], [0], [1], [1], [0, 1, 1, 1], [], []>, transpose_lhs_hint = false} : vector<1024x256xf32>, vector<1024x80xf32>, vector<256x80xf32> -> vector<256x80xf32>
      %add3A_222 = arith.addf %while3A_92, %dot_general3A_221 : vector<256x80xf32>
      %slice3A_223 = vector.extract_strided_slice %select_n3A_130 {offsets = [0, 9], sizes = [1024, 1], strides = [1, 1]} : vector<1024x16xf32> to vector<1024x1xf32>
      %jit3A_224 = arith.constant 0.000000e+00 : f32
      %broadcast_in_dim3A_225 = vector.shape_cast %slice3A_223 : vector<1024x1xf32> to vector<1024x1xf32>
      %broadcast_in_dim3A_226 = vector.broadcast %broadcast_in_dim3A_225 : vector<1024x1xf32> to vector<1024x256xf32>
      %broadcast_in_dim3A_227 = vector.broadcast %jit3A_224 : f32 to vector<1024x256xf32>
      %select_n3A_228 = arith.select %eq3A_131, %broadcast_in_dim3A_226, %broadcast_in_dim3A_227 : vector<1024x256xi1>, vector<1024x256xf32>
      %slice3A_229 = vector.extract_strided_slice %get3A_134 {offsets = [0, 720], sizes = [1024, 80], strides = [1, 1]} : vector<1024x800xf32> to vector<1024x80xf32>
      %dot_general3A_230 = arith.constant dense<0.000000e+00> : vector<256x80xf32>
      %dot_general3A_231 = tpu.matmul %select_n3A_228, %slice3A_229, %dot_general3A_230 {dimension_numbers = #tpu.dot_dimension_numbers<[0], [0], [1], [1], [0, 1, 1, 1], [], []>, transpose_lhs_hint = false} : vector<1024x256xf32>, vector<1024x80xf32>, vector<256x80xf32> -> vector<256x80xf32>
      %add3A_232 = arith.addf %while3A_93, %dot_general3A_231 : vector<256x80xf32>
      scf.yield %add3A_142, %add3A_152, %add3A_162, %add3A_172, %add3A_182, %add3A_192, %add3A_202, %add3A_212, %add3A_222, %add3A_232 : vector<256x80xf32>, vector<256x80xf32>, vector<256x80xf32>, vector<256x80xf32>, vector<256x80xf32>, vector<256x80xf32>, vector<256x80xf32>, vector<256x80xf32>, vector<256x80xf32>, vector<256x80xf32>
    }
    %concatenate3A = tpu.concatenate %while3A_80#0, %while3A_80#1, %while3A_80#2, %while3A_80#3, %while3A_80#4, %while3A_80#5, %while3A_80#6, %while3A_80#7, %while3A_80#8, %while3A_80#9 in 1 : vector<256x80xf32>, vector<256x80xf32>, vector<256x80xf32>, vector<256x80xf32>, vector<256x80xf32>, vector<256x80xf32>, vector<256x80xf32>, vector<256x80xf32>, vector<256x80xf32>, vector<256x80xf32> -> vector<256x800xf32>
    %swap3A = arith.constant 0 : index
    %swap3A_81 = arith.constant 0 : index
    %swap3A_82 = vector.load %arg5[%swap3A, %swap3A_81] : memref<256x800xf32, #tpu.memory_space<vmem>>, vector<256x800xf32>
    tpu.vector_store %arg5[%swap3A, %swap3A_81], %concatenate3A {strides = array<i32>} : memref<256x800xf32, #tpu.memory_space<vmem>>, vector<256x800xf32>,
    return
  }
  func.func @transform_0(%arg0: i32) -> i32 {
    %c0_i32 = arith.constant 0 : i32
    %c0_i32_0 = arith.constant 0 : i32
    return %c0_i32 : i32
  }
  func.func @transform_4(%arg0: i32) -> (i32, i32) {
    %c0_i32 = arith.constant 0 : i32
    %c0_i32_0 = arith.constant 0 : i32
    return %arg0, %c0_i32 : i32, i32
  }
}

module attributes {stable_mosaic.version = 14 : i64} {
  func.func @_segsum_kernel(%arg0: i32, %arg1: memref<197xi32, #tpu.memory_space<smem>>, %arg2: memref<851968x144xf32, #tpu.memory_space<any>>, %arg3: memref<851968x16xf32, #tpu.memory_space<any>>, %arg4: memref<851968x1xi32, #tpu.memory_space<any>>, %arg5: memref<256x144xf32, #tpu.memory_space<vmem>>, %arg6: memref<1024x144xf32, #tpu.memory_space<vmem>>, %arg7: memref<1024x16xf32, #tpu.memory_space<vmem>>, %arg8: memref<1024x1xi32, #tpu.memory_space<vmem>>, %arg9: memref<!tpu.dma_semaphore, #tpu.memory_space<semaphore_mem>>, %arg10: memref<!tpu.dma_semaphore, #tpu.memory_space<semaphore_mem>>, %arg11: memref<!tpu.dma_semaphore, #tpu.memory_space<semaphore_mem>>) attributes {dimension_semantics = [#tpu.dimension_semantics<parallel>], iteration_bounds = array<i64: 196>, scalar_prefetch = 0 : i64, scratch_operands = 6 : i64, tpu.core_type = #tpu.core_type<tc>, window_params = [{transform_indices = @transform_0, window_bounds = array<i64: 197>}, {}, {}, {}, {transform_indices = @transform_4, window_bounds = array<i64: 256, 144>}]} {
    %mul3A = arith.constant 256 : i32
    %mul3A_0 = arith.muli %arg0, %mul3A : i32
    %get3A = arith.index_cast %arg0 : i32 to index
    %get3A_1 = memref.load %arg1[%get3A] : memref<197xi32, #tpu.memory_space<smem>>
    %add3A = arith.constant 1 : i32
    %add3A_2 = arith.addi %arg0, %add3A : i32
    %get3A_3 = arith.index_cast %add3A_2 : i32 to index
    %get3A_4 = memref.load %arg1[%get3A_3] : memref<197xi32, #tpu.memory_space<smem>>
    %jit3A = arith.constant 1024 : i32
    %div3A = arith.divsi %get3A_1, %jit3A : i32
    %sign3A = arith.constant 0 : i32
    %sign3A_5 = arith.cmpi sgt, %get3A_1, %sign3A : i32
    %sign3A_6 = arith.extui %sign3A_5 : i1 to i32
    %sign3A_7 = arith.constant 0 : i32
    %sign3A_8 = arith.cmpi slt, %get3A_1, %sign3A_7 : i32
    %sign3A_9 = arith.extui %sign3A_8 : i1 to i32
    %sign3A_10 = arith.subi %sign3A_6, %sign3A_9 : i32
    %sign3A_11 = arith.constant 0 : i32
    %sign3A_12 = arith.cmpi sgt, %jit3A, %sign3A_11 : i32
    %sign3A_13 = arith.extui %sign3A_12 : i1 to i32
    %sign3A_14 = arith.constant 0 : i32
    %sign3A_15 = arith.cmpi slt, %jit3A, %sign3A_14 : i32
    %sign3A_16 = arith.extui %sign3A_15 : i1 to i32
    %sign3A_17 = arith.subi %sign3A_13, %sign3A_16 : i32
    %ne3A = arith.cmpi ne, %sign3A_10, %sign3A_17 : i32
    %rem3A = arith.remsi %get3A_1, %jit3A : i32
    %ne3A_18 = arith.constant 0 : i32
    %ne3A_19 = arith.cmpi ne, %rem3A, %ne3A_18 : i32
    %and3A = arith.andi %ne3A, %ne3A_19 : i1
    %sub3A = arith.constant 1 : i32
    %sub3A_20 = arith.subi %div3A, %sub3A : i32
    %select_n3A = arith.select %and3A, %sub3A_20, %div3A : i32
    %mul3A_21 = arith.constant 1024 : i32
    %mul3A_22 = arith.muli %select_n3A, %mul3A_21 : i32
    %sub3A_23 = arith.subi %get3A_4, %mul3A_22 : i32
    %add3A_24 = arith.constant 1024 : i32
    %add3A_25 = arith.addi %sub3A_23, %add3A_24 : i32
    %sub3A_26 = arith.constant 1 : i32
    %sub3A_27 = arith.subi %add3A_25, %sub3A_26 : i32
    %jit3A_28 = arith.constant 1024 : i32
    %div3A_29 = arith.divsi %sub3A_27, %jit3A_28 : i32
    %sign3A_30 = arith.constant 0 : i32
    %sign3A_31 = arith.cmpi sgt, %sub3A_27, %sign3A_30 : i32
    %sign3A_32 = arith.extui %sign3A_31 : i1 to i32
    %sign3A_33 = arith.constant 0 : i32
    %sign3A_34 = arith.cmpi slt, %sub3A_27, %sign3A_33 : i32
    %sign3A_35 = arith.extui %sign3A_34 : i1 to i32
    %sign3A_36 = arith.subi %sign3A_32, %sign3A_35 : i32
    %sign3A_37 = arith.constant 0 : i32
    %sign3A_38 = arith.cmpi sgt, %jit3A_28, %sign3A_37 : i32
    %sign3A_39 = arith.extui %sign3A_38 : i1 to i32
    %sign3A_40 = arith.constant 0 : i32
    %sign3A_41 = arith.cmpi slt, %jit3A_28, %sign3A_40 : i32
    %sign3A_42 = arith.extui %sign3A_41 : i1 to i32
    %sign3A_43 = arith.subi %sign3A_39, %sign3A_42 : i32
    %ne3A_44 = arith.cmpi ne, %sign3A_36, %sign3A_43 : i32
    %rem3A_45 = arith.remsi %sub3A_27, %jit3A_28 : i32
    %ne3A_46 = arith.constant 0 : i32
    %ne3A_47 = arith.cmpi ne, %rem3A_45, %ne3A_46 : i32
    %and3A_48 = arith.andi %ne3A_44, %ne3A_47 : i1
    %sub3A_49 = arith.constant 1 : i32
    %sub3A_50 = arith.subi %div3A_29, %sub3A_49 : i32
    %select_n3A_51 = arith.select %and3A_48, %sub3A_50, %div3A_29 : i32
    %broadcast_in_dim3A = arith.constant 0.000000e+00 : f32
    %broadcast_in_dim3A_52 = vector.broadcast %broadcast_in_dim3A : f32 to vector<256x144xf32>
    %iota3A = tpu.iota {dimensions = array<i32: 1>} : vector<1024x256xi32>
    %while3A = arith.constant 0 : i32
    %while3A_53 = arith.subi %select_n3A_51, %while3A : i32
    %while3A_54 = arith.addi %while3A, %while3A_53 : i32
    %while3A_55 = arith.constant 1 : i32
    %while3A_56 = arith.divsi %while3A_53, %while3A_55 : i32
    %while3A_57 = arith.muli %while3A_56, %while3A_55 : i32
    %while3A_58 = arith.addi %while3A, %while3A_57 : i32
    %while3A_59 = arith.constant 1 : i32
    %while3A_60 = scf.for %while3A_65 = %while3A to %while3A_58 step %while3A_59 iter_args(%while3A_66 = %broadcast_in_dim3A_52) -> (vector<256x144xf32>)  : i32 {
      %mul3A_67 = arith.constant 1024 : i32
      %mul3A_68 = arith.muli %while3A_65, %mul3A_67 : i32
      %add3A_69 = arith.addi %mul3A_22, %mul3A_68 : i32
      %dma_start3A = arith.constant 0 : i32
      %dma_start3A_70 = tpu.memref_slice %arg2[%add3A_69, %dma_start3A] : memref<851968x144xf32, #tpu.memory_space<any>> -> memref<1024x144xf32, #tpu.memory_space<any>>
      tpu.enqueue_dma source(%dma_start3A_70 : memref<1024x144xf32, #tpu.memory_space<any>>) target(%arg6 : memref<1024x144xf32, #tpu.memory_space<vmem>>) target_semaphore(%arg9 : memref<!tpu.dma_semaphore, #tpu.memory_space<semaphore_mem>>)
      %dma_start3A_71 = arith.constant 0 : i32
      %dma_start3A_72 = tpu.memref_slice %arg3[%add3A_69, %dma_start3A_71] : memref<851968x16xf32, #tpu.memory_space<any>> -> memref<1024x16xf32, #tpu.memory_space<any>>
      tpu.enqueue_dma source(%dma_start3A_72 : memref<1024x16xf32, #tpu.memory_space<any>>) target(%arg7 : memref<1024x16xf32, #tpu.memory_space<vmem>>) target_semaphore(%arg10 : memref<!tpu.dma_semaphore, #tpu.memory_space<semaphore_mem>>)
      %dma_start3A_73 = arith.constant 0 : i32
      %dma_start3A_74 = tpu.memref_slice %arg4[%add3A_69, %dma_start3A_73] : memref<851968x1xi32, #tpu.memory_space<any>> -> memref<1024x1xi32, #tpu.memory_space<any>>
      tpu.enqueue_dma source(%dma_start3A_74 : memref<1024x1xi32, #tpu.memory_space<any>>) target(%arg8 : memref<1024x1xi32, #tpu.memory_space<vmem>>) target_semaphore(%arg11 : memref<!tpu.dma_semaphore, #tpu.memory_space<semaphore_mem>>)
      %dma_wait3A = arith.constant 0 : i32
      %dma_wait3A_75 = tpu.memref_slice %arg2[%add3A_69, %dma_wait3A] : memref<851968x144xf32, #tpu.memory_space<any>> -> memref<1024x144xf32, #tpu.memory_space<any>>
      tpu.wait_dma2 semaphore(%arg9 : memref<!tpu.dma_semaphore, #tpu.memory_space<semaphore_mem>>) src(%dma_wait3A_75 : memref<1024x144xf32, #tpu.memory_space<any>>) dst(%arg6 : memref<1024x144xf32, #tpu.memory_space<vmem>>)
      %dma_wait3A_76 = arith.constant 0 : i32
      %dma_wait3A_77 = tpu.memref_slice %arg3[%add3A_69, %dma_wait3A_76] : memref<851968x16xf32, #tpu.memory_space<any>> -> memref<1024x16xf32, #tpu.memory_space<any>>
      tpu.wait_dma2 semaphore(%arg10 : memref<!tpu.dma_semaphore, #tpu.memory_space<semaphore_mem>>) src(%dma_wait3A_77 : memref<1024x16xf32, #tpu.memory_space<any>>) dst(%arg7 : memref<1024x16xf32, #tpu.memory_space<vmem>>)
      %dma_wait3A_78 = arith.constant 0 : i32
      %dma_wait3A_79 = tpu.memref_slice %arg4[%add3A_69, %dma_wait3A_78] : memref<851968x1xi32, #tpu.memory_space<any>> -> memref<1024x1xi32, #tpu.memory_space<any>>
      tpu.wait_dma2 semaphore(%arg11 : memref<!tpu.dma_semaphore, #tpu.memory_space<semaphore_mem>>) src(%dma_wait3A_79 : memref<1024x1xi32, #tpu.memory_space<any>>) dst(%arg8 : memref<1024x1xi32, #tpu.memory_space<vmem>>)
      %get3A_80 = arith.constant 0 : index
      %get3A_81 = arith.constant 0 : index
      %get3A_82 = vector.load %arg8[%get3A_80, %get3A_81] : memref<1024x1xi32, #tpu.memory_space<vmem>>, vector<1024x1xi32>
      %sub3A_83 = vector.broadcast %mul3A_0 : i32 to vector<1024x1xi32>
      %sub3A_84 = arith.subi %get3A_82, %sub3A_83 : vector<1024x1xi32>
      %ge3A = arith.constant 0 : i32
      %ge3A_85 = vector.broadcast %ge3A : i32 to vector<1024x1xi32>
      %ge3A_86 = arith.cmpi sge, %sub3A_84, %ge3A_85 : vector<1024x1xi32>
      %lt3A = arith.constant 256 : i32
      %lt3A_87 = vector.broadcast %lt3A : i32 to vector<1024x1xi32>
      %lt3A_88 = arith.cmpi slt, %sub3A_84, %lt3A_87 : vector<1024x1xi32>
      %and3A_89 = arith.andi %ge3A_86, %lt3A_88 : vector<1024x1xi1>
      %get3A_90 = arith.constant 0 : index
      %get3A_91 = arith.constant 0 : index
      %get3A_92 = vector.load %arg7[%get3A_90, %get3A_91] : memref<1024x16xf32, #tpu.memory_space<vmem>>, vector<1024x16xf32>
      %gt3A = arith.constant 0.000000e+00 : f32
      %gt3A_93 = vector.broadcast %gt3A : f32 to vector<1024x16xf32>
      %gt3A_94 = arith.cmpf ogt, %get3A_92, %gt3A_93 : vector<1024x16xf32>
      %mul3A_95 = arith.constant 2.000000e-01 : f32
      %mul3A_96 = vector.broadcast %mul3A_95 : f32 to vector<1024x16xf32>
      %mul3A_97 = arith.mulf %mul3A_96, %get3A_92 : vector<1024x16xf32>
      %select_n3A_98 = arith.select %gt3A_94, %get3A_92, %mul3A_97 : vector<1024x16xi1>, vector<1024x16xf32>
      %exp3A = math.exp %select_n3A_98 : vector<1024x16xf32>
      %jit3A_99 = arith.constant 0.000000e+00 : f32
      %broadcast_in_dim3A_100 = vector.shape_cast %and3A_89 : vector<1024x1xi1> to vector<1024x1xi1>
      %broadcast_in_dim3A_101 = vector.broadcast %broadcast_in_dim3A_100 : vector<1024x1xi1> to vector<1024x16xi1>
      %broadcast_in_dim3A_102 = vector.broadcast %jit3A_99 : f32 to vector<1024x16xf32>
      %select_n3A_103 = arith.select %broadcast_in_dim3A_101, %exp3A, %broadcast_in_dim3A_102 : vector<1024x16xi1>, vector<1024x16xf32>
      %eq3A = vector.broadcast %sub3A_84 : vector<1024x1xi32> to vector<1024x256xi32>
      %eq3A_104 = arith.cmpi eq, %eq3A, %iota3A : vector<1024x256xi32>
      %get3A_105 = arith.constant 0 : index
      %get3A_106 = arith.constant 0 : index
      %get3A_107 = vector.load %arg6[%get3A_105, %get3A_106] : memref<1024x144xf32, #tpu.memory_space<vmem>>, vector<1024x144xf32>
      %slice3A = vector.extract_strided_slice %select_n3A_103 {offsets = [0, 0], sizes = [1024, 1], strides = [1, 1]} : vector<1024x16xf32> to vector<1024x1xf32>
      %jit3A_108 = arith.constant 0.000000e+00 : f32
      %broadcast_in_dim3A_109 = vector.shape_cast %slice3A : vector<1024x1xf32> to vector<1024x1xf32>
      %broadcast_in_dim3A_110 = vector.broadcast %broadcast_in_dim3A_109 : vector<1024x1xf32> to vector<1024x256xf32>
      %broadcast_in_dim3A_111 = vector.broadcast %jit3A_108 : f32 to vector<1024x256xf32>
      %select_n3A_112 = arith.select %eq3A_104, %broadcast_in_dim3A_110, %broadcast_in_dim3A_111 : vector<1024x256xi1>, vector<1024x256xf32>
      %dot_general3A = arith.constant dense<0.000000e+00> : vector<256x144xf32>
      %dot_general3A_113 = tpu.matmul %select_n3A_112, %get3A_107, %dot_general3A {dimension_numbers = #tpu.dot_dimension_numbers<[0], [0], [1], [1], [0, 1, 1, 1], [], []>, transpose_lhs_hint = false} : vector<1024x256xf32>, vector<1024x144xf32>, vector<256x144xf32> -> vector<256x144xf32>
      %add3A_114 = arith.addf %while3A_66, %dot_general3A_113 : vector<256x144xf32>
      scf.yield %add3A_114 : vector<256x144xf32>
    }
    %while3A_61 = arith.constant 1 : i32
    %while3A_62 = scf.for %while3A_65 = %while3A_58 to %while3A_54 step %while3A_61 iter_args(%while3A_66 = %while3A_60) -> (vector<256x144xf32>)  : i32 {
      %mul3A_67 = arith.constant 1024 : i32
      %mul3A_68 = arith.muli %while3A_65, %mul3A_67 : i32
      %add3A_69 = arith.addi %mul3A_22, %mul3A_68 : i32
      %dma_start3A = arith.constant 0 : i32
      %dma_start3A_70 = tpu.memref_slice %arg2[%add3A_69, %dma_start3A] : memref<851968x144xf32, #tpu.memory_space<any>> -> memref<1024x144xf32, #tpu.memory_space<any>>
      tpu.enqueue_dma source(%dma_start3A_70 : memref<1024x144xf32, #tpu.memory_space<any>>) target(%arg6 : memref<1024x144xf32, #tpu.memory_space<vmem>>) target_semaphore(%arg9 : memref<!tpu.dma_semaphore, #tpu.memory_space<semaphore_mem>>)
      %dma_start3A_71 = arith.constant 0 : i32
      %dma_start3A_72 = tpu.memref_slice %arg3[%add3A_69, %dma_start3A_71] : memref<851968x16xf32, #tpu.memory_space<any>> -> memref<1024x16xf32, #tpu.memory_space<any>>
      tpu.enqueue_dma source(%dma_start3A_72 : memref<1024x16xf32, #tpu.memory_space<any>>) target(%arg7 : memref<1024x16xf32, #tpu.memory_space<vmem>>) target_semaphore(%arg10 : memref<!tpu.dma_semaphore, #tpu.memory_space<semaphore_mem>>)
      %dma_start3A_73 = arith.constant 0 : i32
      %dma_start3A_74 = tpu.memref_slice %arg4[%add3A_69, %dma_start3A_73] : memref<851968x1xi32, #tpu.memory_space<any>> -> memref<1024x1xi32, #tpu.memory_space<any>>
      tpu.enqueue_dma source(%dma_start3A_74 : memref<1024x1xi32, #tpu.memory_space<any>>) target(%arg8 : memref<1024x1xi32, #tpu.memory_space<vmem>>) target_semaphore(%arg11 : memref<!tpu.dma_semaphore, #tpu.memory_space<semaphore_mem>>)
      %dma_wait3A = arith.constant 0 : i32
      %dma_wait3A_75 = tpu.memref_slice %arg2[%add3A_69, %dma_wait3A] : memref<851968x144xf32, #tpu.memory_space<any>> -> memref<1024x144xf32, #tpu.memory_space<any>>
      tpu.wait_dma2 semaphore(%arg9 : memref<!tpu.dma_semaphore, #tpu.memory_space<semaphore_mem>>) src(%dma_wait3A_75 : memref<1024x144xf32, #tpu.memory_space<any>>) dst(%arg6 : memref<1024x144xf32, #tpu.memory_space<vmem>>)
      %dma_wait3A_76 = arith.constant 0 : i32
      %dma_wait3A_77 = tpu.memref_slice %arg3[%add3A_69, %dma_wait3A_76] : memref<851968x16xf32, #tpu.memory_space<any>> -> memref<1024x16xf32, #tpu.memory_space<any>>
      tpu.wait_dma2 semaphore(%arg10 : memref<!tpu.dma_semaphore, #tpu.memory_space<semaphore_mem>>) src(%dma_wait3A_77 : memref<1024x16xf32, #tpu.memory_space<any>>) dst(%arg7 : memref<1024x16xf32, #tpu.memory_space<vmem>>)
      %dma_wait3A_78 = arith.constant 0 : i32
      %dma_wait3A_79 = tpu.memref_slice %arg4[%add3A_69, %dma_wait3A_78] : memref<851968x1xi32, #tpu.memory_space<any>> -> memref<1024x1xi32, #tpu.memory_space<any>>
      tpu.wait_dma2 semaphore(%arg11 : memref<!tpu.dma_semaphore, #tpu.memory_space<semaphore_mem>>) src(%dma_wait3A_79 : memref<1024x1xi32, #tpu.memory_space<any>>) dst(%arg8 : memref<1024x1xi32, #tpu.memory_space<vmem>>)
      %get3A_80 = arith.constant 0 : index
      %get3A_81 = arith.constant 0 : index
      %get3A_82 = vector.load %arg8[%get3A_80, %get3A_81] : memref<1024x1xi32, #tpu.memory_space<vmem>>, vector<1024x1xi32>
      %sub3A_83 = vector.broadcast %mul3A_0 : i32 to vector<1024x1xi32>
      %sub3A_84 = arith.subi %get3A_82, %sub3A_83 : vector<1024x1xi32>
      %ge3A = arith.constant 0 : i32
      %ge3A_85 = vector.broadcast %ge3A : i32 to vector<1024x1xi32>
      %ge3A_86 = arith.cmpi sge, %sub3A_84, %ge3A_85 : vector<1024x1xi32>
      %lt3A = arith.constant 256 : i32
      %lt3A_87 = vector.broadcast %lt3A : i32 to vector<1024x1xi32>
      %lt3A_88 = arith.cmpi slt, %sub3A_84, %lt3A_87 : vector<1024x1xi32>
      %and3A_89 = arith.andi %ge3A_86, %lt3A_88 : vector<1024x1xi1>
      %get3A_90 = arith.constant 0 : index
      %get3A_91 = arith.constant 0 : index
      %get3A_92 = vector.load %arg7[%get3A_90, %get3A_91] : memref<1024x16xf32, #tpu.memory_space<vmem>>, vector<1024x16xf32>
      %gt3A = arith.constant 0.000000e+00 : f32
      %gt3A_93 = vector.broadcast %gt3A : f32 to vector<1024x16xf32>
      %gt3A_94 = arith.cmpf ogt, %get3A_92, %gt3A_93 : vector<1024x16xf32>
      %mul3A_95 = arith.constant 2.000000e-01 : f32
      %mul3A_96 = vector.broadcast %mul3A_95 : f32 to vector<1024x16xf32>
      %mul3A_97 = arith.mulf %mul3A_96, %get3A_92 : vector<1024x16xf32>
      %select_n3A_98 = arith.select %gt3A_94, %get3A_92, %mul3A_97 : vector<1024x16xi1>, vector<1024x16xf32>
      %exp3A = math.exp %select_n3A_98 : vector<1024x16xf32>
      %jit3A_99 = arith.constant 0.000000e+00 : f32
      %broadcast_in_dim3A_100 = vector.shape_cast %and3A_89 : vector<1024x1xi1> to vector<1024x1xi1>
      %broadcast_in_dim3A_101 = vector.broadcast %broadcast_in_dim3A_100 : vector<1024x1xi1> to vector<1024x16xi1>
      %broadcast_in_dim3A_102 = vector.broadcast %jit3A_99 : f32 to vector<1024x16xf32>
      %select_n3A_103 = arith.select %broadcast_in_dim3A_101, %exp3A, %broadcast_in_dim3A_102 : vector<1024x16xi1>, vector<1024x16xf32>
      %eq3A = vector.broadcast %sub3A_84 : vector<1024x1xi32> to vector<1024x256xi32>
      %eq3A_104 = arith.cmpi eq, %eq3A, %iota3A : vector<1024x256xi32>
      %get3A_105 = arith.constant 0 : index
      %get3A_106 = arith.constant 0 : index
      %get3A_107 = vector.load %arg6[%get3A_105, %get3A_106] : memref<1024x144xf32, #tpu.memory_space<vmem>>, vector<1024x144xf32>
      %slice3A = vector.extract_strided_slice %select_n3A_103 {offsets = [0, 0], sizes = [1024, 1], strides = [1, 1]} : vector<1024x16xf32> to vector<1024x1xf32>
      %jit3A_108 = arith.constant 0.000000e+00 : f32
      %broadcast_in_dim3A_109 = vector.shape_cast %slice3A : vector<1024x1xf32> to vector<1024x1xf32>
      %broadcast_in_dim3A_110 = vector.broadcast %broadcast_in_dim3A_109 : vector<1024x1xf32> to vector<1024x256xf32>
      %broadcast_in_dim3A_111 = vector.broadcast %jit3A_108 : f32 to vector<1024x256xf32>
      %select_n3A_112 = arith.select %eq3A_104, %broadcast_in_dim3A_110, %broadcast_in_dim3A_111 : vector<1024x256xi1>, vector<1024x256xf32>
      %dot_general3A = arith.constant dense<0.000000e+00> : vector<256x144xf32>
      %dot_general3A_113 = tpu.matmul %select_n3A_112, %get3A_107, %dot_general3A {dimension_numbers = #tpu.dot_dimension_numbers<[0], [0], [1], [1], [0, 1, 1, 1], [], []>, transpose_lhs_hint = false} : vector<1024x256xf32>, vector<1024x144xf32>, vector<256x144xf32> -> vector<256x144xf32>
      %add3A_114 = arith.addf %while3A_66, %dot_general3A_113 : vector<256x144xf32>
      scf.yield %add3A_114 : vector<256x144xf32>
    }
    %swap3A = arith.constant 0 : index
    %swap3A_63 = arith.constant 0 : index
    %swap3A_64 = vector.load %arg5[%swap3A, %swap3A_63] : memref<256x144xf32, #tpu.memory_space<vmem>>, vector<256x144xf32>
    tpu.vector_store %arg5[%swap3A, %swap3A_63], %while3A_62 {strides = array<i32>} : memref<256x144xf32, #tpu.memory_space<vmem>>, vector<256x144xf32>,
    return
  }
  func.func @transform_0(%arg0: i32) -> i32 {
    %c0_i32 = arith.constant 0 : i32
    %c0_i32_0 = arith.constant 0 : i32
    return %c0_i32 : i32
  }
  func.func @transform_4(%arg0: i32) -> (i32, i32) {
    %c0_i32 = arith.constant 0 : i32
    %c0_i32_0 = arith.constant 0 : i32
    return %arg0, %c0_i32 : i32, i32
  }
}

module attributes {stable_mosaic.version = 14 : i64} {
  func.func @_attn_kernel(%arg0: i32, %arg1: memref<101xi32, #tpu.memory_space<smem>>, %arg2: memref<1xi32, #tpu.memory_space<smem>>, %arg3: memref<50688x128xf32, #tpu.memory_space<vmem>>, %arg4: memref<1x1000x128xf32, #tpu.memory_space<vmem>>, %arg5: memref<1x1000x128xf32, #tpu.memory_space<vmem>>) attributes {dimension_semantics = [#tpu.dimension_semantics<parallel>], iteration_bounds = array<i64: 100>, scalar_prefetch = 0 : i64, scratch_operands = 0 : i64, tpu.core_type = #tpu.core_type<tc>, window_params = [{transform_indices = @transform_0, window_bounds = array<i64: 101>}, {transform_indices = @transform_1, window_bounds = array<i64: 1>}, {pipeline_mode = #tpu.pipeline_mode<synchronous>, transform_indices = @transform_2, window_bounds = array<i64: 50688, 128>}, {transform_indices = @transform_3, window_bounds = array<i64: 1, 1000, 128>}, {transform_indices = @transform_4, window_bounds = array<i64: 1, 1000, 128>}]} {
    %get3A = arith.index_cast %arg0 : i32 to index
    %get3A_0 = memref.load %arg1[%get3A] : memref<101xi32, #tpu.memory_space<smem>>
    %add3A = arith.constant 1 : i32
    %add3A_1 = arith.addi %arg0, %add3A : i32
    %get3A_2 = arith.index_cast %add3A_1 : i32 to index
    %get3A_3 = memref.load %arg1[%get3A_2] : memref<101xi32, #tpu.memory_space<smem>>
    %sub3A = arith.subi %get3A_3, %get3A_0 : i32
    %get3A_4 = arith.constant 0 : index
    %get3A_5 = arith.constant 0 : index
    %get3A_6 = arith.constant 0 : index
    %get3A_7 = vector.load %arg4[%get3A_4, %get3A_5, %get3A_6] : memref<1x1000x128xf32, #tpu.memory_space<vmem>>, vector<1x1000x128xf32>
    %get3A_8 = vector.shape_cast %get3A_7 : vector<1x1000x128xf32> to vector<1000x128xf32>
    %broadcast_in_dim3A = arith.constant -1.000000e+30 : f32
    %broadcast_in_dim3A_9 = vector.broadcast %broadcast_in_dim3A : f32 to vector<1x1000xf32>
    %broadcast_in_dim3A_10 = arith.constant 0.000000e+00 : f32
    %broadcast_in_dim3A_11 = vector.broadcast %broadcast_in_dim3A_10 : f32 to vector<1x1000xf32>
    %broadcast_in_dim3A_12 = arith.constant 0.000000e+00 : f32
    %broadcast_in_dim3A_13 = vector.broadcast %broadcast_in_dim3A_12 : f32 to vector<1000x128xf32>
    %add3A_14 = arith.constant 512 : i32
    %add3A_15 = arith.addi %sub3A, %add3A_14 : i32
    %sub3A_16 = arith.constant 1 : i32
    %sub3A_17 = arith.subi %add3A_15, %sub3A_16 : i32
    %jit3A = arith.constant 512 : i32
    %div3A = arith.divsi %sub3A_17, %jit3A : i32
    %sign3A = arith.constant 0 : i32
    %sign3A_18 = arith.cmpi sgt, %sub3A_17, %sign3A : i32
    %sign3A_19 = arith.extui %sign3A_18 : i1 to i32
    %sign3A_20 = arith.constant 0 : i32
    %sign3A_21 = arith.cmpi slt, %sub3A_17, %sign3A_20 : i32
    %sign3A_22 = arith.extui %sign3A_21 : i1 to i32
    %sign3A_23 = arith.subi %sign3A_19, %sign3A_22 : i32
    %sign3A_24 = arith.constant 0 : i32
    %sign3A_25 = arith.cmpi sgt, %jit3A, %sign3A_24 : i32
    %sign3A_26 = arith.extui %sign3A_25 : i1 to i32
    %sign3A_27 = arith.constant 0 : i32
    %sign3A_28 = arith.cmpi slt, %jit3A, %sign3A_27 : i32
    %sign3A_29 = arith.extui %sign3A_28 : i1 to i32
    %sign3A_30 = arith.subi %sign3A_26, %sign3A_29 : i32
    %ne3A = arith.cmpi ne, %sign3A_23, %sign3A_30 : i32
    %rem3A = arith.remsi %sub3A_17, %jit3A : i32
    %ne3A_31 = arith.constant 0 : i32
    %ne3A_32 = arith.cmpi ne, %rem3A, %ne3A_31 : i32
    %and3A = arith.andi %ne3A, %ne3A_32 : i1
    %sub3A_33 = arith.constant 1 : i32
    %sub3A_34 = arith.subi %div3A, %sub3A_33 : i32
    %select_n3A = arith.select %and3A, %sub3A_34, %div3A : i32
    %while3A = arith.constant 0 : i32
    %while3A_35 = arith.subi %select_n3A, %while3A : i32
    %while3A_36 = arith.addi %while3A, %while3A_35 : i32
    %while3A_37 = arith.constant 1 : i32
    %while3A_38 = arith.divsi %while3A_35, %while3A_37 : i32
    %while3A_39 = arith.muli %while3A_38, %while3A_37 : i32
    %while3A_40 = arith.addi %while3A, %while3A_39 : i32
    %while3A_41 = arith.constant 1 : i32
    %while3A_42:3 = scf.for %while3A_65 = %while3A to %while3A_40 step %while3A_41 iter_args(%while3A_66 = %broadcast_in_dim3A_9, %while3A_67 = %broadcast_in_dim3A_11, %while3A_68 = %broadcast_in_dim3A_13) -> (vector<1x1000xf32>, vector<1x1000xf32>, vector<1000x128xf32>)  : i32 {
      %mul3A_69 = arith.constant 512 : i32
      %mul3A_70 = arith.muli %while3A_65, %mul3A_69 : i32
      %add3A_71 = arith.addi %get3A_0, %mul3A_70 : i32
      %get3A_72 = arith.index_cast %add3A_71 : i32 to index
      %get3A_73 = arith.constant 0 : index
      %get3A_74 = vector.load %arg3[%get3A_72, %get3A_73] : memref<50688x128xf32, #tpu.memory_space<vmem>>, vector<512x128xf32>
      %dot_general3A = arith.constant dense<0.000000e+00> : vector<512x1000xf32>
      %dot_general3A_75 = tpu.matmul %get3A_74, %get3A_8, %dot_general3A {dimension_numbers = #tpu.dot_dimension_numbers<[1], [1], [0], [0], [0, 0, 1, 0], [], []>, transpose_lhs_hint = false} : vector<512x128xf32>, vector<1000x128xf32>, vector<512x1000xf32> -> vector<512x1000xf32>
      %mul3A_76 = arith.constant 512 : i32
      %mul3A_77 = arith.muli %while3A_65, %mul3A_76 : i32
      %iota3A = tpu.iota {dimensions = array<i32: 0>} : vector<512x1xi32>
      %add3A_78 = vector.broadcast %mul3A_77 : i32 to vector<512x1xi32>
      %add3A_79 = arith.addi %add3A_78, %iota3A : vector<512x1xi32>
      %lt3A = vector.broadcast %sub3A : i32 to vector<512x1xi32>
      %lt3A_80 = arith.cmpi slt, %add3A_79, %lt3A : vector<512x1xi32>
      %jit3A_81 = arith.constant -1.000000e+30 : f32
      %broadcast_in_dim3A_82 = vector.shape_cast %lt3A_80 : vector<512x1xi1> to vector<512x1xi1>
      %broadcast_in_dim3A_83 = vector.broadcast %broadcast_in_dim3A_82 : vector<512x1xi1> to vector<512x1000xi1>
      %broadcast_in_dim3A_84 = vector.broadcast %jit3A_81 : f32 to vector<512x1000xf32>
      %select_n3A_85 = arith.select %broadcast_in_dim3A_83, %dot_general3A_75, %broadcast_in_dim3A_84 : vector<512x1000xi1>, vector<512x1000xf32>
      %reduce_max3A = arith.constant dense<0xFF800000> : vector<1000xf32>
      %reduce_max3A_86 = vector.multi_reduction <maximumf>, %select_n3A_85, %reduce_max3A [0] : vector<512x1000xf32> to vector<1000xf32>
      %broadcast_in_dim3A_87 = vector.shape_cast %reduce_max3A_86 : vector<1000xf32> to vector<1x1000xf32>
      %max3A_88 = arith.maximumf %while3A_66, %broadcast_in_dim3A_87 : vector<1x1000xf32>
      %sub3A_89 = arith.subf %while3A_66, %max3A_88 : vector<1x1000xf32>
      %exp3A_90 = math.exp %sub3A_89 : vector<1x1000xf32>
      %sub3A_91 = vector.broadcast %max3A_88 : vector<1x1000xf32> to vector<512x1000xf32>
      %sub3A_92 = arith.subf %select_n3A_85, %sub3A_91 : vector<512x1000xf32>
      %exp3A_93 = math.exp %sub3A_92 : vector<512x1000xf32>
      %mul3A_94 = arith.mulf %while3A_67, %exp3A_90 : vector<1x1000xf32>
      %reduce_sum3A = arith.constant dense<0.000000e+00> : vector<1000xf32>
      %reduce_sum3A_95 = vector.multi_reduction <add>, %exp3A_93, %reduce_sum3A [0] : vector<512x1000xf32> to vector<1000xf32>
      %broadcast_in_dim3A_96 = vector.shape_cast %reduce_sum3A_95 : vector<1000xf32> to vector<1x1000xf32>
      %add3A_97 = arith.addf %mul3A_94, %broadcast_in_dim3A_96 : vector<1x1000xf32>
      %transpose3A_98 = tpu.transpose %exp3A_90, [1, 0] : vector<1x1000xf32> -> vector<1000x1xf32>
      %mul3A_99 = vector.broadcast %transpose3A_98 : vector<1000x1xf32> to vector<1000x128xf32>
      %mul3A_100 = arith.mulf %while3A_68, %mul3A_99 : vector<1000x128xf32>
      %dot_general3A_101 = arith.constant dense<0.000000e+00> : vector<1000x128xf32>
      %dot_general3A_102 = tpu.matmul %exp3A_93, %get3A_74, %dot_general3A_101 {dimension_numbers = #tpu.dot_dimension_numbers<[0], [0], [1], [1], [0, 1, 1, 1], [], []>, transpose_lhs_hint = false} : vector<512x1000xf32>, vector<512x128xf32>, vector<1000x128xf32> -> vector<1000x128xf32>
      %add3A_103 = arith.addf %mul3A_100, %dot_general3A_102 : vector<1000x128xf32>
      scf.yield %max3A_88, %add3A_97, %add3A_103 : vector<1x1000xf32>, vector<1x1000xf32>, vector<1000x128xf32>
    }
    %while3A_43 = arith.constant 1 : i32
    %while3A_44:3 = scf.for %while3A_65 = %while3A_40 to %while3A_36 step %while3A_43 iter_args(%while3A_66 = %while3A_42#0, %while3A_67 = %while3A_42#1, %while3A_68 = %while3A_42#2) -> (vector<1x1000xf32>, vector<1x1000xf32>, vector<1000x128xf32>)  : i32 {
      %mul3A_69 = arith.constant 512 : i32
      %mul3A_70 = arith.muli %while3A_65, %mul3A_69 : i32
      %add3A_71 = arith.addi %get3A_0, %mul3A_70 : i32
      %get3A_72 = arith.index_cast %add3A_71 : i32 to index
      %get3A_73 = arith.constant 0 : index
      %get3A_74 = vector.load %arg3[%get3A_72, %get3A_73] : memref<50688x128xf32, #tpu.memory_space<vmem>>, vector<512x128xf32>
      %dot_general3A = arith.constant dense<0.000000e+00> : vector<512x1000xf32>
      %dot_general3A_75 = tpu.matmul %get3A_74, %get3A_8, %dot_general3A {dimension_numbers = #tpu.dot_dimension_numbers<[1], [1], [0], [0], [0, 0, 1, 0], [], []>, transpose_lhs_hint = false} : vector<512x128xf32>, vector<1000x128xf32>, vector<512x1000xf32> -> vector<512x1000xf32>
      %mul3A_76 = arith.constant 512 : i32
      %mul3A_77 = arith.muli %while3A_65, %mul3A_76 : i32
      %iota3A = tpu.iota {dimensions = array<i32: 0>} : vector<512x1xi32>
      %add3A_78 = vector.broadcast %mul3A_77 : i32 to vector<512x1xi32>
      %add3A_79 = arith.addi %add3A_78, %iota3A : vector<512x1xi32>
      %lt3A = vector.broadcast %sub3A : i32 to vector<512x1xi32>
      %lt3A_80 = arith.cmpi slt, %add3A_79, %lt3A : vector<512x1xi32>
      %jit3A_81 = arith.constant -1.000000e+30 : f32
      %broadcast_in_dim3A_82 = vector.shape_cast %lt3A_80 : vector<512x1xi1> to vector<512x1xi1>
      %broadcast_in_dim3A_83 = vector.broadcast %broadcast_in_dim3A_82 : vector<512x1xi1> to vector<512x1000xi1>
      %broadcast_in_dim3A_84 = vector.broadcast %jit3A_81 : f32 to vector<512x1000xf32>
      %select_n3A_85 = arith.select %broadcast_in_dim3A_83, %dot_general3A_75, %broadcast_in_dim3A_84 : vector<512x1000xi1>, vector<512x1000xf32>
      %reduce_max3A = arith.constant dense<0xFF800000> : vector<1000xf32>
      %reduce_max3A_86 = vector.multi_reduction <maximumf>, %select_n3A_85, %reduce_max3A [0] : vector<512x1000xf32> to vector<1000xf32>
      %broadcast_in_dim3A_87 = vector.shape_cast %reduce_max3A_86 : vector<1000xf32> to vector<1x1000xf32>
      %max3A_88 = arith.maximumf %while3A_66, %broadcast_in_dim3A_87 : vector<1x1000xf32>
      %sub3A_89 = arith.subf %while3A_66, %max3A_88 : vector<1x1000xf32>
      %exp3A_90 = math.exp %sub3A_89 : vector<1x1000xf32>
      %sub3A_91 = vector.broadcast %max3A_88 : vector<1x1000xf32> to vector<512x1000xf32>
      %sub3A_92 = arith.subf %select_n3A_85, %sub3A_91 : vector<512x1000xf32>
      %exp3A_93 = math.exp %sub3A_92 : vector<512x1000xf32>
      %mul3A_94 = arith.mulf %while3A_67, %exp3A_90 : vector<1x1000xf32>
      %reduce_sum3A = arith.constant dense<0.000000e+00> : vector<1000xf32>
      %reduce_sum3A_95 = vector.multi_reduction <add>, %exp3A_93, %reduce_sum3A [0] : vector<512x1000xf32> to vector<1000xf32>
      %broadcast_in_dim3A_96 = vector.shape_cast %reduce_sum3A_95 : vector<1000xf32> to vector<1x1000xf32>
      %add3A_97 = arith.addf %mul3A_94, %broadcast_in_dim3A_96 : vector<1x1000xf32>
      %transpose3A_98 = tpu.transpose %exp3A_90, [1, 0] : vector<1x1000xf32> -> vector<1000x1xf32>
      %mul3A_99 = vector.broadcast %transpose3A_98 : vector<1000x1xf32> to vector<1000x128xf32>
      %mul3A_100 = arith.mulf %while3A_68, %mul3A_99 : vector<1000x128xf32>
      %dot_general3A_101 = arith.constant dense<0.000000e+00> : vector<1000x128xf32>
      %dot_general3A_102 = tpu.matmul %exp3A_93, %get3A_74, %dot_general3A_101 {dimension_numbers = #tpu.dot_dimension_numbers<[0], [0], [1], [1], [0, 1, 1, 1], [], []>, transpose_lhs_hint = false} : vector<512x1000xf32>, vector<512x128xf32>, vector<1000x128xf32> -> vector<1000x128xf32>
      %add3A_103 = arith.addf %mul3A_100, %dot_general3A_102 : vector<1000x128xf32>
      scf.yield %max3A_88, %add3A_97, %add3A_103 : vector<1x1000xf32>, vector<1x1000xf32>, vector<1000x128xf32>
    }
    %max3A = arith.constant 0.000000e+00 : f32
    %max3A_45 = vector.broadcast %max3A : f32 to vector<1x1000xf32>
    %max3A_46 = arith.maximumf %while3A_44#0, %max3A_45 : vector<1x1000xf32>
    %sub3A_47 = arith.subf %while3A_44#0, %max3A_46 : vector<1x1000xf32>
    %exp3A = math.exp %sub3A_47 : vector<1x1000xf32>
    %get3A_48 = arith.constant 0 : index
    %get3A_49 = memref.load %arg2[%get3A_48] : memref<1xi32, #tpu.memory_space<smem>>
    %sub3A_50 = arith.subi %get3A_49, %sub3A : i32
    %convert_element_type3A = arith.sitofp %sub3A_50 : i32 to f32
    %mul3A = arith.mulf %while3A_44#1, %exp3A : vector<1x1000xf32>
    %neg3A = arith.constant 0.000000e+00 : f32
    %neg3A_51 = vector.broadcast %neg3A : f32 to vector<1x1000xf32>
    %neg3A_52 = arith.subf %neg3A_51, %max3A_46 : vector<1x1000xf32>
    %exp3A_53 = math.exp %neg3A_52 : vector<1x1000xf32>
    %mul3A_54 = vector.broadcast %convert_element_type3A : f32 to vector<1x1000xf32>
    %mul3A_55 = arith.mulf %mul3A_54, %exp3A_53 : vector<1x1000xf32>
    %add3A_56 = arith.addf %mul3A, %mul3A_55 : vector<1x1000xf32>
    %div3A_57 = arith.divf %exp3A, %add3A_56 : vector<1x1000xf32>
    %transpose3A = tpu.transpose %div3A_57, [1, 0] : vector<1x1000xf32> -> vector<1000x1xf32>
    %mul3A_58 = vector.broadcast %transpose3A : vector<1000x1xf32> to vector<1000x128xf32>
    %mul3A_59 = arith.mulf %while3A_44#2, %mul3A_58 : vector<1000x128xf32>
    %swap3A = arith.constant 0 : index
    %swap3A_60 = arith.constant 0 : index
    %swap3A_61 = arith.constant 0 : index
    %swap3A_62 = vector.load %arg5[%swap3A, %swap3A_60, %swap3A_61] : memref<1x1000x128xf32, #tpu.memory_space<vmem>>, vector<1x1000x128xf32>
    %swap3A_63 = vector.shape_cast %swap3A_62 : vector<1x1000x128xf32> to vector<1000x128xf32>
    %swap3A_64 = vector.shape_cast %mul3A_59 : vector<1000x128xf32> to vector<1x1000x128xf32>
    tpu.vector_store %arg5[%swap3A, %swap3A_60, %swap3A_61], %swap3A_64 {strides = array<i32>} : memref<1x1000x128xf32, #tpu.memory_space<vmem>>, vector<1x1000x128xf32>,
    return
  }
  func.func @transform_0(%arg0: i32) -> i32 {
    %c0_i32 = arith.constant 0 : i32
    %c0_i32_0 = arith.constant 0 : i32
    return %c0_i32 : i32
  }
  func.func @transform_1(%arg0: i32) -> i32 {
    %c0_i32 = arith.constant 0 : i32
    %c0_i32_0 = arith.constant 0 : i32
    return %c0_i32 : i32
  }
  func.func @transform_2(%arg0: i32) -> (i32, i32) {
    %c0_i32 = arith.constant 0 : i32
    %c0_i32_0 = arith.constant 0 : i32
    %c0_i32_1 = arith.constant 0 : i32
    return %c0_i32, %c0_i32_0 : i32, i32
  }
  func.func @transform_3(%arg0: i32) -> (i32, i32, i32) {
    %c0_i32 = arith.constant 0 : i32
    %c0_i32_0 = arith.constant 0 : i32
    %c0_i32_1 = arith.constant 0 : i32
    return %arg0, %c0_i32, %c0_i32_0 : i32, i32, i32
  }
  func.func @transform_4(%arg0: i32) -> (i32, i32, i32) {
    %c0_i32 = arith.constant 0 : i32
    %c0_i32_0 = arith.constant 0 : i32
    %c0_i32_1 = arith.constant 0 : i32
    return %arg0, %c0_i32, %c0_i32_0 : i32, i32, i32
  }
}

</mosaic_0001>

<sc_bundles>
// kernel: gather_offload_async_start.1
scs
__scs_entry_jumppad:
0x0: {  	(pc) =	sbr.rel $0x88, $3  }
0x1: {  	(tag) =	ssettag $0x0;
	lr =	simm.s32 $0x1  }
0x2: {  	[smem:$0x3F86] =	sst lr;
	_ =	strace $0xD0000000  }
0x3: {  	_ = 	snop  }
0x4: {  	_ = 	snop  }
0x5: {  	_ = 	snop  }
0x6: {  	_ = 	snop  }
0x7: {  	_ = 	snop  }
__scs_overlays_trampoline_lowered:
0x8: {  	[smem:$0x3F95] =	sst s0  }
0x9: {  	[smem:$0x3F96] =	sst s1  }
0xa: {  	[smem:$0x3F97] =	sst s2  }
0xb: {  	[smem:$0x3F98] =	sst s3  }
0xc: {  	[smem:$0x3F99] =	sst s4  }
0xd: {  	[smem:$0x3F9A] =	sst s5  }
0xe: {  	[smem:$0x3F9B] =	sst s6  }
0xf: {  	[smem:$0x3F9C] =	sst s7  }
0x10: {  	[smem:$0x3F9D] =	sst s8  }
0x11: {  	[smem:$0x3F9E] =	sst s9;
	s0 =	simm.s32 @!p0 $0x0  }
0x12: {  	s1 =	sld [smem:$0x3F84];
	s0 =	simm.s32 @p0 $0x1  }
0x13: {  	[smem:$0x3F9F] =	sst s0;
	s0 =	simm.s32 @!p1 $0x0  }
0x14: {  	s2 =	sld [smem:$0x3F83];
	s0 =	simm.s32 @p1 $0x1  }
0x15: {  	[smem:$0x3FA0] =	sst s0;
	s0 =	simm.s32 @!p2 $0x0  }
0x16: {  	s3 =	sld [smem:$0x3FDB];
	s0 =	simm.s32 @p2 $0x1  }
0x17: {  	s4 =	simm.s32 $0x1BF5;
	[smem:$0x3FA2] =	sst s0  }
0x18: {  	s0 =	sld [smem:$0x3F85];
	_ =	swait.ge [sflag:s4], $0x0  }
0x19: {  	s7 =	sld [smem:$0x3F86]  }
0x1a: {  	s8 =	sadd.s32 $0xFFFFE003, lr  }
0x1b: {  	s9 =	sadd.s32 $0xFFFFFEF7, lr;
	s5 =	simm.s32 $0xFFFFFFFF;
	p2 =	slt.u32 s8, $0xFFFFF086  }
0x1c: {  	p1 =	slt.u32 s9, $0xF7A;
	s5 =	simm.s32 @!p2 $0x0  }
0x1d: {  	s5 =	simm.s32 @p1 $0x1;
	p0 =	seq.s32 s7, s2  }
0x1e: {  	s7 =	smul.u32 @!p0 $0xF7A, s2;
	p2 =	seq.s32 @!p0 s5, $0x0  }
0x1f: {  	s9 =	smul.u32 $0xF7A, s1;
	s8 =	simm.s32 @!p0 $0x1BF5;
	p2 =	por !p2, p0  }
0x20: {  	[sflag:s8] =	ssyncset.s32 @!p0 $0xFFFFF086;
	s6 =	sadd.s32 @!p0 s3, s7;
	s7 =	simm.s32 @!p0 $0x108  }
0x21: {  	s3 =	sadd.s32 s3, s9;
	s6 =	sadd.s32 @!p0 $0x88, s6;
	s7 =	simm.s32 @p2 $0x1082  }
0x22: {  	[simem:s7], [sflag:s8] =	dma.local @!p0 [hbm:s6], $0xF7A  }
0x23: {  	s9 =	sor.u32 $0xD0000000, s2;
	s6 =	simm.s32 $0x108;
	_ =	swait.ge @!p0 [sflag:s8], $0x0  }
0x24: {  	s3 =	sadd.s32 $0x88, s3;
	s6 =	simm.s32 @!p1 $0x1082;
	[sflag:s4] =	ssyncset.s32 $0xFFFFF086  }
0x25: {  	[simem:s6], [sflag:s4] =	dma.local [hbm:s3], $0xF7A  }
0x26: {  	[smem:$0x3F86] =	sst s1;
	(tag) =	ssettag s2;
	_ =	strace s9  }
0x27: {  	s1 =	sld [smem:$0x3F96]  }
0x28: {  	s2 =	sld [smem:$0x3F97]  }
0x29: {  	s4 =	sld [smem:$0x3F99]  }
0x2a: {  	p0 =	seq.s32 s5, $0x0;
	s5 =	sld [smem:$0x3F9A]  }
0x2b: {  	s6 =	sld [smem:$0x3F9B]  }
0x2c: {  	s7 =	sld [smem:$0x3F9C]  }
0x2d: {  	s3 =	simm.s32 $0x108;
	s8 =	sld [smem:$0x3F9D]  }
0x2e: {  	s3 =	simm.s32 @!p0 $0x1082;
	s9 =	sld [smem:$0x3F9E]  }
0x2f: {  	lr =	sadd.s32 s0, s3;
	s0 =	sld [smem:$0x3F95]  }
0x30: {  	s3 =	sld [smem:$0x3F98]  }
0x31: {  	[smem:$0x3FA1] =	sst s10  }
0x32: {  	s10 =	sld [smem:$0x3F9F];
	_ =	sdelay $0x3  }
0x33: {  	p0 =	seq.s32 s10, $0x1;
	s10 =	sld [smem:$0x3FA1];
	_ =	sdelay $0x3  }
0x34: {  	[smem:$0x3FA1] =	sst s10  }
0x35: {  	s10 =	sld [smem:$0x3FA0];
	_ =	sdelay $0x3  }
0x36: {  	p1 =	seq.s32 s10, $0x1;
	s10 =	sld [smem:$0x3FA1];
	_ =	sdelay $0x3  }
0x37: {  	[smem:$0x3FA1] =	sst s10  }
0x38: {  	s10 =	sld [smem:$0x3FA2]  }
0x39: {  	_ = 	snop;
	(pc) =	sbr.ind lr, $3  }
0x3a: {  	_ = 	snop  }
0x3b: {  	_ = 	snop  }
0x3c: {  	p2 =	seq.s32 s10, $0x1;
	s10 =	sld [smem:$0x3FA1]  }
0x3d: {  	_ =	shalt  }
0x3e: {  	_ =	shalt  }
0x3f: {  	_ =	shalt  }
0x40: {  	_ =	shalt  }
0x41: {  	_ =	shalt  }
0x42: {  	_ =	shalt  }
0x43: {  	_ =	shalt  }
0x44: {  	_ =	shalt  }
0x45: {  	_ =	shalt  }
0x46: {  	_ =	shalt  }
0x47: {  	_ =	shalt  }
0x48: {  	_ =	shalt  }
0x49: {  	_ =	shalt  }
0x4a: {  	_ =	shalt  }
0x4b: {  	_ =	shalt  }
0x4c: {  	_ =	shalt  }
0x4d: {  	_ =	shalt  }
0x4e: {  	_ =	shalt  }
0x4f: {  	_ =	shalt  }
0x50: {  	_ =	shalt  }
0x51: {  	_ =	shalt  }
0x52: {  	_ =	shalt  }
0x53: {  	_ =	shalt  }
0x54: {  	_ =	shalt  }
0x55: {  	_ =	shalt  }
0x56: {  	_ =	shalt  }
0x57: {  	_ =	shalt  }
0x58: {  	_ =	shalt  }
0x59: {  	_ =	shalt  }
0x5a: {  	_ =	shalt  }
0x5b: {  	_ =	shalt  }
0x5c: {  	_ =	shalt  }
0x5d: {  	_ =	shalt  }
0x5e: {  	_ =	shalt  }
0x5f: {  	_ =	shalt  }
0x60: {  	_ =	shalt  }
0x61: {  	_ =	shalt  }
0x62: {  	_ =	shalt  }
0x63: {  	_ =	shalt  }
0x64: {  	_ =	shalt  }
0x65: {  	_ =	shalt  }
0x66: {  	_ =	shalt  }
0x67: {  	_ =	shalt  }
0x68: {  	_ =	shalt  }
0x69: {  	_ =	shalt  }
0x6a: {  	_ =	shalt  }
0x6b: {  	_ =	shalt  }
0x6c: {  	_ =	shalt  }
0x6d: {  	_ =	shalt  }
0x6e: {  	_ =	shalt  }
0x6f: {  	_ =	shalt  }
0x70: {  	_ =	shalt  }
0x71: {  	_ =	shalt  }
0x72: {  	_ =	shalt  }
0x73: {  	_ =	shalt  }
0x74: {  	_ =	shalt  }
0x75: {  	_ =	shalt  }
0x76: {  	_ =	shalt  }
0x77: {  	_ =	shalt  }
0x78: {  	_ =	shalt  }
0x79: {  	_ =	shalt  }
0x7a: {  	_ =	shalt  }
0x7b: {  	_ =	shalt  }
0x7c: {  	_ =	shalt  }
0x7d: {  	_ =	shalt  }
0x7e: {  	_ =	shalt  }
0x7f: {  	_ =	shalt  }
0x80: {  	_ =	shalt  }
0x81: {  	_ =	shalt  }
0x82: {  	_ =	shalt  }
0x83: {  	_ =	shalt  }
0x84: {  	_ =	shalt  }
0x85: {  	_ =	shalt  }
0x86: {  	_ =	shalt  }
0x87: {  	_ =	shalt  }
.Lfunc_end0:
.L_simem_size_0:
called_computation.5_lowered:
.L_overlay_start_0:
0x88: {  	s0 =	sld [smem:$0x3FD9]  }
0x89: {  	s1 =	sld [smem:$0x3FFE];
	_ =	sdelay $0x3  }
0x8a: {  	s0 =	sadd.s32 s1, s0  }
0x8b: {  	[smem:$0x3FAD] =	sst s0  }
0x8c: {  	_ = 	snop  }
0x8d: {  	(tm) =	ssettm $0x1  }
0x8e: {  	s15 =	sld [smem:$0x3FFB];
	_ =	sdelay $0x3  }
0x8f: {  	_ =	strace s15  }
0x90: {  	s0 =	sld [smem:$0x3FFC];
	_ =	sdelay $0x3  }
0x91: {  	_ =	strace s0  }
0x92: {  	s0 =	sld [smem:$0x3FFD];
	_ =	sdelay $0x3  }
0x93: {  	_ =	strace s0  }
0x94: {  	_ =	strace $0x8FFFFFFF  }
0x95: {  	s16 =	sld [smem:$0x3FDB];
	_ =	sdelay $0x1  }
0x96: {  	s17 =	simm.s32 $_scs_section_size  }
0x97: {  	s2 =	simm.s32 $_size__tile_overlayer_lowered;
	s3 =	simm.s32 $_tile_overlayer_lowered  }
0x98: {  	s20 =	simm.s32 $0x1BFF;
	s19 =	sshll.u32 s3, $0x1;
	s0 =	sadd.s32 s17, s16  }
0x99: {  	s4 =	simm.s32 $0x0;
	s18 =	sshll.u32 s2, $0x1;
	s2 =	sadd.s32 s19, s0  }
0x9a: {  	[timem:s4], [sflag:s20] =	dma.local [hbm:s2], s18  }
0x9b: {  	_ =	swait.ge [sflag:s20], s18  }
0x9c: {  	s1 =	ssub.s32 $0x0, s18;
	[sflag:s20] =	ssyncset.done $0x0  }
0x9d: {  	[sflag:s20] =	ssyncadd.s32 s1;
	_ =	sdelay $0x1  }
0x9e: {  	s21 =	simm.s32 $0x1B8B  }
0x9f: {  	_ =	swait.ge [sflag:s21], $0x1  }
0xa0: {  	[sflag:s21] =	ssyncset.done $0x0  }
0xa1: {  	s23 =	simm.s32 $0x1B8E;
	s22 =	sld [smem:$0x3FFE];
	[sflag:s21] =	ssyncadd.s32 $0xFFFFFFFF  }
0xa2: {  	s24 =	simm.s32 $execute0_lowered;
	[smem:$0x3FD2] =	sst s23  }
0xa3: {  	s2 =	sshll.u32 s24, $0x1;
	_ =	strace $0x80000046;
	[dreg:$0x1] =	wrdreg $0xFFFFFFFF  }
0xa4: {  	s25 =	simm.s32 $_size_execute0_lowered;
	s0 =	sadd.s32 s0, s2;
	[dreg:$0x0] =	wrdreg $0x0  }
0xa5: {  	s2 =	sshll.u32 s25, $0x1;
	[dreg:$0x2] =	wrdreg s0  }
0xa6: {  	[dreg:$0x3] =	wrdreg s2  }
0xa7: {  	[dreg:$0x4] =	wrdreg $0xC0  }
0xa8: {  	_ =	task [dreg:s4], $0x5FFFF  }
0xa9: {  	[dreg:$0x1] =	wrdreg $0xFFFFFFFF  }
0xaa: {  	[dreg:$0x0] =	wrdreg $0x60  }
0xab: {  	[dreg:$0x2] =	wrdreg s22  }
0xac: {  	[dreg:$0x3] =	wrdreg $0xA  }
0xad: {  	_ =	task.clear_ibuf [dreg:s4], $0x4FFFF;
	_ =	strace $0x90000046  }
0xae: {  	s26 =	simm.s32 $0xA;
	_ =	strace $0x80000048  }
0xaf: {  	_ =	swait.ge [sflag:s26], $0x1  }
0xb0: {  	[sflag:s26] =	ssyncadd.s32 $0xFFFFFFFF  }
0xb1: {  	_ =	strace $0x90000048  }
0xb2: {  	_ =	sfence  }
0xb3: {  	s28 =	sld [smem:$0x0];
	_ =	sdelay $0x1  }
0xb4: {  	s29 =	srdreg.scid  }
0xb5: {  	s30 =	sshll.u32 s29, $0xD;
	s31 =	sshrl.u32 s29, $0x2  }
0xb6: {  	s1 =	sand.u32 $0x1, s29;
	s2 =	sand.u32 $0x4000, s30;
	s0 =	sadd.s32 s31, s28  }
0xb7: {  	s1 =	sor.u32 s2, s1;
	s0 =	sshll.u32 s0, $0x11  }
0xb8: {  	s0 =	sor.u32 s0, s1  }
0xb9: {  	s0 =	sadd.s32 $0x8F2B, s0  }
0xba: {  	[sflag:s0] =	ssyncadd.remote.s32 $0x1  }
0xbb: {  	_ =	sfence.sel $0xFFFF  }
0xbc: {  	[dreg:$0x0] =	wrdreg $0xFFFFFFFF;
	(pc) =	sbr.abs _section_cstart, $3  }
0xbd: {  	[dreg:$0x1] =	wrdreg $0xFFFFFFFF  }
0xbe: {  	_ =	task.clear_ibuf [dreg:s4], $0x2FFFF;
	_ =	strace $0x9FFFFFFF  }
0xbf: {  	(tm) =	ssettm $0x7FFFFFFF  }
tec
execute0_lowered:
.L_overlay_start_1:
0x0: {  	(tag) =	ssettag $0x1  }
0x1: {  	s0 =	stileid.u32  }
0x2: {  	s2 =	smul.u32 $0x2710, s0;
	_ =	sdelay $0x1  }
0x3: {  	s6 =	ssub.s32 $0xCF850, s2  }
0x4: {  	s1 =	smulhi.u32 $0x68DB9, s6  }
0x5: {  	s3 =	rddreg [dreg:$0x0];
	s5 =	simm.s32 $0x1  }
0x6: {  	s9 =	simm.s32 $0x3;
	s10 =	simm.s32 $0x0;
	s7 =	sshrl.u32 s1, $0x4  }
0x7: {  	s13 =	simm.s32 $0x0;
	s12 =	simm.s32 $0x0;
	s8 =	smul.u32 $0x27100, s7  }
.Ltmp0:
0x8: {  	s4 =	sadd.s32 $0x34000, s3;
	s1 =	rddreg [dreg:$0x1];
	(pc) =	sbr.rel .LBB2_1-.Ltmp0, $4  }
0x9: {  	_ =	strace $0x80000047;
	p0 =	sne.s32 s6, s8;
	s8 =	simm.s32 $0x1  }
0xa: {  	[sflag:s5] =	ssyncpa.u1 $0x0;
	s6 =	simm.s32 $0x2;
	s8 =	simm.s32 @!p0 $0x0  }
0xb: {  	s11 =	smov.u32 s2;
	[sflag:s6] =	ssyncpa.u1 $0x0;
	s7 =	sadd.s32 s8, s7  }
0xc: {  	vm0 =	vmmov $0xffff;
	s8 =	sadd.s32 $0x4E000, s3;
	[sflag:s9] =	ssyncpa.u1 $0x0;
	s9 =	sadd.s32 $0x1, s7  }
.LBB2_4:
0xd: {  	v2 =	vnsel vm1, $0x0, v2  }
0xe: {  	vm1 =	vgt.s32 v0, $0x0;
	v2 =	vmin.u32 v2, $0xCF84F  }
0xf: {  	v0 =	vnsel vm1, $0x0, v0  }
0x10: {  	v0 =	vmin.u32 v0, $0xCF84F  }
0x11: {  	[tilespmem:s18], [sflag:$0x1] =	stream.indirect_vreg.gather [hbm4b:s3+s10], $0x1, v1, vm0, $0x4038;
	[tilespmem:$0x9C40] =	vst v63  }
0x12: {  	(ifvalue) =	ssetifvalue $0x7FFFFFFF  }
0x13: {  	[tilespmem:s15], [sflag:$0x1] =	stream.indirect_vreg.gather [hbm4b:s3+s10], $0x1, v2, vm0, $0x4038;
	[tilespmem:$0x9C40] =	vst v63  }
0x14: {  	s29 =	sadd.s32 $0x10, s15;
	(ifvalue) =	ssetifvalue $0x7FFFFFFF  }
0x15: {  	[tilespmem:s29], [sflag:$0x1] =	stream.indirect_vreg.gather [hbm4b:s3+s10], $0x1, v0, vm0, $0x4038;
	[tilespmem:$0x9C40] =	vst v63  }
0x16: {  	_ =	swait.ge [sflag:s5], $0x2710  }
0x17: {  	s30 =	sshrl.u32 s13, $0x3;
	[sflag:s5] =	ssyncset.done $0x0  }
0x18: {  	s31 =	sand.u32 $0x7, s13;
	s15 =	sadd.s32 s8, s30;
	[sflag:s5] =	ssyncadd.s32 $0xFFFFD8F0  }
0x19: {  	[hbm4b:s15+s31] =	stream.linear.scatter [tilespmem:s14], [sflag:$0x3], $0x2710, $0x38;
	[tilespmem:$0x9C40] =	vst v63  }
.LBB2_5:
0x1a: {  	s15 =	sadd.s32 $0x27100, s11  }
0x1b: {  	p1 =	sgt.s32 s15, $0xCF84F  }
0x1c: {  	s15 =	smov.u32 @p1 s2;
	p1 =	sne.s32 s12, s9  }
.Ltmp1:
0x1d: {  	p0 =	slt.u32 s12, $0x2;
	(pc) =	sbr.rel @!p1 .LBB2_6-.Ltmp1, $4  }
0x1e: {  	s14 =	simm.s32 @!p0 $0x3  }
0x1f: {  	_ =	swait.ge @!p0 [sflag:s14], $0x2710  }
0x20: {  	s16 =	sadd.s32 $0x1, s12;
	s13 =	smov.u32 s11;
	[sflag:s14] =	ssyncset.done @!p0 $0x0  }
0x21: {  	s12 =	smov.u32 s16;
	s11 =	smov.u32 s15;
	[sflag:s14] =	ssyncadd.s32 @!p0 $0xFFFFD8F0  }
.LBB2_1:
0x22: {  	p0 =	sge.u32 s12, s7  }
0x23: {  	s14 =	sxor.u32 @!p0 $0xFFFFFFFF, s12  }
0x24: {  	s14 =	sand.u32 @!p0 $0x1, s14  }
0x25: {  	s14 =	smul.u32 @!p0 $0x9C40, s14  }
0x26: {  	s31 =	sadd.s32 $0xFFFFFFFF, s12;
	s15 =	sshrl.u32 @!p0 s11, $0x3  }
0x27: {  	s16 =	sand.u32 @!p0 $0x7, s11;
	s15 =	sadd.s32 @!p0 s4, s15;
	s14 =	sshrl.u32 @!p0 s14, $0x2  }
0x28: {  	[tilespmem:s14], [sflag:$0x2] =	stream.linear.gather @!p0 [hbm4b:s15+s16], $0x2710, $0x38;
	[tilespmem:$0x9C40] =	vst v63  }
0x29: {  	p0 =	sge.u32 s31, s7  }
.Ltmp2:
0x2a: {  	_ = 	snop;
	(pc) =	sbr.rel @p0 .LBB2_5-.Ltmp2, $1  }
0x2b: {  	_ =	sdelay $0x3  }
0x2c: {  	s14 =	sand.u32 $0x1, s12  }
0x2d: {  	_ =	swait.ge [sflag:s6], $0x2710;
	p0 =	seq.s32 s14, $0x1;
	s14 =	simm.s32 $0x2710  }
0x2e: {  	[sflag:s6] =	ssyncset.done $0x0;
	s14 =	simm.s32 @!p0 $0x0  }
0x2f: {  	[sflag:s6] =	ssyncadd.s32 $0xFFFFD8F0;
	(ifvalue) =	ssetifvalue $0x7FFFFFFF;
	v0 =	vld.msk [tilespmem:s14+$0x0 ss:$0x1], $0xffff;
	_ =	sdelay $0x4  }
0x30: {  	s15 =	sadd.s32 $0x10, s14;
	vm1 =	vgt.s32 v0, $0x0  }
0x31: {  	v2 =	vld.msk [tilespmem:s15+$0x0 ss:$0x1], $0xffff;
	v1 =	vnsel vm1, $0x0, v0  }
0x32: {  	v1 =	vmin.u32 v1, $0xCF84F;
	_ =	sdelay $0x2  }
0x33: {  	s17 =	simm.s32 $0x20;
	s14 =	sadd.s32 $0x4E20, s14;
	s16 =	sadd.s32 $0x10, s15  }
0x34: {  	s15 =	sadd.s32 $0x10, s14;
	s18 =	smov.u32 s14;
	v0 =	vld.msk [tilespmem:s16+$0x0 ss:$0x1], $0xffff;
	vm1 =	vgt.s32 v2, $0x0;
	(ifvalue) =	ssetifvalue $0x7FFFFFFF  }
.LBB2_3:
0x35: {  	[tilespmem:s18], [sflag:$0x1] =	stream.indirect_vreg.gather [hbm4b:s3+s10], $0x1, v1, vm0, $0x4038;
	[tilespmem:$0x9C40] =	vst v63  }
0x36: {  	s17 =	sadd.s32 $0x10, s17  }
0x37: {  	v2 =	vnsel vm1, $0x0, v2;
	p0 =	slt.u32 s17, $0x2700  }
.Ltmp3:
0x38: {  	s18 =	smov.u32 s15;
	v1 =	vmin.u32 v2, $0xCF84F;
	(pc) =	sbr.rel @p0 .LBB2_3-.Ltmp3, $3  }
0x39: {  	_ =	sdelay $0x1  }
0x3a: {  	s16 =	sadd.s32 $0x10, s16  }
0x3b: {  	vm1 =	vgt.s32 v0, $0x0;
	s15 =	sadd.s32 $0x10, s15;
	v2 =	vmov v0;
	(ifvalue) =	ssetifvalue $0x7FFFFFFF;
	v0 =	vld.msk [tilespmem:s16+$0x0 ss:$0x1], $0xffff  }
.Ltmp4:
0x3c: {  	_ = 	snop;
	(pc) =	sbr.rel .LBB2_4-.Ltmp4, $1  }
0x3d: {  	_ =	sdelay $0x3  }
.LBB2_6:
0x3e: {  	_ =	sfence.sel $0x180000  }
0x3f: {  	s2 =	simm.s32 $0x2;
	[bflag:$0x0] =	sbarrier.arrive $0xFFFF  }
0x40: {  	s30 =	simm.s32 $0x3;
	[sflag:s2] =	ssyncpa.u1 $0x1  }
0x41: {  	s31 =	simm.s32 $0x1;
	[sflag:s30] =	ssyncpa.u1 $0x1  }
0x42: {  	[sflag:s31] =	ssyncpa.u1 $0x1  }
0x43: {  	p0 =	sne.s32 s0, $0x0;
	_ =	strace $0x90000047  }
0x44: {  	s0 =	sadd.s32 @!p0 $0x100000, s1;
	[bflag:$0x2] =	sbarrier.arrive $0xFFFF  }
0x45: {  	[sflag:s0] =	ssyncadd.tile.s32 @!p0 $0x1;
	_ =	shalt  }
.Lfunc_end2:
_tile_overlayer_lowered:
.L_overlay_start_2:
0x46: {  	(tag) =	ssettag $0x2  }
0x47: {  	s0 =	rddreg [dreg:$0x0];
	s2 =	stileid.u32  }
0x48: {  	s1 =	rddreg [dreg:$0x1];
	p0 =	sne.s32 s2, $0x0  }
0x49: {  	s3 =	rddreg [dreg:$0x2];
	[bflag:$0x3] =	sbarrier.arrive $0xFFFF;
	s2 =	simm.s32 @!p0 $0x1C01  }
0x4a: {  	[timem:s3], [sflag:s2] =	dma.local @!p0 [hbm:s0], s1  }
0x4b: {  	s0 =	simm.s32 @!p0 $0x1  }
0x4c: {  	_ =	swait.ge @!p0 [sflag:s0], s1  }
0x4d: {  	s1 =	ssub.s32 @!p0 $0x0, s1;
	[sflag:s0] =	ssyncset.done @!p0 $0x0  }
0x4e: {  	[sflag:s0] =	ssyncadd.s32 @!p0 s1  }
0x4f: {  	[bflag:$0x3] =	sbarrier.arrive $0xFFFF  }
0x50: {  	_ =	shalt  }

// kernel: gather_offload_async_start.2
scs
__scs_entry_jumppad:
0x0: {  	(pc) =	sbr.rel $0x88, $3  }
0x1: {  	(tag) =	ssettag $0x0;
	lr =	simm.s32 $0x1  }
0x2: {  	[smem:$0x3F86] =	sst lr;
	_ =	strace $0xD0000000  }
0x3: {  	_ = 	snop  }
0x4: {  	_ = 	snop  }
0x5: {  	_ = 	snop  }
0x6: {  	_ = 	snop  }
0x7: {  	_ = 	snop  }
__scs_overlays_trampoline_lowered:
0x8: {  	[smem:$0x3F95] =	sst s0  }
0x9: {  	[smem:$0x3F96] =	sst s1  }
0xa: {  	[smem:$0x3F97] =	sst s2  }
0xb: {  	[smem:$0x3F98] =	sst s3  }
0xc: {  	[smem:$0x3F99] =	sst s4  }
0xd: {  	[smem:$0x3F9A] =	sst s5  }
0xe: {  	[smem:$0x3F9B] =	sst s6  }
0xf: {  	[smem:$0x3F9C] =	sst s7  }
0x10: {  	[smem:$0x3F9D] =	sst s8  }
0x11: {  	[smem:$0x3F9E] =	sst s9;
	s0 =	simm.s32 @!p0 $0x0  }
0x12: {  	s1 =	sld [smem:$0x3F84];
	s0 =	simm.s32 @p0 $0x1  }
0x13: {  	[smem:$0x3F9F] =	sst s0;
	s0 =	simm.s32 @!p1 $0x0  }
0x14: {  	s2 =	sld [smem:$0x3F83];
	s0 =	simm.s32 @p1 $0x1  }
0x15: {  	[smem:$0x3FA0] =	sst s0;
	s0 =	simm.s32 @!p2 $0x0  }
0x16: {  	s3 =	sld [smem:$0x3FDB];
	s0 =	simm.s32 @p2 $0x1  }
0x17: {  	s4 =	simm.s32 $0x1BF5;
	[smem:$0x3FA2] =	sst s0  }
0x18: {  	s0 =	sld [smem:$0x3F85];
	_ =	swait.ge [sflag:s4], $0x0  }
0x19: {  	s7 =	sld [smem:$0x3F86]  }
0x1a: {  	s8 =	sadd.s32 $0xFFFFE003, lr  }
0x1b: {  	s9 =	sadd.s32 $0xFFFFFEF7, lr;
	s5 =	simm.s32 $0xFFFFFFFF;
	p2 =	slt.u32 s8, $0xFFFFF086  }
0x1c: {  	p1 =	slt.u32 s9, $0xF7A;
	s5 =	simm.s32 @!p2 $0x0  }
0x1d: {  	s5 =	simm.s32 @p1 $0x1;
	p0 =	seq.s32 s7, s2  }
0x1e: {  	s7 =	smul.u32 @!p0 $0xF7A, s2;
	p2 =	seq.s32 @!p0 s5, $0x0  }
0x1f: {  	s9 =	smul.u32 $0xF7A, s1;
	s8 =	simm.s32 @!p0 $0x1BF5;
	p2 =	por !p2, p0  }
0x20: {  	[sflag:s8] =	ssyncset.s32 @!p0 $0xFFFFF086;
	s6 =	sadd.s32 @!p0 s3, s7;
	s7 =	simm.s32 @!p0 $0x108  }
0x21: {  	s3 =	sadd.s32 s3, s9;
	s6 =	sadd.s32 @!p0 $0x88, s6;
	s7 =	simm.s32 @p2 $0x1082  }
0x22: {  	[simem:s7], [sflag:s8] =	dma.local @!p0 [hbm:s6], $0xF7A  }
0x23: {  	s9 =	sor.u32 $0xD0000000, s2;
	s6 =	simm.s32 $0x108;
	_ =	swait.ge @!p0 [sflag:s8], $0x0  }
0x24: {  	s3 =	sadd.s32 $0x88, s3;
	s6 =	simm.s32 @!p1 $0x1082;
	[sflag:s4] =	ssyncset.s32 $0xFFFFF086  }
0x25: {  	[simem:s6], [sflag:s4] =	dma.local [hbm:s3], $0xF7A  }
0x26: {  	[smem:$0x3F86] =	sst s1;
	(tag) =	ssettag s2;
	_ =	strace s9  }
0x27: {  	s1 =	sld [smem:$0x3F96]  }
0x28: {  	s2 =	sld [smem:$0x3F97]  }
0x29: {  	s4 =	sld [smem:$0x3F99]  }
0x2a: {  	p0 =	seq.s32 s5, $0x0;
	s5 =	sld [smem:$0x3F9A]  }
0x2b: {  	s6 =	sld [smem:$0x3F9B]  }
0x2c: {  	s7 =	sld [smem:$0x3F9C]  }
0x2d: {  	s3 =	simm.s32 $0x108;
	s8 =	sld [smem:$0x3F9D]  }
0x2e: {  	s3 =	simm.s32 @!p0 $0x1082;
	s9 =	sld [smem:$0x3F9E]  }
0x2f: {  	lr =	sadd.s32 s0, s3;
	s0 =	sld [smem:$0x3F95]  }
0x30: {  	s3 =	sld [smem:$0x3F98]  }
0x31: {  	[smem:$0x3FA1] =	sst s10  }
0x32: {  	s10 =	sld [smem:$0x3F9F];
	_ =	sdelay $0x3  }
0x33: {  	p0 =	seq.s32 s10, $0x1;
	s10 =	sld [smem:$0x3FA1];
	_ =	sdelay $0x3  }
0x34: {  	[smem:$0x3FA1] =	sst s10  }
0x35: {  	s10 =	sld [smem:$0x3FA0];
	_ =	sdelay $0x3  }
0x36: {  	p1 =	seq.s32 s10, $0x1;
	s10 =	sld [smem:$0x3FA1];
	_ =	sdelay $0x3  }
0x37: {  	[smem:$0x3FA1] =	sst s10  }
0x38: {  	s10 =	sld [smem:$0x3FA2]  }
0x39: {  	_ = 	snop;
	(pc) =	sbr.ind lr, $3  }
0x3a: {  	_ = 	snop  }
0x3b: {  	_ = 	snop  }
0x3c: {  	p2 =	seq.s32 s10, $0x1;
	s10 =	sld [smem:$0x3FA1]  }
0x3d: {  	_ =	shalt  }
0x3e: {  	_ =	shalt  }
0x3f: {  	_ =	shalt  }
0x40: {  	_ =	shalt  }
0x41: {  	_ =	shalt  }
0x42: {  	_ =	shalt  }
0x43: {  	_ =	shalt  }
0x44: {  	_ =	shalt  }
0x45: {  	_ =	shalt  }
0x46: {  	_ =	shalt  }
0x47: {  	_ =	shalt  }
0x48: {  	_ =	shalt  }
0x49: {  	_ =	shalt  }
0x4a: {  	_ =	shalt  }
0x4b: {  	_ =	shalt  }
0x4c: {  	_ =	shalt  }
0x4d: {  	_ =	shalt  }
0x4e: {  	_ =	shalt  }
0x4f: {  	_ =	shalt  }
0x50: {  	_ =	shalt  }
0x51: {  	_ =	shalt  }
0x52: {  	_ =	shalt  }
0x53: {  	_ =	shalt  }
0x54: {  	_ =	shalt  }
0x55: {  	_ =	shalt  }
0x56: {  	_ =	shalt  }
0x57: {  	_ =	shalt  }
0x58: {  	_ =	shalt  }
0x59: {  	_ =	shalt  }
0x5a: {  	_ =	shalt  }
0x5b: {  	_ =	shalt  }
0x5c: {  	_ =	shalt  }
0x5d: {  	_ =	shalt  }
0x5e: {  	_ =	shalt  }
0x5f: {  	_ =	shalt  }
0x60: {  	_ =	shalt  }
0x61: {  	_ =	shalt  }
0x62: {  	_ =	shalt  }
0x63: {  	_ =	shalt  }
0x64: {  	_ =	shalt  }
0x65: {  	_ =	shalt  }
0x66: {  	_ =	shalt  }
0x67: {  	_ =	shalt  }
0x68: {  	_ =	shalt  }
0x69: {  	_ =	shalt  }
0x6a: {  	_ =	shalt  }
0x6b: {  	_ =	shalt  }
0x6c: {  	_ =	shalt  }
0x6d: {  	_ =	shalt  }
0x6e: {  	_ =	shalt  }
0x6f: {  	_ =	shalt  }
0x70: {  	_ =	shalt  }
0x71: {  	_ =	shalt  }
0x72: {  	_ =	shalt  }
0x73: {  	_ =	shalt  }
0x74: {  	_ =	shalt  }
0x75: {  	_ =	shalt  }
0x76: {  	_ =	shalt  }
0x77: {  	_ =	shalt  }
0x78: {  	_ =	shalt  }
0x79: {  	_ =	shalt  }
0x7a: {  	_ =	shalt  }
0x7b: {  	_ =	shalt  }
0x7c: {  	_ =	shalt  }
0x7d: {  	_ =	shalt  }
0x7e: {  	_ =	shalt  }
0x7f: {  	_ =	shalt  }
0x80: {  	_ =	shalt  }
0x81: {  	_ =	shalt  }
0x82: {  	_ =	shalt  }
0x83: {  	_ =	shalt  }
0x84: {  	_ =	shalt  }
0x85: {  	_ =	shalt  }
0x86: {  	_ =	shalt  }
0x87: {  	_ =	shalt  }
.Lfunc_end0:
.L_simem_size_0:
called_computation.6_lowered:
.L_overlay_start_0:
0x88: {  	s2 =	sld [smem:$0x3FD9]  }
0x89: {  	s3 =	sld [smem:$0x3FFE];
	_ =	sdelay $0x1  }
0x8a: {  	s1 =	srdreg.scid  }
0x8b: {  	s0 =	sand.u32 $0x1, s1  }
0x8c: {  	s17 =	sshll.u32 s0, $0xA;
	s2 =	sadd.s32 s3, s2  }
0x8d: {  	s2 =	sadd.s32 s2, s17  }
0x8e: {  	[smem:$0x3FAD] =	sst s2  }
0x8f: {  	_ = 	snop  }
0x90: {  	(tm) =	ssettm $0x1  }
0x91: {  	s18 =	sld [smem:$0x3FFB];
	_ =	sdelay $0x3  }
0x92: {  	_ =	strace s18  }
0x93: {  	s2 =	sld [smem:$0x3FFC];
	_ =	sdelay $0x3  }
0x94: {  	_ =	strace s2  }
0x95: {  	s2 =	sld [smem:$0x3FFD];
	_ =	sdelay $0x3  }
0x96: {  	_ =	strace s2  }
0x97: {  	_ =	strace $0x8FFFFFFF  }
0x98: {  	s19 =	sld [smem:$0x3FDB];
	_ =	sdelay $0x1  }
0x99: {  	s20 =	simm.s32 $_scs_section_size  }
0x9a: {  	s4 =	simm.s32 $_size__tile_overlayer_lowered;
	s5 =	simm.s32 $_tile_overlayer_lowered  }
0x9b: {  	s6 =	simm.s32 $0x1BFF;
	s21 =	sshll.u32 s5, $0x1;
	s3 =	sadd.s32 s20, s19  }
0x9c: {  	s22 =	simm.s32 $0x0;
	s4 =	sshll.u32 s4, $0x1;
	s5 =	sadd.s32 s21, s3  }
0x9d: {  	[timem:s22], [sflag:s6] =	dma.local [hbm:s5], s4  }
0x9e: {  	_ =	swait.ge [sflag:s6], s4  }
0x9f: {  	s4 =	ssub.s32 $0x0, s4;
	[sflag:s6] =	ssyncset.done $0x0  }
0xa0: {  	[sflag:s6] =	ssyncadd.s32 s4;
	_ =	sdelay $0x1  }
0xa1: {  	s23 =	simm.s32 $0x1B8B  }
0xa2: {  	_ =	swait.ge [sflag:s23], $0x1  }
0xa3: {  	[sflag:s23] =	ssyncset.done $0x0  }
0xa4: {  	[sflag:s23] =	ssyncadd.s32 $0xFFFFFFFF  }
0xa5: {  	s4 =	sld [smem:$0x0]  }
0xa6: {  	s5 =	sand.u32 $0xFFFFFFFE, s1  }
0xa7: {  	p0 =	sne.s32 s1, s5  }
0xa8: {  	s5 =	sshll.u32 @p0 s5, $0xE  }
0xa9: {  	s5 =	sadd.s32 @p0 $0x11B8D, s5;
	s6 =	sshll.u32 @p0 s4, $0x11  }
0xaa: {  	s5 =	sor.u32 @p0 s6, s5  }
0xab: {  	[sflag:s5] =	ssyncadd.remote.s32 @p0 $0x1;
	_ =	sdelay $0x1  }
0xac: {  	s5 =	simm.s32 @p0 $0x1B8D  }
0xad: {  	_ =	swait.eq @p0 [sflag:s5], $0x1  }
0xae: {  	[sflag:s5] =	ssyncadd.s32 @p0 $0xFFFFFFFF  }
0xaf: {  	s6 =	sshll.u32 @!p0 s1, $0xE  }
0xb0: {  	s6 =	sor.u32 @!p0 $0x4000, s6;
	s5 =	simm.s32 @!p0 $0x1B8D  }
0xb1: {  	s4 =	sshll.u32 @!p0 s4, $0x11;
	s6 =	sadd.s32 @!p0 $0x11B8D, s6;
	_ =	swait.eq @!p0 [sflag:s5], $0x1  }
0xb2: {  	s4 =	sor.u32 @!p0 s4, s6;
	[sflag:s5] =	ssyncadd.s32 @!p0 $0xFFFFFFFF  }
0xb3: {  	s25 =	simm.s32 $0x1B8E;
	s24 =	sld [smem:$0x3FFE];
	[sflag:s4] =	ssyncadd.remote.s32 @!p0 $0x1  }
0xb4: {  	s26 =	simm.s32 $execute0_lowered;
	[smem:$0x3FD2] =	sst s25  }
0xb5: {  	s5 =	sshll.u32 s26, $0x1;
	_ =	strace $0x8000004F;
	[dreg:$0x1] =	wrdreg $0xFFFFFFFF  }
0xb6: {  	s28 =	simm.s32 $_size_execute0_lowered;
	s3 =	sadd.s32 s3, s5;
	[dreg:$0x0] =	wrdreg $0x0  }
0xb7: {  	s5 =	sshll.u32 s28, $0x1;
	[dreg:$0x2] =	wrdreg s3  }
0xb8: {  	[dreg:$0x3] =	wrdreg s5  }
0xb9: {  	[dreg:$0x4] =	wrdreg $0xC0  }
0xba: {  	_ =	task [dreg:s22], $0x5FFFF  }
0xbb: {  	[dreg:$0x1] =	wrdreg $0xFFFFFFFF  }
0xbc: {  	[dreg:$0x0] =	wrdreg $0x60  }
0xbd: {  	[dreg:$0x2] =	wrdreg s24  }
0xbe: {  	[dreg:$0x3] =	wrdreg $0x9  }
0xbf: {  	_ =	task.clear_ibuf [dreg:s22], $0x4FFFF;
	_ =	strace $0x9000004F  }
0xc0: {  	s29 =	simm.s32 $0x9;
	_ =	strace $0x80000051  }
0xc1: {  	_ =	swait.ge [sflag:s29], $0x1  }
0xc2: {  	[sflag:s29] =	ssyncadd.s32 $0xFFFFFFFF  }
0xc3: {  	_ =	strace $0x90000051  }
0xc4: {  	_ =	sfence  }
0xc5: {  	s30 =	sld [smem:$0x0];
	_ =	sdelay $0x2  }
0xc6: {  	s31 =	sshll.u32 s1, $0xD;
	s1 =	sshrl.u32 s1, $0x2  }
0xc7: {  	s4 =	sand.u32 $0x4000, s31;
	s1 =	sadd.s32 s1, s30  }
0xc8: {  	s0 =	sor.u32 s4, s0;
	s1 =	sshll.u32 s1, $0x11  }
0xc9: {  	s0 =	sor.u32 s1, s0  }
0xca: {  	s0 =	sadd.s32 $0x8F2B, s0  }
0xcb: {  	[sflag:s0] =	ssyncadd.remote.s32 $0x1  }
0xcc: {  	_ =	sfence.sel $0xFFFF  }
0xcd: {  	[dreg:$0x0] =	wrdreg $0xFFFFFFFF;
	(pc) =	sbr.abs _section_cstart, $3  }
0xce: {  	[dreg:$0x1] =	wrdreg $0xFFFFFFFF  }
0xcf: {  	_ =	task.clear_ibuf [dreg:s22], $0x2FFFF;
	_ =	strace $0x9FFFFFFF  }
0xd0: {  	(tm) =	ssettm $0x7FFFFFFF  }
0xd1: {  	_ =	shalt  }
tec
execute0_lowered:
.L_overlay_start_1:
0x0: {  	(tag) =	ssettag $0x1  }
0x1: {  	s8 =	rddreg [dreg:$0x0]  }
0x2: {  	s0 =	rddreg [dreg:$0x1];
	s1 =	srdreg.scid;
	_ =	strace $0x80000050  }
0x3: {  	s4 =	simm.s32 $0x1;
	s6 =	simm.s32 $0x2;
	s10 =	simm.s32 $0x3  }
0x4: {  	p3 =	por $0x0, $0x0;
	s11 =	simm.s32 $0x80;
	s3 =	sshll.u32 s1, $0x4  }
.Ltmp0:
0x5: {  	s1 =	stileid.u32;
	s5 =	sand.u32 $0x10, s3;
	(pc) =	sbr.rel .LBB2_1-.Ltmp0, $4  }
0x6: {  	s2 =	sadd.s32 $0xE87400, s8;
	[sflag:s4] =	ssyncpa.u1 $0x0;
	s5 =	sor.u32 s1, s5  }
0x7: {  	s7 =	sadd.s32 $0x13DE800, s8;
	[sflag:s6] =	ssyncpa.u1 $0x0;
	s5 =	smul.u32 $0x6800, s5  }
0x8: {  	s3 =	sadd.s32 $0x68000, s8;
	s8 =	sadd.s32 $0x82000, s8;
	[sflag:s10] =	ssyncpa.u1 $0x0  }
0x9: {  	v0 =	vlaneseq.u32;
	s10 =	simm.s32 $0x0;
	s9 =	sadd.s32 $0x6800, s5;
	s12 =	smov.u32 s5  }
.LBB2_6:
0xa: {  	s15 =	sadd.s32 s17, s15  }
0xb: {  	v2 =	vld.msk [tilespmem:s15+$0x0 ss:$0x1], $0x1;
	_ =	sdelay $0x2  }
0xc: {  	(v2sf) =	vpush v1, $0x1  }
0xd: {  	(v2sf) =	vpush v1, $0x0  }
0xe: {  	(v2sf) =	vpush v2, $0x0;
	_ =	sdelay $0xc  }
0xf: {  	p0 =	seq.s32 s19, $0xFC;
	s18 =	simm.s32 $0x1;
	s15 =	spop (v2sf)  }
0x10: {  	s18 =	simm.s32 @!p0 $0x2;
	s15 =	simm.s32 @p1 $0xFFFFFFFF;
	s23 =	spop (v2sf)  }
0x11: {  	p0 =	sne.s32 s23, s15;
	s15 =	simm.s32 $0x1;
	s20 =	spop (v2sf)  }
0x12: {  	v1 =	vmov s18;
	s15 =	simm.s32 @!p0 $0x0;
	s24 =	sshrl.u32 s20, $0x3  }
0x13: {  	vm0 =	vgt.u32 v1, v0;
	s15 =	sadd.s32 s15, s16;
	s26 =	sshll.u32 s20, $0x7;
	s25 =	smul.u32 $0x1C00, s24  }
0x14: {  	s15 =	smul.u32 $0xE00, s15;
	s28 =	sand.u32 $0x380, s26  }
0x15: {  	s16 =	sor.u32 s28, s25  }
0x16: {  	s15 =	sshra.s32 s15, $0x2;
	s16 =	sshrl.u32 s16, $0x3  }
0x17: {  	s13 =	sadd.s32 s17, s13;
	s14 =	sadd.s32 s15, s14;
	s29 =	sadd.s32 s7, s16  }
0x18: {  	[hbm:s29] =	stream.strided.scatter [tilespmem:s14], [sflag:$0x3], $0x380, s11, s11, $0x38;
	[tilespmem:$0x1C100] =	vst v63  }
0x19: {  	v1 =	vld.msk [tilespmem:s13+$0x0 ss:$0x1], vm0;
	_ =	sdelay $0x4  }
0x1a: {  	(v2sf) =	vpush v1, $0x1  }
0x1b: {  	(v2sf) =	vpush v1, $0x0;
	_ =	sdelay $0xb  }
0x1c: {  	s13 =	sld [smem:$0x7FB];
	_ =	sdelay $0x1  }
0x1d: {  	s30 =	spop (v2sf)  }
0x1e: {  	p3 =	seq.s32 s13, $0x1;
	s31 =	spop (v2sf)  }
.LBB2_7:
0x1f: {  	p0 =	slt.u32 s10, $0x2;
	s10 =	sadd.s32 $0x1, s10  }
0x20: {  	p2 =	sne.s32 s10, $0x1A2  }
.Ltmp1:
0x21: {  	_ = 	snop;
	(pc) =	sbr.rel @!p2 .LBB2_8-.Ltmp1, $4  }
0x22: {  	s13 =	simm.s32 @!p0 $0x3  }
0x23: {  	s14 =	sadd.s32 $0x40, s12;
	_ =	swait.ge @!p0 [sflag:s13], $0xE000  }
0x24: {  	s12 =	smov.u32 s5;
	p1 =	slt.s32 s14, s9;
	[sflag:s13] =	ssyncset.done @!p0 $0x0  }
0x25: {  	p3 =	por !p3, !p3;
	s12 =	smov.u32 @p1 s14;
	[sflag:s13] =	ssyncadd.s32 @!p0 $0xFFFF2000  }
.LBB2_1:
0x26: {  	p0 =	sgt.u32 s10, $0x19F  }
0x27: {  	s13 =	sxor.u32 @!p0 $0xFFFFFFFF, s10  }
0x28: {  	s14 =	sshrl.u32 @!p0 s12, $0x3;
	s13 =	sshll.u32 @!p0 s13, $0x6  }
0x29: {  	s16 =	sand.u32 @!p0 $0x7, s12;
	s15 =	sadd.s32 @!p0 s3, s14;
	s13 =	sand.u32 @!p0 $0x40, s13  }
0x2a: {  	[tilespmem:s13], [sflag:$0x2] =	stream.linear.gather @!p0 [hbm4b:s15+s16], $0x40, $0x38;
	[tilespmem:$0x1C100] =	vst v63  }
0x2b: {  	s31 =	sadd.s32 $0xFFFFFFFF, s10;
	s14 =	sadd.s32 @!p0 s8, s14;
	s13 =	sor.u32 @!p0 $0x80, s13  }
0x2c: {  	[tilespmem:s13], [sflag:$0x2] =	stream.linear.gather @!p0 [hbm4b:s14+s16], $0x40, $0x38;
	[tilespmem:$0x1C100] =	vst v63  }
0x2d: {  	p0 =	sgt.u32 s31, $0x19F  }
.Ltmp2:
0x2e: {  	_ = 	snop;
	(pc) =	sbr.rel @p0 .LBB2_7-.Ltmp2, $1  }
0x2f: {  	_ =	sdelay $0x3  }
0x30: {  	p2 =	por $0x0, $0x0;
	s13 =	simm.s32 $0x1  }
0x31: {  	s13 =	simm.s32 @!p2 $0x2  }
0x32: {  	v1 =	vmov s13  }
0x33: {  	s14 =	simm.s32 @!p3 $0x0;
	vm0 =	vgt.u32 v1, v0  }
0x34: {  	s14 =	simm.s32 @p3 $0x1  }
0x35: {  	s13 =	simm.s32 $0x1;
	[smem:$0x7FB] =	sst s14  }
0x36: {  	s13 =	simm.s32 @!p3 $0x0;
	_ =	swait.ge [sflag:s6], $0x80  }
0x37: {  	s13 =	sshll.u32 s13, $0x6;
	[sflag:s6] =	ssyncset.done $0x0  }
0x38: {  	[sflag:s6] =	ssyncadd.s32 $0xFFFFFF80;
	s25 =	sadd.s32 $0x0, s13  }
0x39: {  	v1 =	vld.msk [tilespmem:s25+$0x0 ss:$0x1], vm0;
	_ =	sdelay $0x4  }
0x3a: {  	(v2sf) =	vpush v1, $0x1  }
0x3b: {  	(v2sf) =	vpush v1, $0x0;
	_ =	sdelay $0x1  }
0x3c: {  	p0 =	por $0x0, $0x0;
	s14 =	simm.s32 $0x1  }
0x3d: {  	s14 =	simm.s32 @!p0 $0x2  }
0x3e: {  	v2 =	vmov s14  }
0x3f: {  	vm12 =	vgt.u32 v2, v0;
	_ =	sdelay $0x3  }
0x40: {  	p1 =	por $0x0, $0x0;
	s15 =	simm.s32 $0x1  }
0x41: {  	s15 =	simm.s32 @!p1 $0x2;
	s26 =	sadd.s32 $0x1, s13  }
0x42: {  	v3 =	vmov s15;
	v2 =	vld.msk [tilespmem:s26+$0x0 ss:$0x1], vm12  }
0x43: {  	p2 =	por p2, p2;
	vm13 =	vgt.u32 v3, v0  }
0x44: {  	p2 =	por p2, p2  }
0x45: {  	p2 =	por p2, p2;
	s14 =	spop (v2sf)  }
0x46: {  	s14 =	simm.s32 @p2 $0xFFFFFFFF;
	s16 =	spop (v2sf)  }
0x47: {  	(v2sf) =	vpush v2, $0x1;
	p2 =	seq.s32 s16, s14  }
0x48: {  	s28 =	sadd.s32 $0x2, s13;
	(v2sf) =	vpush v2, $0x0;
	vm0 =	vgt.s32 @!p2 v1, $0x0  }
0x49: {  	v3 =	vld.msk [tilespmem:s28+$0x0 ss:$0x1], vm13;
	v1 =	vnsel @!p2 vm0, $0x0, v1  }
0x4a: {  	v1 =	vmin.u32 @!p2 v1, $0xC34F  }
0x4b: {  	(v2sf) =	vpush @!p2 v1, $0x0  }
0x4c: {  	s29 =	sand.u32 $0x1, s10;
	s20 =	simm.s32 $0x1  }
0x4d: {  	s24 =	simm.s32 $0x1;
	p4 =	por p1, p1;
	p1 =	por $0x0, $0x0  }
0x4e: {  	s22 =	simm.s32 $0x18;
	s20 =	simm.s32 @!p1 $0x2;
	p4 =	por p4, p4;
	(v2sf) =	vpush v3, $0x1  }
0x4f: {  	p5 =	por p1, p1;
	p1 =	por $0x0, $0x0;
	p0 =	por p0, p0;
	(v2sf) =	vpush v3, $0x0  }
0x50: {  	s24 =	simm.s32 @!p1 $0x2;
	p1 =	por p4, p4;
	p5 =	por p5, p5  }
0x51: {  	p4 =	por $0x0, $0x0;
	p0 =	por p0, p0;
	s15 =	sor.u32 $0x80, s13  }
0x52: {  	p3 =	por p0, p0;
	s30 =	sadd.s32 $0x3, s13;
	s31 =	sadd.s32 $0x4, s13  }
0x53: {  	s28 =	simm.s32 $0x1;
	s14 =	smul.u32 $0x38000, s29;
	s16 =	simm.s32 $0x0  }
0x54: {  	s17 =	smul.u32 @!p2 $0xE00, s16;
	s18 =	simm.s32 @!p2 $0x1;
	s19 =	simm.s32 @!p2 $0x80;
	v1 =	vmov s20  }
0x55: {  	p6 =	por p2, p2;
	s14 =	sshrl.u32 s14, $0x2;
	s18 =	smov.u32 @p2 s16;
	vm14 =	vgt.u32 v1, v0  }
0x56: {  	s16 =	spop (v2sf);
	s14 =	sor.u32 $0x100, s14;
	s17 =	sshra.s32 @!p2 s17, $0x2  }
0x57: {  	s16 =	simm.s32 @p3 $0xFFFFFFFF;
	s21 =	spop (v2sf);
	p3 =	por p4, p4  }
0x58: {  	v4 =	vmov s24;
	p4 =	por p6, p6;
	p6 =	por $0x0, $0x0;
	s24 =	simm.s32 @!p3 $0x0  }
0x59: {  	s20 =	simm.s32 $0x14;
	p0 =	seq.s32 s21, s16;
	s24 =	simm.s32 @p3 $0x1  }
0x5a: {  	[smem:$0x7FC] =	sst s24;
	s24 =	spop @!p2 (v2sf);
	p2 =	por p0, p0  }
0x5b: {  	s28 =	simm.s32 @!p6 $0x2;
	s16 =	smul.u32 @!p0 $0xE00, s18;
	vm1 =	vgt.s32 @!p0 v2, $0x0;
	v1 =	vld.msk [tilespmem:s30+$0x0 ss:$0x1], vm14;
	s21 =	simm.s32 @!p2 $0x0  }
0x5c: {  	vm15 =	vgt.u32 v4, v0;
	s23 =	sadd.s32 @!p0 $0x1, s18;
	v2 =	vnsel @!p0 vm1, $0x0, v2;
	s25 =	sshrl.u32 @!p4 s24, $0x3;
	s21 =	simm.s32 @p2 $0x1  }
0x5d: {  	v2 =	vmin.u32 @!p0 v2, $0xC34F;
	s24 =	sshll.u32 @!p4 s24, $0x7;
	[smem:$0x7FD] =	sst s21;
	s21 =	spop (v2sf)  }
0x5e: {  	(v2sf) =	vpush @!p0 v2, $0x0;
	s25 =	smul.u32 @!p4 $0x1C00, s25;
	s21 =	simm.s32 @p1 $0xFFFFFFFF;
	s26 =	spop (v2sf)  }
0x5f: {  	s23 =	smov.u32 @p0 s18;
	s24 =	sand.u32 @!p4 $0x380, s24;
	p3 =	seq.s32 s26, s21  }
0x60: {  	s18 =	sshra.s32 @!p0 s16, $0x2;
	(v2sf) =	vpush v1, $0x1;
	s25 =	sor.u32 @!p4 s24, s25;
	vm1 =	vgt.s32 @!p3 v3, $0x0;
	s26 =	smul.u32 @!p3 $0xE00, s23  }
0x61: {  	s16 =	simm.s32 @!p0 $0x80;
	(v2sf) =	vpush v1, $0x0;
	s25 =	sshrl.u32 @!p4 s25, $0x3;
	s21 =	sadd.s32 @!p3 $0x1, s23;
	v4 =	vnsel @!p3 vm1, $0x0, v3  }
0x62: {  	v2 =	vld.msk [tilespmem:s31+$0x0 ss:$0x1], vm15;
	s21 =	smov.u32 @p3 s23;
	v3 =	vmov s28;
	s23 =	simm.s32 @!p3 $0x80;
	v4 =	vmin.u32 @!p3 v4, $0xC34F;
	s24 =	sshra.s32 @!p3 s26, $0x2  }
.LBB2_3:
0x63: {  	s26 =	smov.u32 s21;
	p2 =	por p0, p0  }
0x64: {  	p0 =	por p3, p3;
	s21 =	sadd.s32 @!p4 s2, s25;
	s25 =	sadd.s32 @!p4 s17, s14  }
0x65: {  	s28 =	smov.u32 s22;
	s22 =	sadd.s32 $0x4, s22;
	s31 =	sld [smem:$0x7FC]  }
0x66: {  	s17 =	smov.u32 s18;
	s18 =	smov.u32 s24;
	s29 =	sld [smem:$0x7FD]  }
0x67: {  	[tilespmem:s25], [sflag:$0x1] =	stream.strided.gather @!p4 [hbm:s21], $0x380, s19, s19, $0x38;
	[tilespmem:$0x1C100] =	vst v63  }
0x68: {  	(v2sf) =	vpush @!p3 v4, $0x0;
	p3 =	por p5, p5;
	s30 =	sshra.s32 s20, $0x2;
	s19 =	smov.u32 s16  }
0x69: {  	s16 =	smov.u32 s23;
	s20 =	smov.u32 s28;
	p1 =	seq.s32 s31, $0x1  }
0x6a: {  	p5 =	por p1, p1;
	p1 =	por p6, p6;
	p6 =	seq.s32 s29, $0x1  }
0x6b: {  	s28 =	simm.s32 $0x1;
	s24 =	simm.s32 @!p1 $0x0;
	p4 =	por p6, p6  }
0x6c: {  	vm0 =	vgt.u32 v3, v0;
	p6 =	por p0, p0;
	s24 =	simm.s32 @p1 $0x1;
	p1 =	sne.s32 s22, $0x100  }
0x6d: {  	s21 =	simm.s32 @!p6 $0x0;
	s23 =	spop @!p2 (v2sf);
	[smem:$0x7FC] =	sst s24  }
0x6e: {  	s21 =	simm.s32 @p6 $0x1;
	s25 =	sshrl.u32 @!p4 s23, $0x3;
	s23 =	sshll.u32 @!p4 s23, $0x7  }
0x6f: {  	p6 =	seq.s32 s20, $0xFC;
	[smem:$0x7FD] =	sst s21;
	s24 =	spop (v2sf)  }
.Ltmp3:
0x70: {  	s24 =	simm.s32 @p3 $0xFFFFFFFF;
	s31 =	spop (v2sf);
	(pc) =	sbr.rel @p1 .LBB2_3-.Ltmp3, $4  }
0x71: {  	s21 =	sadd.s32 s30, s13;
	p3 =	seq.s32 s31, s24;
	s24 =	smul.u32 @!p4 $0x1C00, s25  }
0x72: {  	(v2sf) =	vpush v2, $0x1;
	v3 =	vmov v2;
	s23 =	sand.u32 @!p4 $0x380, s23;
	v2 =	vld.msk [tilespmem:s21+$0x0 ss:$0x1], vm0;
	vm0 =	vgt.s32 @!p3 v1, $0x0;
	s25 =	smul.u32 @!p3 $0xE00, s26;
	s21 =	sadd.s32 @!p3 $0x1, s26  }
0x73: {  	s28 =	simm.s32 @!p6 $0x2;
	v4 =	vnsel @!p3 vm0, $0x0, v1;
	s21 =	smov.u32 @p3 s26;
	s26 =	sor.u32 @!p4 s23, s24  }
0x74: {  	(v2sf) =	vpush v3, $0x0;
	v1 =	vmovc v3;
	v3 =	vmov s28;
	s23 =	simm.s32 @!p3 $0x80;
	v4 =	vmin.u32 @!p3 v4, $0xC34F;
	s24 =	sshra.s32 @!p3 s25, $0x2;
	s25 =	sshrl.u32 @!p4 s26, $0x3  }
0x75: {  	_ =	sdelay $0x4  }
0x76: {  	vm0 =	vgt.u32 v3, v0;
	_ =	sdelay $0x1  }
0x77: {  	(v2sf) =	vpush @!p3 v4, $0x0  }
0x78: {  	(v2sf) =	vpush v2, $0x1  }
0x79: {  	s20 =	sshra.s32 s20, $0x2;
	s22 =	spop @!p0 (v2sf);
	(v2sf) =	vpush v2, $0x0  }
0x7a: {  	s20 =	sadd.s32 s20, s13  }
0x7b: {  	s17 =	sadd.s32 @!p4 s17, s14;
	v3 =	vld.msk [tilespmem:s20+$0x0 ss:$0x1], vm0;
	s20 =	sadd.s32 @!p4 s2, s25  }
0x7c: {  	[tilespmem:s17], [sflag:$0x1] =	stream.strided.gather @!p4 [hbm:s20], $0x380, s19, s19, $0x38;
	[tilespmem:$0x1C100] =	vst v63  }
0x7d: {  	p0 =	por p5, p5;
	s26 =	spop (v2sf)  }
0x7e: {  	s26 =	simm.s32 @p0 $0xFFFFFFFF;
	s28 =	spop (v2sf)  }
0x7f: {  	s17 =	sld [smem:$0x7FD];
	p0 =	seq.s32 s28, s26  }
0x80: {  	vm0 =	vgt.s32 @!p0 v1, $0x0  }
0x81: {  	s30 =	sld [smem:$0x7FC];
	v1 =	vnsel @!p0 vm0, $0x0, v1  }
0x82: {  	p1 =	seq.s32 s17, $0x1;
	v1 =	vmin.u32 @!p0 v1, $0xC34F  }
0x83: {  	p2 =	por p1, p1;
	(v2sf) =	vpush @!p0 v1, $0x0  }
0x84: {  	p4 =	por p3, p3;
	p5 =	seq.s32 s30, $0x1;
	s17 =	sshrl.u32 @!p2 s22, $0x3;
	(v2sf) =	vpush v3, $0x1  }
0x85: {  	p1 =	por p5, p5;
	s19 =	sshll.u32 @!p2 s22, $0x7;
	s17 =	smul.u32 @!p2 $0x1C00, s17;
	(v2sf) =	vpush v3, $0x0  }
0x86: {  	p1 =	por p1, p1;
	s19 =	sand.u32 @!p2 $0x380, s19;
	s20 =	spop @!p3 (v2sf)  }
0x87: {  	s18 =	sadd.s32 @!p2 s18, s14;
	s17 =	sor.u32 @!p2 s19, s17;
	s22 =	spop (v2sf)  }
0x88: {  	s17 =	sshrl.u32 @!p2 s17, $0x3;
	s22 =	simm.s32 @p1 $0xFFFFFFFF;
	s31 =	spop (v2sf)  }
0x89: {  	p3 =	por p4, p4;
	s17 =	sadd.s32 @!p2 s2, s17;
	p1 =	seq.s32 s31, s22  }
0x8a: {  	[tilespmem:s18], [sflag:$0x1] =	stream.strided.gather @!p2 [hbm:s17], $0x380, s16, s16, $0x38;
	[tilespmem:$0x1C100] =	vst v63  }
0x8b: {  	s16 =	sshrl.u32 @!p3 s20, $0x3;
	vm0 =	vgt.s32 @!p1 v2, $0x0  }
0x8c: {  	s17 =	sshll.u32 @!p3 s20, $0x7;
	s16 =	smul.u32 @!p3 $0x1C00, s16;
	v1 =	vnsel @!p1 vm0, $0x0, v2  }
0x8d: {  	s17 =	sand.u32 @!p3 $0x380, s17;
	v1 =	vmin.u32 @!p1 v1, $0xC34F  }
0x8e: {  	s16 =	sor.u32 @!p3 s17, s16;
	(v2sf) =	vpush @!p1 v1, $0x0  }
0x8f: {  	s16 =	sshrl.u32 @!p3 s16, $0x3  }
0x90: {  	p5 =	por p6, p6;
	s17 =	sadd.s32 @!p3 s24, s14;
	s16 =	sadd.s32 @!p3 s2, s16  }
0x91: {  	[tilespmem:s17], [sflag:$0x1] =	stream.strided.gather @!p3 [hbm:s16], $0x380, s23, s23, $0x38;
	[tilespmem:$0x1C100] =	vst v63  }
0x92: {  	p2 =	por p5, p5;
	s18 =	spop @!p0 (v2sf)  }
0x93: {  	p2 =	por p2, p2;
	s19 =	spop (v2sf)  }
0x94: {  	p6 =	por p0, p0;
	s19 =	simm.s32 @p2 $0xFFFFFFFF;
	s20 =	spop (v2sf)  }
0x95: {  	p3 =	por p6, p6;
	p2 =	seq.s32 s20, s19  }
0x96: {  	s16 =	sshrl.u32 @!p3 s18, $0x3;
	vm0 =	vgt.s32 @!p2 v3, $0x0  }
0x97: {  	s17 =	sshll.u32 @!p3 s18, $0x7;
	s16 =	smul.u32 @!p3 $0x1C00, s16;
	v1 =	vnsel @!p2 vm0, $0x0, v3  }
0x98: {  	s18 =	smul.u32 @!p0 $0xE00, s21;
	s17 =	sand.u32 @!p3 $0x380, s17;
	v1 =	vmin.u32 @!p2 v1, $0xC34F  }
0x99: {  	s16 =	sor.u32 @!p3 s17, s16;
	(v2sf) =	vpush @!p2 v1, $0x0  }
0x9a: {  	p5 =	por p1, p1;
	s17 =	sshra.s32 @!p0 s18, $0x2;
	s16 =	sshrl.u32 @!p3 s16, $0x3  }
0x9b: {  	s18 =	simm.s32 @!p0 $0x80;
	s17 =	sadd.s32 @!p3 s17, s14;
	s16 =	sadd.s32 @!p3 s2, s16  }
0x9c: {  	[tilespmem:s17], [sflag:$0x1] =	stream.strided.gather @!p3 [hbm:s16], $0x380, s18, s18, $0x38;
	[tilespmem:$0x1C100] =	vst v63  }
0x9d: {  	p3 =	por p5, p5;
	s16 =	spop @!p1 (v2sf)  }
0x9e: {  	s17 =	sadd.s32 @!p0 $0x1, s21;
	s18 =	sshrl.u32 @!p3 s16, $0x3  }
0x9f: {  	s17 =	smov.u32 @p0 s21;
	s16 =	sshll.u32 @!p3 s16, $0x7;
	s18 =	smul.u32 @!p3 $0x1C00, s18  }
0xa0: {  	s19 =	smul.u32 @!p1 $0xE00, s17;
	s16 =	sand.u32 @!p3 $0x380, s16  }
0xa1: {  	s16 =	sor.u32 @!p3 s16, s18  }
0xa2: {  	s18 =	sshra.s32 @!p1 s19, $0x2;
	s16 =	sshrl.u32 @!p3 s16, $0x3  }
0xa3: {  	s19 =	simm.s32 @!p1 $0x80;
	s18 =	sadd.s32 @!p3 s18, s14;
	s16 =	sadd.s32 @!p3 s2, s16  }
0xa4: {  	[tilespmem:s18], [sflag:$0x1] =	stream.strided.gather @!p3 [hbm:s16], $0x380, s19, s19, $0x38;
	[tilespmem:$0x1C100] =	vst v63  }
0xa5: {  	s18 =	sadd.s32 @!p1 $0x1, s17  }
0xa6: {  	s18 =	smov.u32 @p1 s17  }
0xa7: {  	p6 =	por p2, p2;
	s20 =	sadd.s32 @!p2 $0x1, s18  }
0xa8: {  	p0 =	por p6, p6;
	s20 =	smov.u32 @p2 s18;
	s16 =	spop @!p2 (v2sf)  }
0xa9: {  	s22 =	smul.u32 $0xE00, s20;
	s19 =	sshrl.u32 @!p0 s16, $0x3  }
0xaa: {  	s16 =	sshll.u32 @!p0 s16, $0x7;
	s17 =	smul.u32 @!p0 $0x1C00, s19  }
0xab: {  	s19 =	smul.u32 @!p2 $0xE00, s18;
	s16 =	sand.u32 @!p0 $0x380, s16  }
0xac: {  	s16 =	sor.u32 @!p0 s16, s17  }
0xad: {  	s23 =	sshrl.u32 s22, $0x2;
	s17 =	sshra.s32 @!p2 s19, $0x2;
	s16 =	sshrl.u32 @!p0 s16, $0x3  }
0xae: {  	s18 =	simm.s32 @!p2 $0x80;
	s17 =	sadd.s32 @!p0 s17, s14;
	s16 =	sadd.s32 @!p0 s2, s16  }
0xaf: {  	[tilespmem:s17], [sflag:$0x1] =	stream.strided.gather @!p0 [hbm:s16], $0x380, s18, s18, $0x38;
	[tilespmem:$0x1C100] =	vst v63  }
0xb0: {  	_ =	swait.ge [sflag:s4], s23  }
0xb1: {  	s16 =	ssub.s32 $0x0, s23;
	[sflag:s4] =	ssyncset.done $0x0  }
0xb2: {  	s24 =	sadd.s32 $0x0, s15;
	[sflag:s4] =	ssyncadd.s32 s16  }
0xb3: {  	v1 =	vld.msk [tilespmem:s24+$0x0 ss:$0x1], $0x1;
	_ =	sdelay $0x4  }
0xb4: {  	(v2sf) =	vpush v1, $0x0;
	_ =	sdelay $0xd  }
0xb5: {  	p1 =	por $0x0, $0x0;
	s17 =	simm.s32 $0x1  }
0xb6: {  	s17 =	simm.s32 @!p1 $0x2;
	s25 =	spop (v2sf)  }
0xb7: {  	v1 =	vmov s17;
	s26 =	sshrl.u32 s25, $0x3  }
0xb8: {  	s16 =	simm.s32 $0x0;
	vm15 =	vgt.u32 v1, v0;
	s18 =	sshll.u32 s25, $0x7;
	s28 =	smul.u32 $0x1C00, s26  }
0xb9: {  	s29 =	smul.u32 $0xE00, s16;
	s18 =	sand.u32 $0x380, s18  }
0xba: {  	s17 =	sor.u32 s18, s28  }
0xbb: {  	s30 =	sshra.s32 s29, $0x2;
	s17 =	sshrl.u32 s17, $0x3  }
0xbc: {  	s31 =	sadd.s32 $0x0, s13;
	s18 =	sadd.s32 s30, s14;
	s17 =	sadd.s32 s7, s17  }
0xbd: {  	[hbm:s17] =	stream.strided.scatter [tilespmem:s18], [sflag:$0x3], $0x380, s11, s11, $0x38;
	[tilespmem:$0x1C100] =	vst v63  }
0xbe: {  	s19 =	simm.s32 $0x4;
	s17 =	simm.s32 $0x1;
	s18 =	simm.s32 $0x8;
	v1 =	vld.msk [tilespmem:s31+$0x0 ss:$0x1], vm15  }
.LBB2_5:
0xbf: {  	p0 =	sne.s32 s18, $0xFC;
	s20 =	sadd.s32 s17, s15  }
0xc0: {  	v2 =	vld.msk [tilespmem:s20+$0x0 ss:$0x1], $0x1;
	_ =	sdelay $0x3  }
0xc1: {  	(v2sf) =	vpush v1, $0x1  }
0xc2: {  	(v2sf) =	vpush v1, $0x0  }
0xc3: {  	(v2sf) =	vpush v2, $0x0;
	_ =	sdelay $0xc  }
0xc4: {  	s20 =	spop (v2sf)  }
0xc5: {  	s21 =	simm.s32 $0x1;
	s20 =	simm.s32 @p1 $0xFFFFFFFF;
	p1 =	seq.s32 s19, $0xFC  }
0xc6: {  	s19 =	spop (v2sf);
	s21 =	simm.s32 @!p1 $0x2  }
0xc7: {  	s22 =	spop (v2sf);
	p2 =	sne.s32 s19, s20;
	v1 =	vmov s21;
	s21 =	simm.s32 $0x1  }
0xc8: {  	s19 =	smov.u32 s18;
	s20 =	sshrl.u32 s22, $0x3;
	s21 =	simm.s32 @!p2 $0x0  }
0xc9: {  	s22 =	sshll.u32 s22, $0x7;
	s20 =	smul.u32 $0x1C00, s20;
	vm0 =	vgt.u32 v1, v0;
	s16 =	sadd.s32 s21, s16  }
0xca: {  	s21 =	sand.u32 $0x380, s22;
	s22 =	smul.u32 $0xE00, s16  }
.Ltmp4:
0xcb: {  	s20 =	sor.u32 s21, s20;
	(pc) =	sbr.rel @p0 .LBB2_5-.Ltmp4, $4  }
0xcc: {  	s20 =	sshrl.u32 s20, $0x3;
	s21 =	sshra.s32 s22, $0x2  }
0xcd: {  	s20 =	sadd.s32 s7, s20;
	s22 =	sadd.s32 s17, s13;
	s21 =	sadd.s32 s21, s14  }
0xce: {  	[hbm:s20] =	stream.strided.scatter [tilespmem:s21], [sflag:$0x3], $0x380, s11, s11, $0x38;
	[tilespmem:$0x1C100] =	vst v63  }
0xcf: {  	s18 =	sadd.s32 $0x4, s18;
	s17 =	sshra.s32 s19, $0x2;
	v1 =	vld.msk [tilespmem:s22+$0x0 ss:$0x1], vm0  }
.Ltmp5:
0xd0: {  	_ = 	snop;
	(pc) =	sbr.rel .LBB2_6-.Ltmp5, $1  }
0xd1: {  	_ =	sdelay $0x3  }
.LBB2_8:
0xd2: {  	_ =	sfence.sel $0x180000  }
0xd3: {  	s2 =	simm.s32 $0x2;
	[bflag:$0x0] =	sbarrier.arrive $0xFFFF  }
0xd4: {  	s30 =	simm.s32 $0x3;
	[sflag:s2] =	ssyncpa.u1 $0x1  }
0xd5: {  	s31 =	simm.s32 $0x1;
	[sflag:s30] =	ssyncpa.u1 $0x1  }
0xd6: {  	[sflag:s31] =	ssyncpa.u1 $0x1  }
0xd7: {  	p0 =	sne.s32 s1, $0x0;
	_ =	strace $0x90000050  }
0xd8: {  	s0 =	sadd.s32 @!p0 $0x100000, s0;
	[bflag:$0x2] =	sbarrier.arrive $0xFFFF  }
0xd9: {  	[sflag:s0] =	ssyncadd.tile.s32 @!p0 $0x1;
	_ =	shalt  }
.Lfunc_end2:
_tile_overlayer_lowered:
.L_overlay_start_2:
0xda: {  	(tag) =	ssettag $0x2  }
0xdb: {  	s0 =	rddreg [dreg:$0x0];
	s2 =	stileid.u32  }
0xdc: {  	s1 =	rddreg [dreg:$0x1];
	p0 =	sne.s32 s2, $0x0  }
0xdd: {  	s3 =	rddreg [dreg:$0x2];
	[bflag:$0x3] =	sbarrier.arrive $0xFFFF;
	s2 =	simm.s32 @!p0 $0x1C01  }
0xde: {  	[timem:s3], [sflag:s2] =	dma.local @!p0 [hbm:s0], s1  }
0xdf: {  	s0 =	simm.s32 @!p0 $0x1  }
0xe0: {  	_ =	swait.ge @!p0 [sflag:s0], s1  }
0xe1: {  	s1 =	ssub.s32 @!p0 $0x0, s1;
	[sflag:s0] =	ssyncset.done @!p0 $0x0  }
0xe2: {  	[sflag:s0] =	ssyncadd.s32 @!p0 s1  }
0xe3: {  	[bflag:$0x3] =	sbarrier.arrive $0xFFFF  }
0xe4: {  	_ =	shalt  }

// kernel: gather_offload_async_start
scs
__scs_entry_jumppad:
0x0: {  	(pc) =	sbr.rel $0x88, $3  }
0x1: {  	(tag) =	ssettag $0x0;
	lr =	simm.s32 $0x1  }
0x2: {  	[smem:$0x3F86] =	sst lr;
	_ =	strace $0xD0000000  }
0x3: {  	_ = 	snop  }
0x4: {  	_ = 	snop  }
0x5: {  	_ = 	snop  }
0x6: {  	_ = 	snop  }
0x7: {  	_ = 	snop  }
__scs_overlays_trampoline_lowered:
0x8: {  	[smem:$0x3F95] =	sst s0  }
0x9: {  	[smem:$0x3F96] =	sst s1  }
0xa: {  	[smem:$0x3F97] =	sst s2  }
0xb: {  	[smem:$0x3F98] =	sst s3  }
0xc: {  	[smem:$0x3F99] =	sst s4  }
0xd: {  	[smem:$0x3F9A] =	sst s5  }
0xe: {  	[smem:$0x3F9B] =	sst s6  }
0xf: {  	[smem:$0x3F9C] =	sst s7  }
0x10: {  	[smem:$0x3F9D] =	sst s8  }
0x11: {  	[smem:$0x3F9E] =	sst s9;
	s0 =	simm.s32 @!p0 $0x0  }
0x12: {  	s1 =	sld [smem:$0x3F84];
	s0 =	simm.s32 @p0 $0x1  }
0x13: {  	[smem:$0x3F9F] =	sst s0;
	s0 =	simm.s32 @!p1 $0x0  }
0x14: {  	s2 =	sld [smem:$0x3F83];
	s0 =	simm.s32 @p1 $0x1  }
0x15: {  	[smem:$0x3FA0] =	sst s0;
	s0 =	simm.s32 @!p2 $0x0  }
0x16: {  	s3 =	sld [smem:$0x3FDB];
	s0 =	simm.s32 @p2 $0x1  }
0x17: {  	s4 =	simm.s32 $0x1BF5;
	[smem:$0x3FA2] =	sst s0  }
0x18: {  	s0 =	sld [smem:$0x3F85];
	_ =	swait.ge [sflag:s4], $0x0  }
0x19: {  	s7 =	sld [smem:$0x3F86]  }
0x1a: {  	s8 =	sadd.s32 $0xFFFFE003, lr  }
0x1b: {  	s9 =	sadd.s32 $0xFFFFFEF7, lr;
	s5 =	simm.s32 $0xFFFFFFFF;
	p2 =	slt.u32 s8, $0xFFFFF086  }
0x1c: {  	p1 =	slt.u32 s9, $0xF7A;
	s5 =	simm.s32 @!p2 $0x0  }
0x1d: {  	s5 =	simm.s32 @p1 $0x1;
	p0 =	seq.s32 s7, s2  }
0x1e: {  	s7 =	smul.u32 @!p0 $0xF7A, s2;
	p2 =	seq.s32 @!p0 s5, $0x0  }
0x1f: {  	s9 =	smul.u32 $0xF7A, s1;
	s8 =	simm.s32 @!p0 $0x1BF5;
	p2 =	por !p2, p0  }
0x20: {  	[sflag:s8] =	ssyncset.s32 @!p0 $0xFFFFF086;
	s6 =	sadd.s32 @!p0 s3, s7;
	s7 =	simm.s32 @!p0 $0x108  }
0x21: {  	s3 =	sadd.s32 s3, s9;
	s6 =	sadd.s32 @!p0 $0x88, s6;
	s7 =	simm.s32 @p2 $0x1082  }
0x22: {  	[simem:s7], [sflag:s8] =	dma.local @!p0 [hbm:s6], $0xF7A  }
0x23: {  	s9 =	sor.u32 $0xD0000000, s2;
	s6 =	simm.s32 $0x108;
	_ =	swait.ge @!p0 [sflag:s8], $0x0  }
0x24: {  	s3 =	sadd.s32 $0x88, s3;
	s6 =	simm.s32 @!p1 $0x1082;
	[sflag:s4] =	ssyncset.s32 $0xFFFFF086  }
0x25: {  	[simem:s6], [sflag:s4] =	dma.local [hbm:s3], $0xF7A  }
0x26: {  	[smem:$0x3F86] =	sst s1;
	(tag) =	ssettag s2;
	_ =	strace s9  }
0x27: {  	s1 =	sld [smem:$0x3F96]  }
0x28: {  	s2 =	sld [smem:$0x3F97]  }
0x29: {  	s4 =	sld [smem:$0x3F99]  }
0x2a: {  	p0 =	seq.s32 s5, $0x0;
	s5 =	sld [smem:$0x3F9A]  }
0x2b: {  	s6 =	sld [smem:$0x3F9B]  }
0x2c: {  	s7 =	sld [smem:$0x3F9C]  }
0x2d: {  	s3 =	simm.s32 $0x108;
	s8 =	sld [smem:$0x3F9D]  }
0x2e: {  	s3 =	simm.s32 @!p0 $0x1082;
	s9 =	sld [smem:$0x3F9E]  }
0x2f: {  	lr =	sadd.s32 s0, s3;
	s0 =	sld [smem:$0x3F95]  }
0x30: {  	s3 =	sld [smem:$0x3F98]  }
0x31: {  	[smem:$0x3FA1] =	sst s10  }
0x32: {  	s10 =	sld [smem:$0x3F9F];
	_ =	sdelay $0x3  }
0x33: {  	p0 =	seq.s32 s10, $0x1;
	s10 =	sld [smem:$0x3FA1];
	_ =	sdelay $0x3  }
0x34: {  	[smem:$0x3FA1] =	sst s10  }
0x35: {  	s10 =	sld [smem:$0x3FA0];
	_ =	sdelay $0x3  }
0x36: {  	p1 =	seq.s32 s10, $0x1;
	s10 =	sld [smem:$0x3FA1];
	_ =	sdelay $0x3  }
0x37: {  	[smem:$0x3FA1] =	sst s10  }
0x38: {  	s10 =	sld [smem:$0x3FA2]  }
0x39: {  	_ = 	snop;
	(pc) =	sbr.ind lr, $3  }
0x3a: {  	_ = 	snop  }
0x3b: {  	_ = 	snop  }
0x3c: {  	p2 =	seq.s32 s10, $0x1;
	s10 =	sld [smem:$0x3FA1]  }
0x3d: {  	_ =	shalt  }
0x3e: {  	_ =	shalt  }
0x3f: {  	_ =	shalt  }
0x40: {  	_ =	shalt  }
0x41: {  	_ =	shalt  }
0x42: {  	_ =	shalt  }
0x43: {  	_ =	shalt  }
0x44: {  	_ =	shalt  }
0x45: {  	_ =	shalt  }
0x46: {  	_ =	shalt  }
0x47: {  	_ =	shalt  }
0x48: {  	_ =	shalt  }
0x49: {  	_ =	shalt  }
0x4a: {  	_ =	shalt  }
0x4b: {  	_ =	shalt  }
0x4c: {  	_ =	shalt  }
0x4d: {  	_ =	shalt  }
0x4e: {  	_ =	shalt  }
0x4f: {  	_ =	shalt  }
0x50: {  	_ =	shalt  }
0x51: {  	_ =	shalt  }
0x52: {  	_ =	shalt  }
0x53: {  	_ =	shalt  }
0x54: {  	_ =	shalt  }
0x55: {  	_ =	shalt  }
0x56: {  	_ =	shalt  }
0x57: {  	_ =	shalt  }
0x58: {  	_ =	shalt  }
0x59: {  	_ =	shalt  }
0x5a: {  	_ =	shalt  }
0x5b: {  	_ =	shalt  }
0x5c: {  	_ =	shalt  }
0x5d: {  	_ =	shalt  }
0x5e: {  	_ =	shalt  }
0x5f: {  	_ =	shalt  }
0x60: {  	_ =	shalt  }
0x61: {  	_ =	shalt  }
0x62: {  	_ =	shalt  }
0x63: {  	_ =	shalt  }
0x64: {  	_ =	shalt  }
0x65: {  	_ =	shalt  }
0x66: {  	_ =	shalt  }
0x67: {  	_ =	shalt  }
0x68: {  	_ =	shalt  }
0x69: {  	_ =	shalt  }
0x6a: {  	_ =	shalt  }
0x6b: {  	_ =	shalt  }
0x6c: {  	_ =	shalt  }
0x6d: {  	_ =	shalt  }
0x6e: {  	_ =	shalt  }
0x6f: {  	_ =	shalt  }
0x70: {  	_ =	shalt  }
0x71: {  	_ =	shalt  }
0x72: {  	_ =	shalt  }
0x73: {  	_ =	shalt  }
0x74: {  	_ =	shalt  }
0x75: {  	_ =	shalt  }
0x76: {  	_ =	shalt  }
0x77: {  	_ =	shalt  }
0x78: {  	_ =	shalt  }
0x79: {  	_ =	shalt  }
0x7a: {  	_ =	shalt  }
0x7b: {  	_ =	shalt  }
0x7c: {  	_ =	shalt  }
0x7d: {  	_ =	shalt  }
0x7e: {  	_ =	shalt  }
0x7f: {  	_ =	shalt  }
0x80: {  	_ =	shalt  }
0x81: {  	_ =	shalt  }
0x82: {  	_ =	shalt  }
0x83: {  	_ =	shalt  }
0x84: {  	_ =	shalt  }
0x85: {  	_ =	shalt  }
0x86: {  	_ =	shalt  }
0x87: {  	_ =	shalt  }
.Lfunc_end0:
.L_simem_size_0:
called_computation.4_lowered:
.L_overlay_start_0:
0x88: {  	s0 =	sld [smem:$0x3FD9]  }
0x89: {  	s1 =	sld [smem:$0x3FFE];
	_ =	sdelay $0x3  }
0x8a: {  	s0 =	sadd.s32 s1, s0  }
0x8b: {  	[smem:$0x3FAD] =	sst s0  }
0x8c: {  	_ = 	snop  }
0x8d: {  	(tm) =	ssettm $0x1  }
0x8e: {  	s15 =	sld [smem:$0x3FFB];
	_ =	sdelay $0x3  }
0x8f: {  	_ =	strace s15  }
0x90: {  	s0 =	sld [smem:$0x3FFC];
	_ =	sdelay $0x3  }
0x91: {  	_ =	strace s0  }
0x92: {  	s0 =	sld [smem:$0x3FFD];
	_ =	sdelay $0x3  }
0x93: {  	_ =	strace s0  }
0x94: {  	_ =	strace $0x8FFFFFFF  }
0x95: {  	s16 =	sld [smem:$0x3FDB];
	_ =	sdelay $0x1  }
0x96: {  	s17 =	simm.s32 $_scs_section_size  }
0x97: {  	s2 =	simm.s32 $_size__tile_overlayer_lowered;
	s3 =	simm.s32 $_tile_overlayer_lowered  }
0x98: {  	s20 =	simm.s32 $0x1BFF;
	s19 =	sshll.u32 s3, $0x1;
	s0 =	sadd.s32 s17, s16  }
0x99: {  	s4 =	simm.s32 $0x0;
	s18 =	sshll.u32 s2, $0x1;
	s2 =	sadd.s32 s19, s0  }
0x9a: {  	[timem:s4], [sflag:s20] =	dma.local [hbm:s2], s18  }
0x9b: {  	_ =	swait.ge [sflag:s20], s18  }
0x9c: {  	s1 =	ssub.s32 $0x0, s18;
	[sflag:s20] =	ssyncset.done $0x0  }
0x9d: {  	[sflag:s20] =	ssyncadd.s32 s1;
	_ =	sdelay $0x1  }
0x9e: {  	s21 =	simm.s32 $0x1B8B  }
0x9f: {  	_ =	swait.ge [sflag:s21], $0x1  }
0xa0: {  	[sflag:s21] =	ssyncset.done $0x0  }
0xa1: {  	s23 =	simm.s32 $0x1B8E;
	s22 =	sld [smem:$0x3FFE];
	[sflag:s21] =	ssyncadd.s32 $0xFFFFFFFF  }
0xa2: {  	s24 =	simm.s32 $execute0_lowered;
	[smem:$0x3FD2] =	sst s23  }
0xa3: {  	s2 =	sshll.u32 s24, $0x1;
	_ =	strace $0x8000004C;
	[dreg:$0x1] =	wrdreg $0xFFFFFFFF  }
0xa4: {  	s25 =	simm.s32 $_size_execute0_lowered;
	s0 =	sadd.s32 s0, s2;
	[dreg:$0x0] =	wrdreg $0x0  }
0xa5: {  	s2 =	sshll.u32 s25, $0x1;
	[dreg:$0x2] =	wrdreg s0  }
0xa6: {  	[dreg:$0x3] =	wrdreg s2  }
0xa7: {  	[dreg:$0x4] =	wrdreg $0xC0  }
0xa8: {  	_ =	task [dreg:s4], $0x5FFFF  }
0xa9: {  	[dreg:$0x1] =	wrdreg $0xFFFFFFFF  }
0xaa: {  	[dreg:$0x0] =	wrdreg $0x60  }
0xab: {  	[dreg:$0x2] =	wrdreg s22  }
0xac: {  	[dreg:$0x3] =	wrdreg $0xA  }
0xad: {  	_ =	task.clear_ibuf [dreg:s4], $0x4FFFF;
	_ =	strace $0x9000004C  }
0xae: {  	s26 =	simm.s32 $0xA;
	_ =	strace $0x8000004E  }
0xaf: {  	_ =	swait.ge [sflag:s26], $0x1  }
0xb0: {  	[sflag:s26] =	ssyncadd.s32 $0xFFFFFFFF  }
0xb1: {  	_ =	strace $0x9000004E  }
0xb2: {  	_ =	sfence  }
0xb3: {  	s28 =	sld [smem:$0x0];
	_ =	sdelay $0x1  }
0xb4: {  	s29 =	srdreg.scid  }
0xb5: {  	s30 =	sshll.u32 s29, $0xD;
	s31 =	sshrl.u32 s29, $0x2  }
0xb6: {  	s1 =	sand.u32 $0x1, s29;
	s2 =	sand.u32 $0x4000, s30;
	s0 =	sadd.s32 s31, s28  }
0xb7: {  	s1 =	sor.u32 s2, s1;
	s0 =	sshll.u32 s0, $0x11  }
0xb8: {  	s0 =	sor.u32 s0, s1  }
0xb9: {  	s0 =	sadd.s32 $0x8F2B, s0  }
0xba: {  	[sflag:s0] =	ssyncadd.remote.s32 $0x1  }
0xbb: {  	_ =	sfence.sel $0xFFFF  }
0xbc: {  	[dreg:$0x0] =	wrdreg $0xFFFFFFFF;
	(pc) =	sbr.abs _section_cstart, $3  }
0xbd: {  	[dreg:$0x1] =	wrdreg $0xFFFFFFFF  }
0xbe: {  	_ =	task.clear_ibuf [dreg:s4], $0x2FFFF;
	_ =	strace $0x9FFFFFFF  }
0xbf: {  	(tm) =	ssettm $0x7FFFFFFF  }
tec
execute0_lowered:
.L_overlay_start_1:
0x0: {  	(tag) =	ssettag $0x1  }
0x1: {  	s0 =	stileid.u32  }
0x2: {  	s2 =	smul.u32 $0x2710, s0;
	_ =	sdelay $0x1  }
0x3: {  	s6 =	ssub.s32 $0xCF850, s2  }
0x4: {  	s1 =	smulhi.u32 $0x68DB9, s6  }
0x5: {  	s3 =	rddreg [dreg:$0x0];
	s5 =	simm.s32 $0x1  }
0x6: {  	s9 =	simm.s32 $0x3;
	s10 =	simm.s32 $0x0;
	s7 =	sshrl.u32 s1, $0x4  }
0x7: {  	s13 =	simm.s32 $0x0;
	s12 =	simm.s32 $0x0;
	s8 =	smul.u32 $0x27100, s7  }
.Ltmp0:
0x8: {  	s4 =	sadd.s32 $0x1A000, s3;
	s1 =	rddreg [dreg:$0x1];
	(pc) =	sbr.rel .LBB2_1-.Ltmp0, $4  }
0x9: {  	_ =	strace $0x8000004D;
	p0 =	sne.s32 s6, s8;
	s8 =	simm.s32 $0x1  }
0xa: {  	[sflag:s5] =	ssyncpa.u1 $0x0;
	s6 =	simm.s32 $0x2;
	s8 =	simm.s32 @!p0 $0x0  }
0xb: {  	s11 =	smov.u32 s2;
	[sflag:s6] =	ssyncpa.u1 $0x0;
	s7 =	sadd.s32 s8, s7  }
0xc: {  	vm0 =	vmmov $0xffff;
	s8 =	sadd.s32 $0x34000, s3;
	[sflag:s9] =	ssyncpa.u1 $0x0;
	s9 =	sadd.s32 $0x1, s7  }
.LBB2_4:
0xd: {  	v2 =	vnsel vm1, $0x0, v2  }
0xe: {  	vm1 =	vgt.s32 v0, $0x0;
	v2 =	vmin.u32 v2, $0xCF84F  }
0xf: {  	v0 =	vnsel vm1, $0x0, v0  }
0x10: {  	v0 =	vmin.u32 v0, $0xCF84F  }
0x11: {  	[tilespmem:s18], [sflag:$0x1] =	stream.indirect_vreg.gather [hbm4b:s4+s10], $0x1, v1, vm0, $0x4038;
	[tilespmem:$0x9C40] =	vst v63  }
0x12: {  	(ifvalue) =	ssetifvalue $0x7FFFFFFF  }
0x13: {  	[tilespmem:s15], [sflag:$0x1] =	stream.indirect_vreg.gather [hbm4b:s4+s10], $0x1, v2, vm0, $0x4038;
	[tilespmem:$0x9C40] =	vst v63  }
0x14: {  	s29 =	sadd.s32 $0x10, s15;
	(ifvalue) =	ssetifvalue $0x7FFFFFFF  }
0x15: {  	[tilespmem:s29], [sflag:$0x1] =	stream.indirect_vreg.gather [hbm4b:s4+s10], $0x1, v0, vm0, $0x4038;
	[tilespmem:$0x9C40] =	vst v63  }
0x16: {  	_ =	swait.ge [sflag:s5], $0x2710  }
0x17: {  	s30 =	sshrl.u32 s13, $0x3;
	[sflag:s5] =	ssyncset.done $0x0  }
0x18: {  	s31 =	sand.u32 $0x7, s13;
	s15 =	sadd.s32 s3, s30;
	[sflag:s5] =	ssyncadd.s32 $0xFFFFD8F0  }
0x19: {  	[hbm4b:s15+s31] =	stream.linear.scatter [tilespmem:s14], [sflag:$0x3], $0x2710, $0x38;
	[tilespmem:$0x9C40] =	vst v63  }
.LBB2_5:
0x1a: {  	s15 =	sadd.s32 $0x27100, s11  }
0x1b: {  	p1 =	sgt.s32 s15, $0xCF84F  }
0x1c: {  	s15 =	smov.u32 @p1 s2;
	p1 =	sne.s32 s12, s9  }
.Ltmp1:
0x1d: {  	p0 =	slt.u32 s12, $0x2;
	(pc) =	sbr.rel @!p1 .LBB2_6-.Ltmp1, $4  }
0x1e: {  	s14 =	simm.s32 @!p0 $0x3  }
0x1f: {  	_ =	swait.ge @!p0 [sflag:s14], $0x2710  }
0x20: {  	s16 =	sadd.s32 $0x1, s12;
	s13 =	smov.u32 s11;
	[sflag:s14] =	ssyncset.done @!p0 $0x0  }
0x21: {  	s12 =	smov.u32 s16;
	s11 =	smov.u32 s15;
	[sflag:s14] =	ssyncadd.s32 @!p0 $0xFFFFD8F0  }
.LBB2_1:
0x22: {  	p0 =	sge.u32 s12, s7  }
0x23: {  	s14 =	sxor.u32 @!p0 $0xFFFFFFFF, s12  }
0x24: {  	s14 =	sand.u32 @!p0 $0x1, s14  }
0x25: {  	s14 =	smul.u32 @!p0 $0x9C40, s14  }
0x26: {  	s31 =	sadd.s32 $0xFFFFFFFF, s12;
	s15 =	sshrl.u32 @!p0 s11, $0x3  }
0x27: {  	s16 =	sand.u32 @!p0 $0x7, s11;
	s15 =	sadd.s32 @!p0 s8, s15;
	s14 =	sshrl.u32 @!p0 s14, $0x2  }
0x28: {  	[tilespmem:s14], [sflag:$0x2] =	stream.linear.gather @!p0 [hbm4b:s15+s16], $0x2710, $0x38;
	[tilespmem:$0x9C40] =	vst v63  }
0x29: {  	p0 =	sge.u32 s31, s7  }
.Ltmp2:
0x2a: {  	_ = 	snop;
	(pc) =	sbr.rel @p0 .LBB2_5-.Ltmp2, $1  }
0x2b: {  	_ =	sdelay $0x3  }
0x2c: {  	s14 =	sand.u32 $0x1, s12  }
0x2d: {  	_ =	swait.ge [sflag:s6], $0x2710;
	p0 =	seq.s32 s14, $0x1;
	s14 =	simm.s32 $0x2710  }
0x2e: {  	[sflag:s6] =	ssyncset.done $0x0;
	s14 =	simm.s32 @!p0 $0x0  }
0x2f: {  	[sflag:s6] =	ssyncadd.s32 $0xFFFFD8F0;
	(ifvalue) =	ssetifvalue $0x7FFFFFFF;
	v0 =	vld.msk [tilespmem:s14+$0x0 ss:$0x1], $0xffff;
	_ =	sdelay $0x4  }
0x30: {  	s15 =	sadd.s32 $0x10, s14;
	vm1 =	vgt.s32 v0, $0x0  }
0x31: {  	v2 =	vld.msk [tilespmem:s15+$0x0 ss:$0x1], $0xffff;
	v1 =	vnsel vm1, $0x0, v0  }
0x32: {  	v1 =	vmin.u32 v1, $0xCF84F;
	_ =	sdelay $0x2  }
0x33: {  	s17 =	simm.s32 $0x20;
	s14 =	sadd.s32 $0x4E20, s14;
	s16 =	sadd.s32 $0x10, s15  }
0x34: {  	s15 =	sadd.s32 $0x10, s14;
	s18 =	smov.u32 s14;
	v0 =	vld.msk [tilespmem:s16+$0x0 ss:$0x1], $0xffff;
	vm1 =	vgt.s32 v2, $0x0;
	(ifvalue) =	ssetifvalue $0x7FFFFFFF  }
.LBB2_3:
0x35: {  	[tilespmem:s18], [sflag:$0x1] =	stream.indirect_vreg.gather [hbm4b:s4+s10], $0x1, v1, vm0, $0x4038;
	[tilespmem:$0x9C40] =	vst v63  }
0x36: {  	s17 =	sadd.s32 $0x10, s17  }
0x37: {  	v2 =	vnsel vm1, $0x0, v2;
	p0 =	slt.u32 s17, $0x2700  }
.Ltmp3:
0x38: {  	s18 =	smov.u32 s15;
	v1 =	vmin.u32 v2, $0xCF84F;
	(pc) =	sbr.rel @p0 .LBB2_3-.Ltmp3, $3  }
0x39: {  	_ =	sdelay $0x1  }
0x3a: {  	s16 =	sadd.s32 $0x10, s16  }
0x3b: {  	vm1 =	vgt.s32 v0, $0x0;
	s15 =	sadd.s32 $0x10, s15;
	v2 =	vmov v0;
	(ifvalue) =	ssetifvalue $0x7FFFFFFF;
	v0 =	vld.msk [tilespmem:s16+$0x0 ss:$0x1], $0xffff  }
.Ltmp4:
0x3c: {  	_ = 	snop;
	(pc) =	sbr.rel .LBB2_4-.Ltmp4, $1  }
0x3d: {  	_ =	sdelay $0x3  }
.LBB2_6:
0x3e: {  	_ =	sfence.sel $0x180000  }
0x3f: {  	s2 =	simm.s32 $0x2;
	[bflag:$0x0] =	sbarrier.arrive $0xFFFF  }
0x40: {  	s30 =	simm.s32 $0x3;
	[sflag:s2] =	ssyncpa.u1 $0x1  }
0x41: {  	s31 =	simm.s32 $0x1;
	[sflag:s30] =	ssyncpa.u1 $0x1  }
0x42: {  	[sflag:s31] =	ssyncpa.u1 $0x1  }
0x43: {  	p0 =	sne.s32 s0, $0x0;
	_ =	strace $0x9000004D  }
0x44: {  	s0 =	sadd.s32 @!p0 $0x100000, s1;
	[bflag:$0x2] =	sbarrier.arrive $0xFFFF  }
0x45: {  	[sflag:s0] =	ssyncadd.tile.s32 @!p0 $0x1;
	_ =	shalt  }
.Lfunc_end2:
_tile_overlayer_lowered:
.L_overlay_start_2:
0x46: {  	(tag) =	ssettag $0x2  }
0x47: {  	s0 =	rddreg [dreg:$0x0];
	s2 =	stileid.u32  }
0x48: {  	s1 =	rddreg [dreg:$0x1];
	p0 =	sne.s32 s2, $0x0  }
0x49: {  	s3 =	rddreg [dreg:$0x2];
	[bflag:$0x3] =	sbarrier.arrive $0xFFFF;
	s2 =	simm.s32 @!p0 $0x1C01  }
0x4a: {  	[timem:s3], [sflag:s2] =	dma.local @!p0 [hbm:s0], s1  }
0x4b: {  	s0 =	simm.s32 @!p0 $0x1  }
0x4c: {  	_ =	swait.ge @!p0 [sflag:s0], s1  }
0x4d: {  	s1 =	ssub.s32 @!p0 $0x0, s1;
	[sflag:s0] =	ssyncset.done @!p0 $0x0  }
0x4e: {  	[sflag:s0] =	ssyncadd.s32 @!p0 s1  }
0x4f: {  	[bflag:$0x3] =	sbarrier.arrive $0xFFFF  }
0x50: {  	_ =	shalt  }

// kernel: scatter_offload_async_start.1
scs
__scs_entry_jumppad:
0x0: {  	(pc) =	sbr.rel $0x88, $3  }
0x1: {  	(tag) =	ssettag $0x0;
	lr =	simm.s32 $0x1  }
0x2: {  	[smem:$0x3F86] =	sst lr;
	_ =	strace $0xD0000000  }
0x3: {  	_ = 	snop  }
0x4: {  	_ = 	snop  }
0x5: {  	_ = 	snop  }
0x6: {  	_ = 	snop  }
0x7: {  	_ = 	snop  }
__scs_overlays_trampoline_lowered:
0x8: {  	[smem:$0x3F95] =	sst s0  }
0x9: {  	[smem:$0x3F96] =	sst s1  }
0xa: {  	[smem:$0x3F97] =	sst s2  }
0xb: {  	[smem:$0x3F98] =	sst s3  }
0xc: {  	[smem:$0x3F99] =	sst s4  }
0xd: {  	[smem:$0x3F9A] =	sst s5  }
0xe: {  	[smem:$0x3F9B] =	sst s6  }
0xf: {  	[smem:$0x3F9C] =	sst s7  }
0x10: {  	[smem:$0x3F9D] =	sst s8  }
0x11: {  	[smem:$0x3F9E] =	sst s9;
	s0 =	simm.s32 @!p0 $0x0  }
0x12: {  	s1 =	sld [smem:$0x3F84];
	s0 =	simm.s32 @p0 $0x1  }
0x13: {  	[smem:$0x3F9F] =	sst s0;
	s0 =	simm.s32 @!p1 $0x0  }
0x14: {  	s2 =	sld [smem:$0x3F83];
	s0 =	simm.s32 @p1 $0x1  }
0x15: {  	[smem:$0x3FA0] =	sst s0;
	s0 =	simm.s32 @!p2 $0x0  }
0x16: {  	s3 =	sld [smem:$0x3FDB];
	s0 =	simm.s32 @p2 $0x1  }
0x17: {  	s4 =	simm.s32 $0x1BF5;
	[smem:$0x3FA2] =	sst s0  }
0x18: {  	s0 =	sld [smem:$0x3F85];
	_ =	swait.ge [sflag:s4], $0x0  }
0x19: {  	s7 =	sld [smem:$0x3F86]  }
0x1a: {  	s8 =	sadd.s32 $0xFFFFE003, lr  }
0x1b: {  	s9 =	sadd.s32 $0xFFFFFEF7, lr;
	s5 =	simm.s32 $0xFFFFFFFF;
	p2 =	slt.u32 s8, $0xFFFFF086  }
0x1c: {  	p1 =	slt.u32 s9, $0xF7A;
	s5 =	simm.s32 @!p2 $0x0  }
0x1d: {  	s5 =	simm.s32 @p1 $0x1;
	p0 =	seq.s32 s7, s2  }
0x1e: {  	s7 =	smul.u32 @!p0 $0xF7A, s2;
	p2 =	seq.s32 @!p0 s5, $0x0  }
0x1f: {  	s9 =	smul.u32 $0xF7A, s1;
	s8 =	simm.s32 @!p0 $0x1BF5;
	p2 =	por !p2, p0  }
0x20: {  	[sflag:s8] =	ssyncset.s32 @!p0 $0xFFFFF086;
	s6 =	sadd.s32 @!p0 s3, s7;
	s7 =	simm.s32 @!p0 $0x108  }
0x21: {  	s3 =	sadd.s32 s3, s9;
	s6 =	sadd.s32 @!p0 $0x88, s6;
	s7 =	simm.s32 @p2 $0x1082  }
0x22: {  	[simem:s7], [sflag:s8] =	dma.local @!p0 [hbm:s6], $0xF7A  }
0x23: {  	s9 =	sor.u32 $0xD0000000, s2;
	s6 =	simm.s32 $0x108;
	_ =	swait.ge @!p0 [sflag:s8], $0x0  }
0x24: {  	s3 =	sadd.s32 $0x88, s3;
	s6 =	simm.s32 @!p1 $0x1082;
	[sflag:s4] =	ssyncset.s32 $0xFFFFF086  }
0x25: {  	[simem:s6], [sflag:s4] =	dma.local [hbm:s3], $0xF7A  }
0x26: {  	[smem:$0x3F86] =	sst s1;
	(tag) =	ssettag s2;
	_ =	strace s9  }
0x27: {  	s1 =	sld [smem:$0x3F96]  }
0x28: {  	s2 =	sld [smem:$0x3F97]  }
0x29: {  	s4 =	sld [smem:$0x3F99]  }
0x2a: {  	p0 =	seq.s32 s5, $0x0;
	s5 =	sld [smem:$0x3F9A]  }
0x2b: {  	s6 =	sld [smem:$0x3F9B]  }
0x2c: {  	s7 =	sld [smem:$0x3F9C]  }
0x2d: {  	s3 =	simm.s32 $0x108;
	s8 =	sld [smem:$0x3F9D]  }
0x2e: {  	s3 =	simm.s32 @!p0 $0x1082;
	s9 =	sld [smem:$0x3F9E]  }
0x2f: {  	lr =	sadd.s32 s0, s3;
	s0 =	sld [smem:$0x3F95]  }
0x30: {  	s3 =	sld [smem:$0x3F98]  }
0x31: {  	[smem:$0x3FA1] =	sst s10  }
0x32: {  	s10 =	sld [smem:$0x3F9F];
	_ =	sdelay $0x3  }
0x33: {  	p0 =	seq.s32 s10, $0x1;
	s10 =	sld [smem:$0x3FA1];
	_ =	sdelay $0x3  }
0x34: {  	[smem:$0x3FA1] =	sst s10  }
0x35: {  	s10 =	sld [smem:$0x3FA0];
	_ =	sdelay $0x3  }
0x36: {  	p1 =	seq.s32 s10, $0x1;
	s10 =	sld [smem:$0x3FA1];
	_ =	sdelay $0x3  }
0x37: {  	[smem:$0x3FA1] =	sst s10  }
0x38: {  	s10 =	sld [smem:$0x3FA2]  }
0x39: {  	_ = 	snop;
	(pc) =	sbr.ind lr, $3  }
0x3a: {  	_ = 	snop  }
0x3b: {  	_ = 	snop  }
0x3c: {  	p2 =	seq.s32 s10, $0x1;
	s10 =	sld [smem:$0x3FA1]  }
0x3d: {  	_ =	shalt  }
0x3e: {  	_ =	shalt  }
0x3f: {  	_ =	shalt  }
0x40: {  	_ =	shalt  }
0x41: {  	_ =	shalt  }
0x42: {  	_ =	shalt  }
0x43: {  	_ =	shalt  }
0x44: {  	_ =	shalt  }
0x45: {  	_ =	shalt  }
0x46: {  	_ =	shalt  }
0x47: {  	_ =	shalt  }
0x48: {  	_ =	shalt  }
0x49: {  	_ =	shalt  }
0x4a: {  	_ =	shalt  }
0x4b: {  	_ =	shalt  }
0x4c: {  	_ =	shalt  }
0x4d: {  	_ =	shalt  }
0x4e: {  	_ =	shalt  }
0x4f: {  	_ =	shalt  }
0x50: {  	_ =	shalt  }
0x51: {  	_ =	shalt  }
0x52: {  	_ =	shalt  }
0x53: {  	_ =	shalt  }
0x54: {  	_ =	shalt  }
0x55: {  	_ =	shalt  }
0x56: {  	_ =	shalt  }
0x57: {  	_ =	shalt  }
0x58: {  	_ =	shalt  }
0x59: {  	_ =	shalt  }
0x5a: {  	_ =	shalt  }
0x5b: {  	_ =	shalt  }
0x5c: {  	_ =	shalt  }
0x5d: {  	_ =	shalt  }
0x5e: {  	_ =	shalt  }
0x5f: {  	_ =	shalt  }
0x60: {  	_ =	shalt  }
0x61: {  	_ =	shalt  }
0x62: {  	_ =	shalt  }
0x63: {  	_ =	shalt  }
0x64: {  	_ =	shalt  }
0x65: {  	_ =	shalt  }
0x66: {  	_ =	shalt  }
0x67: {  	_ =	shalt  }
0x68: {  	_ =	shalt  }
0x69: {  	_ =	shalt  }
0x6a: {  	_ =	shalt  }
0x6b: {  	_ =	shalt  }
0x6c: {  	_ =	shalt  }
0x6d: {  	_ =	shalt  }
0x6e: {  	_ =	shalt  }
0x6f: {  	_ =	shalt  }
0x70: {  	_ =	shalt  }
0x71: {  	_ =	shalt  }
0x72: {  	_ =	shalt  }
0x73: {  	_ =	shalt  }
0x74: {  	_ =	shalt  }
0x75: {  	_ =	shalt  }
0x76: {  	_ =	shalt  }
0x77: {  	_ =	shalt  }
0x78: {  	_ =	shalt  }
0x79: {  	_ =	shalt  }
0x7a: {  	_ =	shalt  }
0x7b: {  	_ =	shalt  }
0x7c: {  	_ =	shalt  }
0x7d: {  	_ =	shalt  }
0x7e: {  	_ =	shalt  }
0x7f: {  	_ =	shalt  }
0x80: {  	_ =	shalt  }
0x81: {  	_ =	shalt  }
0x82: {  	_ =	shalt  }
0x83: {  	_ =	shalt  }
0x84: {  	_ =	shalt  }
0x85: {  	_ =	shalt  }
0x86: {  	_ =	shalt  }
0x87: {  	_ =	shalt  }
.Lfunc_end0:
.L_simem_size_0:
called_computation.1_lowered:
.L_overlay_start_0:
0x88: {  	s0 =	sld [smem:$0x3FD9]  }
0x89: {  	s1 =	sld [smem:$0x3FFE];
	_ =	sdelay $0x3  }
0x8a: {  	s0 =	sadd.s32 s1, s0  }
0x8b: {  	[smem:$0x3FAD] =	sst s0  }
0x8c: {  	_ = 	snop  }
0x8d: {  	(tm) =	ssettm $0x1  }
0x8e: {  	s15 =	sld [smem:$0x3FFB];
	_ =	sdelay $0x3  }
0x8f: {  	_ =	strace s15  }
0x90: {  	s0 =	sld [smem:$0x3FFC];
	_ =	sdelay $0x3  }
0x91: {  	_ =	strace s0  }
0x92: {  	s0 =	sld [smem:$0x3FFD];
	_ =	sdelay $0x3  }
0x93: {  	_ =	strace s0  }
0x94: {  	_ =	strace $0x8FFFFFFF  }
0x95: {  	s16 =	sld [smem:$0x3FDB];
	_ =	sdelay $0x1  }
0x96: {  	s17 =	simm.s32 $_scs_section_size  }
0x97: {  	s2 =	simm.s32 $_size__tile_overlayer_lowered;
	s3 =	simm.s32 $_tile_overlayer_lowered  }
0x98: {  	s20 =	simm.s32 $0x1BFF;
	s19 =	sshll.u32 s3, $0x1;
	s0 =	sadd.s32 s17, s16  }
0x99: {  	s4 =	simm.s32 $0x0;
	s18 =	sshll.u32 s2, $0x1;
	s2 =	sadd.s32 s19, s0  }
0x9a: {  	[timem:s4], [sflag:s20] =	dma.local [hbm:s2], s18  }
0x9b: {  	_ =	swait.ge [sflag:s20], s18  }
0x9c: {  	s1 =	ssub.s32 $0x0, s18;
	[sflag:s20] =	ssyncset.done $0x0  }
0x9d: {  	[sflag:s20] =	ssyncadd.s32 s1;
	_ =	sdelay $0x1  }
0x9e: {  	s21 =	simm.s32 $0x1B8B  }
0x9f: {  	_ =	swait.ge [sflag:s21], $0x1  }
0xa0: {  	[sflag:s21] =	ssyncset.done $0x0  }
0xa1: {  	s23 =	simm.s32 $0x1B8E;
	s22 =	sld [smem:$0x3FFE];
	[sflag:s21] =	ssyncadd.s32 $0xFFFFFFFF  }
0xa2: {  	s24 =	simm.s32 $execute0_lowered;
	[smem:$0x3FD2] =	sst s23  }
0xa3: {  	s2 =	sshll.u32 s24, $0x1;
	_ =	strace $0x80000058;
	[dreg:$0x1] =	wrdreg $0xFFFFFFFF  }
0xa4: {  	s25 =	simm.s32 $_size_execute0_lowered;
	s0 =	sadd.s32 s0, s2;
	[dreg:$0x0] =	wrdreg $0x0  }
0xa5: {  	s2 =	sshll.u32 s25, $0x1;
	[dreg:$0x2] =	wrdreg s0  }
0xa6: {  	[dreg:$0x3] =	wrdreg s2  }
0xa7: {  	[dreg:$0x4] =	wrdreg $0xC0  }
0xa8: {  	_ =	task [dreg:s4], $0x5FFFF  }
0xa9: {  	[dreg:$0x1] =	wrdreg $0xFFFFFFFF  }
0xaa: {  	[dreg:$0x0] =	wrdreg $0x60  }
0xab: {  	[dreg:$0x2] =	wrdreg s22  }
0xac: {  	[dreg:$0x3] =	wrdreg $0xA  }
0xad: {  	_ =	task.clear_ibuf [dreg:s4], $0x4FFFF;
	_ =	strace $0x90000058  }
0xae: {  	s26 =	simm.s32 $0xA;
	_ =	strace $0x8000005A  }
0xaf: {  	_ =	swait.ge [sflag:s26], $0x1  }
0xb0: {  	[sflag:s26] =	ssyncadd.s32 $0xFFFFFFFF  }
0xb1: {  	_ =	strace $0x9000005A  }
0xb2: {  	_ =	sfence  }
0xb3: {  	s28 =	sld [smem:$0x0];
	_ =	sdelay $0x1  }
0xb4: {  	s29 =	srdreg.scid  }
0xb5: {  	s30 =	sshll.u32 s29, $0xD;
	s31 =	sshrl.u32 s29, $0x2  }
0xb6: {  	s1 =	sand.u32 $0x1, s29;
	s2 =	sand.u32 $0x4000, s30;
	s0 =	sadd.s32 s31, s28  }
0xb7: {  	s1 =	sor.u32 s2, s1;
	s0 =	sshll.u32 s0, $0x11  }
0xb8: {  	s0 =	sor.u32 s0, s1  }
0xb9: {  	s0 =	sadd.s32 $0x8F2B, s0  }
0xba: {  	[sflag:s0] =	ssyncadd.remote.s32 $0x1  }
0xbb: {  	_ =	sfence.sel $0xFFFF  }
0xbc: {  	[dreg:$0x0] =	wrdreg $0xFFFFFFFF;
	(pc) =	sbr.abs _section_cstart, $3  }
0xbd: {  	[dreg:$0x1] =	wrdreg $0xFFFFFFFF  }
0xbe: {  	_ =	task.clear_ibuf [dreg:s4], $0x2FFFF;
	_ =	strace $0x9FFFFFFF  }
0xbf: {  	(tm) =	ssettm $0x7FFFFFFF  }
tec
execute0_lowered:
.L_overlay_start_1:
0x0: {  	(tag) =	ssettag $0x1  }
0x1: {  	s0 =	rddreg [dreg:$0x0];
	_ =	strace $0x80000059;
	s1 =	simm.s32 $0x1  }
0x2: {  	s8 =	simm.s32 $0x108;
	v0 =	vimm.s32 $0x0;
	[sflag:s1] =	ssyncpa.u1 $0x0  }
0x3: {  	[tilespmem:s8+$0x70] =	vst v0  }
0x4: {  	[tilespmem:s8+$0x60] =	vst v0  }
0x5: {  	[tilespmem:s8+$0x50] =	vst v0  }
0x6: {  	[tilespmem:s8+$0x40] =	vst v0  }
0x7: {  	[tilespmem:s8+$0x30] =	vst v0  }
0x8: {  	s4 =	simm.s32 $0x40;
	s1 =	sadd.s32 $0x1A00, s0;
	[tilespmem:s8+$0x20] =	vst v0  }
0x9: {  	s2 =	sadd.s32 $0x68000, s0;
	s3 =	sadd.s32 $0x6CE00, s0;
	s5 =	sadd.s32 $0x69A00, s0;
	[tilespmem:s8+$0x10] =	vst v0  }
.LBB2_1:
0xa: {  	s4 =	sadd.s32 $0x40, s4;
	[tilespmem:s8+$0x0] =	vst v0;
	s8 =	sadd.s32 $0x80, s8  }
0xb: {  	p0 =	slt.u32 s4, $0x3C40;
	[tilespmem:s8+$0x70] =	vst v0  }
0xc: {  	[tilespmem:s8+$0x60] =	vst v0  }
.Ltmp0:
0xd: {  	[tilespmem:s8+$0x50] =	vst v0;
	(pc) =	sbr.rel @p0 .LBB2_1-.Ltmp0, $4  }
0xe: {  	[tilespmem:s8+$0x40] =	vst v0  }
0xf: {  	[tilespmem:s8+$0x30] =	vst v0  }
0x10: {  	[tilespmem:s8+$0x20] =	vst v0  }
0x11: {  	[tilespmem:s8+$0x10] =	vst v0  }
0x12: {  	s13 =	stileid.u32  }
0x13: {  	s0 =	simm.s32 $0x1;
	p0 =	sne.s32 s13, $0x0;
	s4 =	smul.u32 $0xD, s13  }
0x14: {  	s0 =	simm.s32 @!p0 $0x0  }
0x15: {  	s0 =	sadd.s32 s0, s4  }
0x16: {  	p1 =	seq.s32 s13, $0x0;
	s6 =	smul.u32 $0xF0, s0;
	s0 =	simm.s32 $0xD20  }
0x17: {  	s0 =	simm.s32 @!p1 $0xC30  }
0x18: {  	s0 =	sadd.s32 s0, s6  }
0x19: {  	s7 =	smin.u32 s0, $0xC350  }
0x1a: {  	s0 =	ssub.s32 s7, s6  }
0x1b: {  	p1 =	sgt.s32 s0, $0x0  }
0x1c: {  	s0 =	simm.s32 @!p1 $0x0  }
0x1d: {  	s30 =	smul.u32 $0x8889, s0  }
0x1e: {  	s31 =	simm.s32 $0x2;
	s9 =	simm.s32 $0x7;
	s10 =	simm.s32 $0x1  }
0x1f: {  	s12 =	simm.s32 $0x8;
	s19 =	simm.s32 $0x0;
	s4 =	sshrl.u32 s30, $0x17  }
0x20: {  	s15 =	simm.s32 $0xA;
	s17 =	simm.s32 $0x0;
	s11 =	smul.u32 $0xF0, s4  }
.Ltmp1:
0x21: {  	[tilespmem:s8+$0x0] =	vst v0;
	v0 =	vimm.s32 $0xFFFFFFFF;
	s18 =	simm.s32 $0x0;
	[sflag:s31] =	ssyncpa.u1 $0x0;
	(pc) =	sbr.rel .LBB2_3-.Ltmp1, $4  }
0x22: {  	[tilespmem:$0xF208] =	vst v0;
	[sflag:s9] =	ssyncpa.u1 $0x0;
	p1 =	sne.s32 s0, s11;
	s0 =	simm.s32 $0x1  }
0x23: {  	s13 =	sshll.u32 s13, $0x8;
	[sflag:s12] =	ssyncpa.u1 $0x0;
	s0 =	simm.s32 @!p1 $0x0  }
0x24: {  	s16 =	smov.u32 s6;
	s11 =	simm.s32 $0x9;
	s12 =	sadd.s32 s4, s0  }
0x25: {  	v0 =	vlaneseq.u32;
	[sflag:s11] =	ssyncpa.u1 $0x0;
	p1 =	por $0x0, $0x0;
	s14 =	sadd.s32 $0x1, s12  }
.LBB2_18:
0x26: {  	s0 =	sshrl.u32 s28, $0x2  }
.LBB2_20:
0x27: {  	_ =	swait.ge [sflag:s15], s0  }
0x28: {  	s31 =	ssub.s32 $0x0, s0;
	v1 =	vmov s21;
	vm0 =	veq.s32 v0, $0x0;
	[sflag:s15] =	ssyncset.done $0x0  }
0x29: {  	vm15 =	veq.s32 v0, $0x2;
	v1 =	vsel vm0, s26, v1;
	[sflag:s15] =	ssyncadd.s32 s31  }
0x2a: {  	v1 =	vsel vm15, s19, v1;
	[sflag:s15] =	ssyncpa.u1 $0x1  }
0x2b: {  	[tilespmem:$0xF208] =	vst v1  }
.LBB2_21:
0x2c: {  	s0 =	sadd.s32 $0xF0, s16  }
0x2d: {  	s4 =	smov.u32 s6;
	p2 =	slt.s32 s0, s7  }
0x2e: {  	s4 =	smov.u32 @p2 s0;
	p2 =	sne.s32 s18, s14  }
.Ltmp2:
0x2f: {  	_ = 	snop;
	(pc) =	sbr.rel @!p2 .LBB2_22-.Ltmp2, $3  }
0x30: {  	_ =	sdelay $0x1  }
0x31: {  	s19 =	smov.u32 s17;
	s31 =	sadd.s32 $0x1, s18;
	s17 =	smov.u32 s16  }
0x32: {  	p1 =	por !p1, !p1;
	s18 =	smov.u32 s31;
	s16 =	smov.u32 s4  }
.LBB2_3:
0x33: {  	p2 =	sge.u32 s18, s12  }
0x34: {  	s0 =	smulhi.u32 @!p2 $0xAAAAAAAB, s18  }
0x35: {  	s4 =	smov.u32 s16;
	p3 =	sgt.s32 @!p2 s16, $0xC260  }
0x36: {  	s20 =	sshra.s32 @!p2 s16, $0x1F;
	p3 =	por !p3, p2;
	s0 =	sshrl.u32 @!p2 s0, $0x1  }
0x37: {  	s20 =	sand.u32 @!p2 s20, s16;
	s4 =	simm.s32 @p3 $0xC260;
	s0 =	smul.u32 @!p2 $0x3, s0  }
0x38: {  	s4 =	ssub.s32 @!p2 s4, s20  }
0x39: {  	s4 =	sadd.s32 @!p2 $0xFFFF3DA0, s4;
	s0 =	ssub.s32 @!p2 s18, s0  }
0x3a: {  	s20 =	sshll.u32 @!p2 s4, $0x2;
	p3 =	sgt.s32 @!p2 s4, $0xEF;
	s0 =	smul.u32 @!p2 $0x3C0, s0  }
0x3b: {  	s21 =	sand.u32 @!p2 $0x7, s16;
	s4 =	ssub.s32 @!p2 $0x3C0, s20;
	p3 =	por !p3, p2  }
0x3c: {  	s20 =	sshrl.u32 @!p2 s16, $0x3;
	s4 =	sshrl.u32 @!p2 s4, $0x2;
	s0 =	sshrl.u32 @!p2 s0, $0x2  }
0x3d: {  	s20 =	sadd.s32 @!p2 s5, s20;
	s4 =	simm.s32 @!p3 $0x0;
	s0 =	sadd.s32 @!p2 $0x10238, s0  }
0x3e: {  	[tilespmem:s0], [sflag:$0x8] =	stream.linear.gather @!p2 [hbm4b:s20+s21], s4, $0x38;
	[tilespmem:$0x1F6E8] =	vst v63  }
0x3f: {  	s0 =	sadd.s32 $0xFFFFFFFF, s18  }
0x40: {  	p2 =	sge.u32 s0, s12  }
0x41: {  	p3 =	sgt.s32 @!p2 s17, $0xC260  }
0x42: {  	s4 =	smov.u32 s17;
	s20 =	sshra.s32 @!p2 s17, $0x1F;
	p3 =	por !p3, p2  }
0x43: {  	s20 =	sand.u32 @!p2 s20, s17;
	s4 =	simm.s32 @p3 $0xC260  }
0x44: {  	s4 =	ssub.s32 @!p2 s4, s20  }
0x45: {  	s4 =	sadd.s32 @!p2 $0xFFFF3DA0, s4  }
0x46: {  	s21 =	sand.u32 @!p2 $0x1, s0;
	s20 =	sshll.u32 @!p2 s4, $0x2  }
0x47: {  	p3 =	sgt.s32 @!p2 s4, $0xEF;
	s4 =	ssub.s32 @!p2 $0x3C0, s20;
	s20 =	smulhi.u32 @!p2 $0xAAAAAAAB, s0  }
0x48: {  	s23 =	smul.u32 @!p2 $0x3C0, s21;
	p3 =	por !p3, p2;
	s4 =	sshrl.u32 @!p2 s4, $0x2  }
0x49: {  	s22 =	simm.s32 @!p2 $0x8;
	s4 =	simm.s32 @!p3 $0x0;
	s20 =	sshrl.u32 @!p2 s20, $0x1  }
0x4a: {  	s23 =	sshrl.u32 @!p2 s23, $0x2;
	_ =	swait.ge @!p2 [sflag:s22], s4;
	s20 =	smul.u32 @!p2 $0x3, s20  }
0x4b: {  	s23 =	sor.u32 @!p2 $0x10508, s23;
	s24 =	ssub.s32 @!p2 $0x0, s4;
	[sflag:s22] =	ssyncset.done @!p2 $0x0  }
0x4c: {  	[sflag:s22] =	ssyncadd.s32 @!p2 s24;
	s22 =	sshrl.u32 @!p2 s17, $0x3;
	s0 =	ssub.s32 @!p2 s0, s20  }
0x4d: {  	s24 =	sand.u32 @!p2 $0x7, s17;
	s22 =	sadd.s32 @!p2 s2, s22;
	s0 =	smul.u32 @!p2 $0x3C0, s0  }
0x4e: {  	[tilespmem:s23], [sflag:$0x9] =	stream.linear.gather @!p2 [hbm4b:s22+s24], s4, $0x38;
	[tilespmem:$0x1F6E8] =	vst v63  }
0x4f: {  	s20 =	ssub.s32 @!p2 $0xC350, s17;
	s4 =	smul.u32 @!p2 $0x1E000, s21  }
0x50: {  	p3 =	slt.s32 @!p2 s20, $0xF0  }
0x51: {  	p3 =	por !p3, p2;
	s0 =	sshrl.u32 @!p2 s0, $0x2;
	s4 =	sshrl.u32 @!p2 s4, $0x2  }
0x52: {  	s20 =	simm.s32 @p3 $0xF0;
	s0 =	sadd.s32 @!p2 $0x10238, s0;
	s4 =	sor.u32 @!p2 $0x106E8, s4  }
0x53: {  	[tilespmem:s4], [sflag:$0x7] =	stream.indirect.gather @!p2 [hbm4b:s3+s20], $0x80, s0, s20, $0xb8;
	[tilespmem:$0x1F6E8] =	vst v63  }
0x54: {  	p2 =	slt.u32 s18, $0x2  }
.Ltmp3:
0x55: {  	_ = 	snop;
	(pc) =	sbr.rel @p2 .LBB2_21-.Ltmp3, $1  }
0x56: {  	_ =	sdelay $0x3  }
0x57: {  	p2 =	sgt.s32 s19, $0xC260;
	s0 =	smov.u32 s19  }
0x58: {  	s4 =	sshra.s32 s19, $0x1F;
	s20 =	ssub.s32 $0xC350, s19;
	s0 =	simm.s32 @!p2 $0xC260  }
0x59: {  	s4 =	sand.u32 s4, s19;
	p2 =	slt.s32 s20, $0xF0;
	s21 =	smov.u32 s20  }
0x5a: {  	s0 =	ssub.s32 s0, s4;
	s21 =	simm.s32 @!p2 $0xF0  }
0x5b: {  	s0 =	sadd.s32 $0xFFFF3DA0, s0;
	s28 =	sshll.u32 s21, $0x7  }
0x5c: {  	s29 =	sshll.u32 s0, $0x2;
	s4 =	sand.u32 $0x3FFFFF80, s28  }
0x5d: {  	p2 =	sgt.s32 s0, $0xEF;
	s30 =	ssub.s32 $0x3C0, s29;
	_ =	swait.ge [sflag:s9], s4  }
0x5e: {  	s4 =	ssub.s32 $0x0, s4;
	[sflag:s9] =	ssyncset.done $0x0;
	s0 =	sshrl.u32 s30, $0x2  }
0x5f: {  	[sflag:s9] =	ssyncadd.s32 s4;
	s0 =	simm.s32 @p2 $0x0  }
0x60: {  	_ =	swait.ge [sflag:s11], s0  }
0x61: {  	s0 =	ssub.s32 $0x0, s0;
	[sflag:s11] =	ssyncset.done $0x0  }
0x62: {  	[sflag:s11] =	ssyncadd.s32 s0  }
0x63: {  	v1 =	vld [tilespmem:$0xF208];
	_ =	sdelay $0x4  }
0x64: {  	(v2sf) =	vpush v1, $0x0  }
0x65: {  	(v2sf) =	vpush v1, $0x1  }
0x66: {  	(v2sf) =	vpush v1, $0x2;
	_ =	sdelay $0x3  }
0x67: {  	s0 =	sadd.s32 $0xF0, s19  }
0x68: {  	p2 =	slt.s32 s7, s0  }
0x69: {  	s0 =	smov.u32 @p2 s7;
	p2 =	sgt.s32 s20, $0x0  }
0x6a: {  	s23 =	ssub.s32 s0, s19;
	s20 =	simm.s32 @!p2 $0x0  }
0x6b: {  	p2 =	slt.s32 s20, s23  }
0x6c: {  	s23 =	smov.u32 @p2 s20  }
0x6d: {  	s22 =	simm.s32 $0x1;
	p2 =	slt.s32 s23, $0x1  }
.Ltmp4:
0x6e: {  	s22 =	simm.s32 @!p1 $0x0;
	(pc) =	sbr.rel @p2 .LBB2_8-.Ltmp4, $4  }
0x6f: {  	s31 =	smul.u32 $0x3C0, s22  }
0x70: {  	s24 =	spop (v2sf)  }
0x71: {  	s0 =	sshrl.u32 s31, $0x2;
	s26 =	spop (v2sf)  }
0x72: {  	s20 =	sor.u32 $0x10508, s0;
	s19 =	spop (v2sf)  }
0x73: {  	s0 =	smin.u32 s23, $0x10  }
0x74: {  	v1 =	vmov s0  }
0x75: {  	p3 =	sgt.s32 s23, $0x10;
	vm1 =	vgt.u32 v1, v0  }
.Ltmp5:
0x76: {  	_ = 	snop;
	(pc) =	sbr.rel @!p3 .LBB2_7-.Ltmp5, $2  }
0x77: {  	_ =	sdelay $0x2  }
0x78: {  	s25 =	simm.s32 $0x10;
	s28 =	sadd.s32 $0xFFFFFFF0, s23;
	s21 =	smov.u32 s20;
	vm0 =	vmmov vm1  }
.LBB2_6:
0x79: {  	s0 =	smin.u32 s28, $0x10;
	s25 =	sadd.s32 $0x10, s25;
	v1 =	vld.msk [tilespmem:s21+$0x0 ss:$0x1], vm1  }
0x7a: {  	v2 =	vmov s0;
	p3 =	slt.s32 s25, s23  }
0x7b: {  	vm1 =	vgt.u32 v2, v0  }
.Ltmp6:
0x7c: {  	(pc) =	sbr.rel @p3 .LBB2_6-.Ltmp6, $3  }
0x7d: {  	_ =	sdelay $0x1  }
0x7e: {  	v1 =	vshll.u32 v1, $0x4  }
0x7f: {  	s28 =	sadd.s32 $0xFFFFFFF0, s28;
	[tilespmem:s21+$0x0] =	vst.msk vm0, v1;
	s21 =	sadd.s32 $0x10, s21;
	vm0 =	vmmov vm1  }
.LBB2_7:
0x80: {  	_ =	sdelay $0x4  }
0x81: {  	v1 =	vld.msk [tilespmem:s21+$0x0 ss:$0x1], vm1;
	_ =	sdelay $0x4  }
0x82: {  	v1 =	vshll.u32 v1, $0x4  }
0x83: {  	[tilespmem:s21+$0x0] =	vst.msk vm0, v1  }
.LBB2_8:
0x84: {  	s0 =	sand.u32 $0x1, s18  }
0x85: {  	s4 =	smul.u32 $0x7800, s0  }
0x86: {  	p3 =	sne.s32 s26, $0xFFFFFFFF  }
0x87: {  	v1 =	vld @!p3 [tilespmem:s4+$0x106E8];
	_ =	sdelay $0x2  }
0x88: {  	s0 =	smul.u32 $0xF0, s0;
	_ =	sdelay $0x1  }
0x89: {  	v2 =	vld.msk @!p3 [tilespmem:s0+$0x10508], $0x1;
	[tilespmem:$0x108] =	vst @!p3 v1  }
0x8a: {  	v1 =	vld @!p3 [tilespmem:s4+$0x106F8];
	_ =	sdelay $0x4  }
0x8b: {  	[tilespmem:$0x118] =	vst @!p3 v1  }
0x8c: {  	v1 =	vld @!p3 [tilespmem:s4+$0x10708];
	_ =	sdelay $0x4  }
0x8d: {  	[tilespmem:$0x128] =	vst @!p3 v1  }
0x8e: {  	v1 =	vld @!p3 [tilespmem:s4+$0x10718];
	_ =	sdelay $0x4  }
0x8f: {  	[tilespmem:$0x138] =	vst @!p3 v1  }
0x90: {  	v1 =	vld @!p3 [tilespmem:s4+$0x10728];
	_ =	sdelay $0x4  }
0x91: {  	[tilespmem:$0x148] =	vst @!p3 v1  }
0x92: {  	(v2sf) =	vpush @!p3 v2, $0x0;
	v1 =	vld @!p3 [tilespmem:s4+$0x10738];
	_ =	sdelay $0x4  }
0x93: {  	[tilespmem:$0x158] =	vst @!p3 v1  }
0x94: {  	v1 =	vld @!p3 [tilespmem:s4+$0x10748];
	_ =	sdelay $0x4  }
0x95: {  	[tilespmem:$0x168] =	vst @!p3 v1  }
0x96: {  	v1 =	vld @!p3 [tilespmem:s4+$0x10758]  }
.Ltmp7:
0x97: {  	_ = 	snop;
	(pc) =	sbr.rel @p2 .LBB2_19-.Ltmp7, $4  }
0x98: {  	_ = 	snop  }
0x99: {  	s25 =	spop @!p3 (v2sf)  }
0x9a: {  	s19 =	simm.s32 @!p3 $0x0;
	s21 =	smov.u32 s25  }
0x9b: {  	s25 =	smov.u32 @p3 s24;
	s21 =	smov.u32 @p3 s26;
	[tilespmem:$0x178] =	vst @!p3 v1;
	[sflag:s15] =	ssyncpa.u1 $0x0  }
0x9c: {  	v1 =	vld.msk [tilespmem:s20+$0x0], $0x1;
	_ =	sdelay $0x4  }
0x9d: {  	(v2sf) =	vpush v1, $0x0;
	_ =	sdelay $0xe  }
0x9e: {  	s0 =	smul.u32 $0x1E000, s22;
	s29 =	spop (v2sf)  }
0x9f: {  	s23 =	ssub.s32 $0x0, s23;
	p2 =	seq.s32 s25, s29  }
0xa0: {  	s26 =	sadd.s32 $0x1, s23;
	s0 =	sshrl.u32 s0, $0x2;
	p3 =	sgt.s32 @!p2 s25, $0x0  }
0xa1: {  	s22 =	sor.u32 $0x10728, s0;
	s0 =	smov.u32 s25;
	p3 =	por !p3, p2  }
0xa2: {  	s0 =	simm.s32 @p3 $0x0;
	p3 =	seq.s32 s26, $0x0  }
.Ltmp8:
0xa3: {  	_ = 	snop;
	(pc) =	sbr.rel @p3 .LBB2_11-.Ltmp8, $4  }
0xa4: {  	_ = 	snop  }
0xa5: {  	s24 =	simm.s32 $0x0;
	s28 =	sadd.s32 $0x1, s20;
	s0 =	smin.u32 @!p2 s0, $0x670  }
0xa6: {  	s30 =	simm.s32 @!p2 $0x1;
	s31 =	simm.s32 @!p2 $0x7988;
	s4 =	sand.u32 @!p2 $0x7F8, s0  }
0xa7: {  	s30 =	smov.u32 @p2 s24;
	s0 =	sand.u32 @!p2 $0x7, s0;
	s4 =	sadd.s32 @!p2 s1, s4  }
.LBB2_10:
0xa8: {  	s8 =	smov.u32 s30  }
0xa9: {  	[tilespmem:s31], [sflag:$0x2] =	stream.linear.gather @!p2 [hbm4b:s4+s0], $0x80, $0x38;
	[tilespmem:$0x1F6E8] =	vst v63  }
0xaa: {  	s26 =	sadd.s32 $0x1, s26;
	s0 =	smov.u32 s29;
	v1 =	vld.msk [tilespmem:s28+$0x0], $0x1  }
0xab: {  	p3 =	seq.s32 s26, $0x0;
	_ =	sdelay $0x3  }
0xac: {  	(v2sf) =	vpush v1, $0x0;
	_ =	sdelay $0xe  }
0xad: {  	s29 =	spop (v2sf)  }
0xae: {  	p2 =	seq.s32 s0, s29  }
0xaf: {  	p4 =	sgt.s32 @!p2 s0, $0x0;
	s4 =	sshll.u32 @!p2 s30, $0x9;
	s30 =	sadd.s32 @!p2 $0x1, s30  }
.Ltmp9:
0xb0: {  	p4 =	por !p4, p2;
	s4 =	sshra.s32 @!p2 s4, $0x2;
	(pc) =	sbr.rel @!p3 .LBB2_10-.Ltmp9, $4  }
0xb1: {  	s30 =	smov.u32 @p2 s8;
	s0 =	simm.s32 @p4 $0x0;
	s31 =	sadd.s32 @!p2 $0x7988, s4  }
0xb2: {  	s0 =	smin.u32 @!p2 s0, $0x670  }
0xb3: {  	s4 =	sand.u32 @!p2 $0x7F8, s0;
	s0 =	sand.u32 @!p2 $0x7, s0  }
0xb4: {  	s28 =	sadd.s32 $0x1, s28;
	s4 =	sadd.s32 @!p2 s1, s4  }
.LBB2_11:
0xb5: {  	[tilespmem:s31], [sflag:$0x2] =	stream.linear.gather @!p2 [hbm4b:s4+s0], $0x80, $0x38;
	[tilespmem:$0x1F6E8] =	vst v63  }
.Ltmp10:
0xb6: {  	s30 =	sshll.u32 s30, $0x7;
	(pc) =	sbr.rel .LBB2_12-.Ltmp10, $4  }
0xb7: {  	s31 =	simm.s32 $0x2;
	s0 =	sand.u32 $0x3FFFFF80, s30  }
0xb8: {  	_ =	swait.ge [sflag:s31], s0  }
0xb9: {  	s0 =	ssub.s32 $0x0, s0;
	[sflag:s31] =	ssyncset.done $0x0  }
0xba: {  	s28 =	simm.s32 $0x0;
	[sflag:s31] =	ssyncadd.s32 s0  }
.LBB2_13:
0xbb: {  	s0 =	sshra.s32 s0, $0x2;
	v1 =	vld [tilespmem:s22+$0xFFFFFFC0]  }
0xbc: {  	v2 =	vld [tilespmem:s0+$0x108];
	_ =	sdelay $0x4  }
0xbd: {  	v1 =	vmax.f32 v1, v2  }
0xbe: {  	v2 =	vld [tilespmem:s0+$0x118];
	[tilespmem:s0+$0x108] =	vst v1  }
0xbf: {  	v1 =	vld [tilespmem:s22+$0xFFFFFFD0];
	_ =	sdelay $0x4  }
0xc0: {  	v1 =	vmax.f32 v1, v2  }
0xc1: {  	v2 =	vld [tilespmem:s0+$0x128];
	[tilespmem:s0+$0x118] =	vst v1  }
0xc2: {  	v1 =	vld [tilespmem:s22+$0xFFFFFFE0];
	_ =	sdelay $0x4  }
0xc3: {  	v1 =	vmax.f32 v1, v2  }
0xc4: {  	v2 =	vld [tilespmem:s0+$0x138];
	[tilespmem:s0+$0x128] =	vst v1  }
0xc5: {  	v1 =	vld [tilespmem:s22+$0xFFFFFFF0];
	_ =	sdelay $0x4  }
0xc6: {  	v1 =	vmax.f32 v1, v2  }
0xc7: {  	v2 =	vld [tilespmem:s0+$0x148];
	[tilespmem:s0+$0x138] =	vst v1  }
0xc8: {  	v1 =	vld [tilespmem:s22+$0x0];
	_ =	sdelay $0x4  }
0xc9: {  	v1 =	vmax.f32 v1, v2  }
0xca: {  	v2 =	vld [tilespmem:s0+$0x158];
	[tilespmem:s0+$0x148] =	vst v1  }
0xcb: {  	v1 =	vld [tilespmem:s22+$0x10];
	_ =	sdelay $0x4  }
0xcc: {  	v1 =	vmax.f32 v1, v2  }
0xcd: {  	v2 =	vld [tilespmem:s0+$0x168];
	[tilespmem:s0+$0x158] =	vst v1  }
0xce: {  	v1 =	vld [tilespmem:s22+$0x20];
	_ =	sdelay $0x4  }
0xcf: {  	v1 =	vmax.f32 v1, v2  }
0xd0: {  	v2 =	vld [tilespmem:s0+$0x178];
	[tilespmem:s0+$0x168] =	vst v1  }
0xd1: {  	v1 =	vld [tilespmem:s22+$0x30];
	_ =	sdelay $0x4  }
0xd2: {  	v1 =	vmax.f32 v1, v2  }
0xd3: {  	[tilespmem:s0+$0x178] =	vst v1  }
.LBB2_17:
0xd4: {  	s23 =	sadd.s32 $0x1, s23  }
0xd5: {  	p2 =	seq.s32 s23, $0x0  }
.Ltmp11:
0xd6: {  	_ = 	snop;
	(pc) =	sbr.rel @p2 .LBB2_18-.Ltmp11, $2  }
0xd7: {  	_ =	sdelay $0x2  }
0xd8: {  	s20 =	sadd.s32 $0x1, s20;
	s22 =	sadd.s32 $0x80, s22;
	s25 =	smov.u32 s26  }
.LBB2_12:
0xd9: {  	v1 =	vld.msk [tilespmem:s20+$0x0], $0x1;
	_ =	sdelay $0x4  }
0xda: {  	(v2sf) =	vpush v1, $0x0;
	_ =	sdelay $0xe  }
0xdb: {  	s26 =	spop (v2sf)  }
0xdc: {  	p2 =	sne.s32 s25, s26  }
.Ltmp12:
0xdd: {  	_ = 	snop;
	(pc) =	sbr.rel @!p2 .LBB2_13-.Ltmp12, $2  }
0xde: {  	_ =	sdelay $0x2  }
0xdf: {  	s0 =	sshll.u32 s19, $0x9  }
0xe0: {  	p2 =	seq.s32 s25, s21  }
.Ltmp13:
0xe1: {  	_ = 	snop;
	(pc) =	sbr.rel @!p2 .LBB2_15-.Ltmp13, $1  }
0xe2: {  	_ =	sdelay $0x3  }
0xe3: {  	s0 =	sshra.s32 s0, $0x2  }
.Ltmp14:
0xe4: {  	s0 =	sadd.s32 $0x108, s0;
	(pc) =	sbr.rel .LBB2_16-.Ltmp14, $4  }
0xe5: {  	[spmem:s13] =	stream.linear.scatter [tilespmem:s0], [sflag:$0x1], $0x80, $0x38;
	[tilespmem:$0x1F6E8] =	vst v63  }
0xe6: {  	_ =	swait.ge [sflag:s10], $0x80  }
0xe7: {  	[sflag:s10] =	ssyncset.done $0x0  }
0xe8: {  	[sflag:s10] =	ssyncadd.s32 $0xFFFFFF80  }
.LBB2_15:
0xe9: {  	s4 =	sshll.u32 s24, $0x9;
	s0 =	sshra.s32 s0, $0x2  }
0xea: {  	s4 =	sshra.s32 s4, $0x2;
	v2 =	vld [tilespmem:s0+$0x108]  }
0xeb: {  	v1 =	vld [tilespmem:s4+$0x7988];
	_ =	sdelay $0x4  }
0xec: {  	v1 =	vmax.f32 v1, v2  }
0xed: {  	v2 =	vld [tilespmem:s0+$0x118];
	[tilespmem:s0+$0x108] =	vst v1  }
0xee: {  	v1 =	vld [tilespmem:s4+$0x7998];
	_ =	sdelay $0x4  }
0xef: {  	v1 =	vmax.f32 v1, v2  }
0xf0: {  	v2 =	vld [tilespmem:s0+$0x128];
	[tilespmem:s0+$0x118] =	vst v1  }
0xf1: {  	v1 =	vld [tilespmem:s4+$0x79A8];
	_ =	sdelay $0x4  }
0xf2: {  	v1 =	vmax.f32 v1, v2  }
0xf3: {  	v2 =	vld [tilespmem:s0+$0x138];
	[tilespmem:s0+$0x128] =	vst v1  }
0xf4: {  	v1 =	vld [tilespmem:s4+$0x79B8];
	_ =	sdelay $0x4  }
0xf5: {  	v1 =	vmax.f32 v1, v2  }
0xf6: {  	v2 =	vld [tilespmem:s0+$0x148];
	[tilespmem:s0+$0x138] =	vst v1  }
0xf7: {  	v1 =	vld [tilespmem:s4+$0x79C8];
	_ =	sdelay $0x4  }
0xf8: {  	v1 =	vmax.f32 v1, v2  }
0xf9: {  	v2 =	vld [tilespmem:s0+$0x158];
	[tilespmem:s0+$0x148] =	vst v1  }
0xfa: {  	v1 =	vld [tilespmem:s4+$0x79D8];
	_ =	sdelay $0x4  }
0xfb: {  	v1 =	vmax.f32 v1, v2  }
0xfc: {  	v2 =	vld [tilespmem:s0+$0x168];
	[tilespmem:s0+$0x158] =	vst v1  }
0xfd: {  	v1 =	vld [tilespmem:s4+$0x79E8];
	_ =	sdelay $0x4  }
0xfe: {  	v1 =	vmax.f32 v1, v2  }
0xff: {  	v2 =	vld [tilespmem:s0+$0x178];
	[tilespmem:s0+$0x168] =	vst v1  }
0x100: {  	v1 =	vld [tilespmem:s4+$0x79F8];
	_ =	sdelay $0x3  }
0x101: {  	p2 =	sgt.u32 s25, $0x670  }
0x102: {  	s4 =	sand.u32 @!p2 $0x7F8, s25;
	v1 =	vmax.f32 v1, v2  }
0x103: {  	s8 =	sadd.s32 $0x108, s0;
	[tilespmem:s0+$0x178] =	vst v1;
	s0 =	sadd.s32 @!p2 s1, s4;
	s4 =	sand.u32 @!p2 $0x7, s25  }
0x104: {  	[hbm4b:s0+s4] =	stream.linear.scatter @!p2 [tilespmem:s8], [sflag:$0xA], $0x80, $0x38;
	[tilespmem:$0x1F6E8] =	vst v63  }
0x105: {  	s0 =	simm.s32 $0x0  }
0x106: {  	s0 =	simm.s32 @!p2 $0x200  }
0x107: {  	s28 =	sadd.s32 s0, s28  }
.LBB2_16:
0x108: {  	s0 =	sadd.s32 $0x1, s19  }
0x109: {  	s4 =	smulhi.u32 $0x88888889, s0;
	_ =	sdelay $0x1  }
0x10a: {  	v1 =	vld [tilespmem:s22+$0xFFFFFFC0];
	s4 =	sshrl.u32 s4, $0x7  }
0x10b: {  	s4 =	smul.u32 $0xF0, s4;
	_ =	sdelay $0x1  }
0x10c: {  	s19 =	ssub.s32 s0, s4  }
0x10d: {  	s0 =	sshll.u32 s19, $0x7  }
0x10e: {  	[tilespmem:s0+$0x108] =	vst v1  }
0x10f: {  	v1 =	vld [tilespmem:s22+$0xFFFFFFD0];
	_ =	sdelay $0x4  }
0x110: {  	[tilespmem:s0+$0x118] =	vst v1  }
0x111: {  	v1 =	vld [tilespmem:s22+$0xFFFFFFE0];
	_ =	sdelay $0x4  }
0x112: {  	[tilespmem:s0+$0x128] =	vst v1  }
0x113: {  	v1 =	vld [tilespmem:s22+$0xFFFFFFF0];
	_ =	sdelay $0x4  }
0x114: {  	[tilespmem:s0+$0x138] =	vst v1  }
0x115: {  	v1 =	vld [tilespmem:s22+$0x0];
	_ =	sdelay $0x4  }
0x116: {  	[tilespmem:s0+$0x148] =	vst v1  }
0x117: {  	v1 =	vld [tilespmem:s22+$0x10];
	_ =	sdelay $0x4  }
0x118: {  	[tilespmem:s0+$0x158] =	vst v1  }
0x119: {  	v1 =	vld [tilespmem:s22+$0x20];
	_ =	sdelay $0x4  }
0x11a: {  	[tilespmem:s0+$0x168] =	vst v1  }
0x11b: {  	v1 =	vld [tilespmem:s22+$0x30]  }
.Ltmp15:
0x11c: {  	_ = 	snop;
	(pc) =	sbr.rel .LBB2_17-.Ltmp15, $2  }
0x11d: {  	_ =	sdelay $0x2  }
0x11e: {  	s24 =	sadd.s32 $0x1, s24;
	[tilespmem:s0+$0x178] =	vst v1  }
.LBB2_19:
.Ltmp16:
0x11f: {  	(pc) =	sbr.rel .LBB2_20-.Ltmp16, $4  }
0x120: {  	_ = 	snop  }
0x121: {  	s0 =	simm.s32 $0x2  }
0x122: {  	_ =	swait.ge [sflag:s0], $0x0  }
0x123: {  	s26 =	smov.u32 s25;
	[sflag:s0] =	ssyncset.done $0x0;
	s0 =	simm.s32 $0x0  }
.LBB2_22:
0x124: {  	_ =	sfence.sel $0x180000  }
0x125: {  	s0 =	simm.s32 $0x7;
	[bflag:$0x0] =	sbarrier.arrive $0xFFFF  }
0x126: {  	s24 =	simm.s32 $0x8;
	[sflag:s0] =	ssyncpa.u1 $0x1  }
0x127: {  	s25 =	simm.s32 $0x9;
	[sflag:s24] =	ssyncpa.u1 $0x1  }
0x128: {  	s26 =	simm.s32 $0x2;
	[sflag:s25] =	ssyncpa.u1 $0x1  }
0x129: {  	[sflag:s26] =	ssyncpa.u1 $0x1  }
0x12a: {  	v0 =	vld [tilespmem:$0xF208];
	_ =	sdelay $0x4  }
0x12b: {  	(v2sf) =	vpush v0, $0x0  }
0x12c: {  	(v2sf) =	vpush v0, $0x1;
	_ =	sdelay $0x1  }
0x12d: {  	(v2sf) =	vpush v0, $0x2;
	_ =	sdelay $0xb  }
0x12e: {  	s0 =	spop (v2sf)  }
0x12f: {  	s2 =	spop (v2sf)  }
0x130: {  	s3 =	smov.u32 s0;
	p1 =	sne.s32 s0, s2  }
0x131: {  	s4 =	spop (v2sf);
	s3 =	simm.s32 @!p1 $0xFFFFFFFF  }
0x132: {  	v2 =	vimm.s32 $0x1;
	v3 =	vlaneseq.u32;
	p1 =	seq.s32 s4, $0xFFFFFFFF;
	v1 =	vmov s3  }
0x133: {  	s28 =	stileid.u32;
	v0 =	vperm.xlane v0, v2;
	p2 =	sne.s32 @!p1 s0, s2;
	v1 =	vperm.xlane v1, v3  }
0x134: {  	vm0 =	vcmask $0x3F04;
	s6 =	simm.s32 $0xF208;
	s0 =	simm.s32 @!p1 $0x1;
	p2 =	por !p2, p1  }
0x135: {  	s3 =	sshll.u32 s28, $0x1;
	s2 =	sshll.u32 @!p1 s4, $0x9;
	s0 =	simm.s32 @p2 $0x0;
	v0 =	vsel vm0, v1, v0  }
0x136: {  	s5 =	sor.u32 $0x1000, s3;
	s2 =	sshra.s32 @!p1 s2, $0x2;
	s0 =	sor.u32 @!p1 s0, s3;
	[tilespmem:$0xF208] =	vst v0  }
0x137: {  	[spmem:s5] =	stream.linear.scatter [tilespmem:s6], [sflag:$0x1], $0x2, $0x38;
	[tilespmem:$0x1F6E8] =	vst v63  }
0x138: {  	s2 =	sadd.s32 @!p1 $0x108, s2;
	s0 =	sshll.u32 @!p1 s0, $0x7  }
0x139: {  	[spmem:s0] =	stream.linear.scatter @!p1 [tilespmem:s2], [sflag:$0x1], $0x80, $0x38;
	[tilespmem:$0x1F6E8] =	vst v63  }
0x13a: {  	s0 =	simm.s32 @!p1 $0x82  }
0x13b: {  	s2 =	simm.s32 $0x1;
	s0 =	simm.s32 @p1 $0x2  }
0x13c: {  	_ =	swait.ge [sflag:s2], s0  }
0x13d: {  	s0 =	ssub.s32 $0x0, s0;
	[sflag:s2] =	ssyncset.done $0x0  }
0x13e: {  	[sflag:s2] =	ssyncadd.s32 s0  }
0x13f: {  	_ =	sfence.stream.spmem  }
0x140: {  	s29 =	simm.s32 $0x3;
	[bflag:$0x0] =	sbarrier.arrive $0xFFFF  }
0x141: {  	s30 =	simm.s32 $0x4;
	[sflag:s29] =	ssyncpa.u1 $0x1  }
0x142: {  	s31 =	simm.s32 $0x3C;
	[sflag:s30] =	ssyncpa.u1 $0x1  }
0x143: {  	[sflag:s31] =	ssyncpa.u1 $0x1  }
0x144: {  	_ =	sfence @p0  }
0x145: {  	[sflag:s2] =	ssyncpa.u1 @p0 $0x1  }
0x146: {  	_ =	strace @p0 $0x90000059  }
0x147: {  	[bflag:$0x2] =	sbarrier.arrive @p0 $0xFFFF  }
0x148: {  	_ =	shalt @p0  }
.LBB2_23:
0x149: {  	_ =	sfence.stream.spmem;
	s0 =	simm.s32 $0x5  }
0x14a: {  	s2 =	simm.s32 $0x1000;
	s3 =	simm.s32 $0xF218;
	[sflag:s0] =	ssyncpa.u1 $0x0  }
0x14b: {  	[tilespmem:s3], [sflag:$0x5] =	stream.linear.gather [spmem:s2], $0x20, $0x38;
	[tilespmem:$0x1F6E8] =	vst v63  }
0x14c: {  	s30 =	simm.s32 $0xF238;
	s2 =	simm.s32 $0x0  }
0x14d: {  	[tilespmem:s30], [sflag:$0x5] =	stream.linear.gather [spmem:s2], $0x1000, $0x38;
	[tilespmem:$0x1F6E8] =	vst v63  }
.Ltmp17:
0x14e: {  	_ = 	snop;
	(pc) =	sbr.rel .LBB2_24-.Ltmp17, $4  }
0x14f: {  	_ =	swait.ge [sflag:s0], $0x1020  }
0x150: {  	[sflag:s0] =	ssyncset.done $0x0  }
0x151: {  	s31 =	simm.s32 $0x6;
	[sflag:s0] =	ssyncadd.s32 $0xFFFFEFE0  }
0x152: {  	s3 =	simm.s32 $0x0;
	[sflag:s31] =	ssyncpa.u1 $0x0  }
.LBB2_30:
0x153: {  	p0 =	slt.u32 s4, $0x671  }
0x154: {  	s0 =	sand.u32 @p0 $0x7F8, s4  }
0x155: {  	s4 =	sand.u32 @p0 $0x7, s4;
	s5 =	simm.s32 @p0 $0xF188;
	s0 =	sadd.s32 @p0 s1, s0  }
0x156: {  	[tilespmem:s5], [sflag:$0x6] =	stream.linear.gather @p0 [hbm4b:s0+s4], $0x80, $0x38;
	[tilespmem:$0x1F6E8] =	vst v63  }
0x157: {  	s0 =	simm.s32 @p0 $0x6  }
0x158: {  	_ =	swait.ge @p0 [sflag:s0], $0x80  }
0x159: {  	[sflag:s0] =	ssyncset.done @p0 $0x0  }
0x15a: {  	[sflag:s0] =	ssyncadd.s32 @p0 $0xFFFFFF80;
	s0 =	sshll.u32 @p0 s3, $0x9  }
0x15b: {  	s4 =	sshrl.u32 @p0 s0, $0x2;
	v1 =	vld @p0 [tilespmem:$0xF188]  }
0x15c: {  	v2 =	vld @p0 [tilespmem:s4+$0xF238];
	_ =	sdelay $0x4  }
0x15d: {  	v1 =	vmax.f32 @p0 v1, v2  }
0x15e: {  	v2 =	vld @p0 [tilespmem:s4+$0xF248];
	[tilespmem:s4+$0xF238] =	vst @p0 v1  }
0x15f: {  	v1 =	vld @p0 [tilespmem:$0xF198];
	_ =	sdelay $0x4  }
0x160: {  	v1 =	vmax.f32 @p0 v1, v2  }
0x161: {  	v2 =	vld @p0 [tilespmem:s4+$0xF258];
	[tilespmem:s4+$0xF248] =	vst @p0 v1  }
0x162: {  	v1 =	vld @p0 [tilespmem:$0xF1A8];
	_ =	sdelay $0x4  }
0x163: {  	v1 =	vmax.f32 @p0 v1, v2  }
0x164: {  	v2 =	vld @p0 [tilespmem:s4+$0xF268];
	[tilespmem:s4+$0xF258] =	vst @p0 v1  }
0x165: {  	v1 =	vld @p0 [tilespmem:$0xF1B8];
	_ =	sdelay $0x4  }
0x166: {  	v1 =	vmax.f32 @p0 v1, v2  }
0x167: {  	v2 =	vld @p0 [tilespmem:s4+$0xF278];
	[tilespmem:s4+$0xF268] =	vst @p0 v1  }
0x168: {  	v1 =	vld @p0 [tilespmem:$0xF1C8];
	_ =	sdelay $0x4  }
0x169: {  	v1 =	vmax.f32 @p0 v1, v2  }
0x16a: {  	v2 =	vld @p0 [tilespmem:s4+$0xF288];
	[tilespmem:s4+$0xF278] =	vst @p0 v1  }
0x16b: {  	v1 =	vld @p0 [tilespmem:$0xF1D8];
	_ =	sdelay $0x4  }
0x16c: {  	v1 =	vmax.f32 @p0 v1, v2  }
0x16d: {  	v2 =	vld @p0 [tilespmem:s4+$0xF298];
	[tilespmem:s4+$0xF288] =	vst @p0 v1  }
0x16e: {  	v1 =	vld @p0 [tilespmem:$0xF1E8];
	_ =	sdelay $0x4  }
0x16f: {  	v1 =	vmax.f32 @p0 v1, v2  }
0x170: {  	v2 =	vld @p0 [tilespmem:s4+$0xF2A8];
	[tilespmem:s4+$0xF298] =	vst @p0 v1  }
0x171: {  	v1 =	vld @p0 [tilespmem:$0xF1F8];
	_ =	sdelay $0x4  }
0x172: {  	s5 =	sshll.u32 @!p0 s3, $0x9;
	v1 =	vmax.f32 @p0 v1, v2  }
0x173: {  	s5 =	smov.u32 @p0 s0;
	[tilespmem:s4+$0xF2A8] =	vst @p0 v1  }
0x174: {  	s0 =	sshrl.u32 s5, $0x2;
	[tilespmem:s2+$0xF218] =	vst.msk $0x1, v0  }
0x175: {  	v0 =	vld [tilespmem:s0+$0xF238];
	_ =	sdelay $0x2  }
0x176: {  	s31 =	sshll.u32 s2, $0x9  }
0x177: {  	s4 =	sshra.s32 s31, $0x2  }
0x178: {  	[tilespmem:s4+$0xF238] =	vst v0  }
0x179: {  	v0 =	vld [tilespmem:s0+$0xF248];
	_ =	sdelay $0x4  }
0x17a: {  	[tilespmem:s4+$0xF248] =	vst v0  }
0x17b: {  	v0 =	vld [tilespmem:s0+$0xF258];
	_ =	sdelay $0x4  }
0x17c: {  	[tilespmem:s4+$0xF258] =	vst v0  }
0x17d: {  	v0 =	vld [tilespmem:s0+$0xF268];
	_ =	sdelay $0x4  }
0x17e: {  	[tilespmem:s4+$0xF268] =	vst v0  }
0x17f: {  	v0 =	vld [tilespmem:s0+$0xF278];
	_ =	sdelay $0x4  }
0x180: {  	[tilespmem:s4+$0xF278] =	vst v0  }
0x181: {  	v0 =	vld [tilespmem:s0+$0xF288];
	_ =	sdelay $0x4  }
0x182: {  	[tilespmem:s4+$0xF288] =	vst v0  }
0x183: {  	v0 =	vld [tilespmem:s0+$0xF298];
	_ =	sdelay $0x4  }
0x184: {  	[tilespmem:s4+$0xF298] =	vst v0  }
0x185: {  	v0 =	vld [tilespmem:s0+$0xF2A8];
	_ =	sdelay $0x4  }
0x186: {  	s2 =	sadd.s32 $0x1, s2;
	[tilespmem:s4+$0xF2A8] =	vst v0  }
.LBB2_31:
0x187: {  	s3 =	sadd.s32 $0x1, s3  }
0x188: {  	p0 =	sne.s32 s3, $0x20  }
.Ltmp18:
0x189: {  	_ = 	snop;
	(pc) =	sbr.rel @!p0 .LBB2_32-.Ltmp18, $1  }
0x18a: {  	_ =	sdelay $0x3  }
.LBB2_24:
0x18b: {  	v0 =	vld.msk [tilespmem:s3+$0xF218], $0x1;
	_ =	sdelay $0x4  }
0x18c: {  	(v2sf) =	vpush v0, $0x0;
	_ =	sdelay $0xe  }
0x18d: {  	s4 =	spop (v2sf)  }
0x18e: {  	p0 =	seq.s32 s4, $0xFFFFFFFF  }
.Ltmp19:
0x18f: {  	_ = 	snop;
	(pc) =	sbr.rel @p0 .LBB2_31-.Ltmp19, $1  }
0x190: {  	_ =	sdelay $0x3  }
0x191: {  	p0 =	slt.s32 s2, $0x1  }
.Ltmp20:
0x192: {  	_ = 	snop;
	(pc) =	sbr.rel @p0 .LBB2_30-.Ltmp20, $1  }
0x193: {  	_ =	sdelay $0x3  }
0x194: {  	s5 =	simm.s32 $0xF218;
	p0 =	por $0x0, $0x0  }
0x195: {  	v1 =	vld.msk @!p0 [tilespmem:s5+$0x0], $0x1;
	_ =	sdelay $0x4  }
0x196: {  	(v2sf) =	vpush @!p0 v1, $0x0;
	_ =	sdelay $0xd  }
0x197: {  	p2 =	sne.s32 s2, $0x1  }
.Ltmp21:
0x198: {  	s0 =	spop @!p0 (v2sf);
	(pc) =	sbr.rel @!p2 .LBB2_28-.Ltmp21, $4  }
0x199: {  	p1 =	seq.s32 @!p0 s4, s0  }
0x19a: {  	s6 =	simm.s32 $0x0;
	p1 =	por !p1, p0  }
0x19b: {  	s0 =	simm.s32 $0xFFFFFFFF;
	s6 =	simm.s32 @p1 $0xFFFFFFFF  }
0x19c: {  	s7 =	simm.s32 $0x1;
	s6 =	smov.u32 @p0 s0  }
.LBB2_27:
0x19d: {  	s0 =	smov.u32 s6;
	p0 =	sne.s32 s6, $0xFFFFFFFF  }
0x19e: {  	s5 =	sadd.s32 $0x1, s5;
	s6 =	smov.u32 s7;
	s7 =	sadd.s32 $0x1, s7  }
0x19f: {  	p1 =	sne.s32 s2, s7;
	v1 =	vld.msk @!p0 [tilespmem:s5+$0x0], $0x1;
	_ =	sdelay $0x4  }
0x1a0: {  	(v2sf) =	vpush @!p0 v1, $0x0;
	_ =	sdelay $0xe  }
.Ltmp22:
0x1a1: {  	s8 =	spop @!p0 (v2sf);
	(pc) =	sbr.rel @p1 .LBB2_27-.Ltmp22, $4  }
0x1a2: {  	p2 =	seq.s32 @!p0 s4, s8  }
0x1a3: {  	p2 =	por !p2, p0  }
0x1a4: {  	s6 =	simm.s32 @p2 $0xFFFFFFFF  }
0x1a5: {  	s6 =	smov.u32 @p0 s0  }
.LBB2_28:
0x1a6: {  	p0 =	seq.s32 s6, $0xFFFFFFFF  }
.Ltmp23:
0x1a7: {  	_ = 	snop;
	(pc) =	sbr.rel @p0 .LBB2_30-.Ltmp23, $1  }
0x1a8: {  	_ =	sdelay $0x3  }
0x1a9: {  	s0 =	sshll.u32 s3, $0x7  }
0x1aa: {  	s4 =	sshll.u32 s6, $0x9;
	s0 =	sand.u32 $0x3FFFFF80, s0  }
0x1ab: {  	s4 =	sshra.s32 s4, $0x2;
	v0 =	vld [tilespmem:s0+$0xF238]  }
0x1ac: {  	v1 =	vld [tilespmem:s4+$0xF238];
	_ =	sdelay $0x4  }
0x1ad: {  	v0 =	vmax.f32 v0, v1  }
0x1ae: {  	v57 =	vld [tilespmem:s4+$0xF248];
	[tilespmem:s4+$0xF238] =	vst v0  }
0x1af: {  	v0 =	vld [tilespmem:s0+$0xF248];
	_ =	sdelay $0x4  }
0x1b0: {  	v0 =	vmax.f32 v0, v57  }
0x1b1: {  	v58 =	vld [tilespmem:s4+$0xF258];
	[tilespmem:s4+$0xF248] =	vst v0  }
0x1b2: {  	v0 =	vld [tilespmem:s0+$0xF258];
	_ =	sdelay $0x4  }
0x1b3: {  	v0 =	vmax.f32 v0, v58  }
0x1b4: {  	v59 =	vld [tilespmem:s4+$0xF268];
	[tilespmem:s4+$0xF258] =	vst v0  }
0x1b5: {  	v0 =	vld [tilespmem:s0+$0xF268];
	_ =	sdelay $0x4  }
0x1b6: {  	v0 =	vmax.f32 v0, v59  }
0x1b7: {  	v60 =	vld [tilespmem:s4+$0xF278];
	[tilespmem:s4+$0xF268] =	vst v0  }
0x1b8: {  	v0 =	vld [tilespmem:s0+$0xF278];
	_ =	sdelay $0x4  }
0x1b9: {  	v0 =	vmax.f32 v0, v60  }
0x1ba: {  	v61 =	vld [tilespmem:s4+$0xF288];
	[tilespmem:s4+$0xF278] =	vst v0  }
0x1bb: {  	v0 =	vld [tilespmem:s0+$0xF288];
	_ =	sdelay $0x4  }
0x1bc: {  	v0 =	vmax.f32 v0, v61  }
0x1bd: {  	v62 =	vld [tilespmem:s4+$0xF298];
	[tilespmem:s4+$0xF288] =	vst v0  }
0x1be: {  	v0 =	vld [tilespmem:s0+$0xF298];
	_ =	sdelay $0x4  }
0x1bf: {  	v0 =	vmax.f32 v0, v62  }
0x1c0: {  	v63 =	vld [tilespmem:s4+$0xF2A8];
	[tilespmem:s4+$0xF298] =	vst v0  }
0x1c1: {  	v0 =	vld [tilespmem:s0+$0xF2A8];
	_ =	sdelay $0x1  }
.Ltmp24:
0x1c2: {  	_ = 	snop;
	(pc) =	sbr.rel .LBB2_31-.Ltmp24, $3  }
0x1c3: {  	_ =	sdelay $0x1  }
0x1c4: {  	v0 =	vmax.f32 v0, v63  }
0x1c5: {  	[tilespmem:s4+$0xF2A8] =	vst v0  }
.LBB2_32:
0x1c6: {  	p0 =	slt.s32 s2, $0x1  }
.Ltmp25:
0x1c7: {  	_ = 	snop;
	(pc) =	sbr.rel @p0 .LBB2_36-.Ltmp25, $3  }
0x1c8: {  	_ =	sdelay $0x1  }
0x1c9: {  	s0 =	simm.s32 $0x6  }
0x1ca: {  	s3 =	simm.s32 $0x0;
	[sflag:s0] =	ssyncpa.u1 $0x1  }
0x1cb: {  	s0 =	simm.s32 $0xF218  }
0x1cc: {  	v0 =	vld.msk [tilespmem:s0+$0x0], $0x1;
	_ =	sdelay $0x4  }
0x1cd: {  	(v2sf) =	vpush v0, $0x0;
	_ =	sdelay $0xd  }
0x1ce: {  	s2 =	sadd.s32 $0xFFFFFFFF, s2  }
0x1cf: {  	p1 =	sne.s32 s2, $0x0;
	s0 =	spop (v2sf)  }
.Ltmp26:
0x1d0: {  	p0 =	sgt.u32 s0, $0x670;
	(pc) =	sbr.rel @!p1 .LBB2_35-.Ltmp26, $4  }
0x1d1: {  	s4 =	simm.s32 $0xF238;
	s5 =	sand.u32 @!p0 $0x7F8, s0  }
0x1d2: {  	s6 =	simm.s32 $0x0;
	s0 =	sand.u32 @!p0 $0x7, s0;
	s5 =	sadd.s32 @!p0 s1, s5  }
0x1d3: {  	[hbm4b:s5+s0] =	stream.linear.scatter @!p0 [tilespmem:s4], [sflag:$0x5], $0x80, $0x38;
	[tilespmem:$0x1F6E8] =	vst v63  }
0x1d4: {  	s6 =	simm.s32 @!p0 $0x200;
	s5 =	simm.s32 $0xF219  }
.LBB2_34:
0x1d5: {  	v0 =	vld.msk [tilespmem:s5+$0x0], $0x1;
	s2 =	sadd.s32 $0xFFFFFFFF, s2;
	s3 =	sadd.s32 s3, s6  }
0x1d6: {  	p0 =	sne.s32 s2, $0x0;
	_ =	sdelay $0x3  }
0x1d7: {  	(v2sf) =	vpush v0, $0x0;
	_ =	sdelay $0xe  }
.Ltmp27:
0x1d8: {  	s0 =	spop (v2sf);
	(pc) =	sbr.rel @p0 .LBB2_34-.Ltmp27, $4  }
0x1d9: {  	s6 =	simm.s32 $0x0;
	p1 =	sgt.u32 s0, $0x670  }
0x1da: {  	s4 =	sadd.s32 $0x80, s4;
	s6 =	simm.s32 @!p1 $0x200;
	s7 =	sand.u32 @!p1 $0x7F8, s0  }
0x1db: {  	s5 =	sadd.s32 $0x1, s5;
	s0 =	sand.u32 @!p1 $0x7, s0;
	s7 =	sadd.s32 @!p1 s1, s7  }
0x1dc: {  	[hbm4b:s7+s0] =	stream.linear.scatter @!p1 [tilespmem:s4], [sflag:$0x5], $0x80, $0x38;
	[tilespmem:$0x1F6E8] =	vst v63  }
.LBB2_35:
0x1dd: {  	s0 =	sadd.s32 s3, s6  }
0x1de: {  	s3 =	sshrl.u32 s0, $0x2  }
.LBB2_36:
0x1df: {  	s0 =	simm.s32 $0x5  }
0x1e0: {  	_ =	swait.ge [sflag:s0], s3  }
0x1e1: {  	s1 =	ssub.s32 $0x0, s3;
	[sflag:s0] =	ssyncset.done $0x0  }
0x1e2: {  	[sflag:s0] =	ssyncadd.s32 s1  }
0x1e3: {  	[sflag:s0] =	ssyncpa.u1 $0x1  }
0x1e4: {  	s30 =	simm.s32 $0x1;
	_ =	sfence  }
0x1e5: {  	[sflag:s30] =	ssyncpa.u1 $0x1  }
0x1e6: {  	_ =	strace $0x90000059  }
0x1e7: {  	[bflag:$0x2] =	sbarrier.arrive $0xFFFF  }
0x1e8: {  	s31 =	rddreg [dreg:$0x1]  }
0x1e9: {  	s0 =	sadd.s32 $0x100000, s31  }
0x1ea: {  	[sflag:s0] =	ssyncadd.tile.s32 $0x1;
	_ =	shalt  }
.Lfunc_end2:
_tile_overlayer_lowered:
.L_overlay_start_2:
0x1eb: {  	(tag) =	ssettag $0x2  }
0x1ec: {  	s0 =	rddreg [dreg:$0x0];
	s2 =	stileid.u32  }
0x1ed: {  	s1 =	rddreg [dreg:$0x1];
	p0 =	sne.s32 s2, $0x0  }
0x1ee: {  	s3 =	rddreg [dreg:$0x2];
	[bflag:$0x3] =	sbarrier.arrive $0xFFFF;
	s2 =	simm.s32 @!p0 $0x1C01  }
0x1ef: {  	[timem:s3], [sflag:s2] =	dma.local @!p0 [hbm:s0], s1  }
0x1f0: {  	s0 =	simm.s32 @!p0 $0x1  }
0x1f1: {  	_ =	swait.ge @!p0 [sflag:s0], s1  }
0x1f2: {  	s1 =	ssub.s32 @!p0 $0x0, s1;
	[sflag:s0] =	ssyncset.done @!p0 $0x0  }
0x1f3: {  	[sflag:s0] =	ssyncadd.s32 @!p0 s1  }
0x1f4: {  	[bflag:$0x3] =	sbarrier.arrive $0xFFFF  }
0x1f5: {  	_ =	shalt  }

// kernel: scatter_offload_async_start
scs
__scs_entry_jumppad:
0x0: {  	(pc) =	sbr.rel $0x88, $3  }
0x1: {  	(tag) =	ssettag $0x0;
	lr =	simm.s32 $0x1  }
0x2: {  	[smem:$0x3F86] =	sst lr;
	_ =	strace $0xD0000000  }
0x3: {  	_ = 	snop  }
0x4: {  	_ = 	snop  }
0x5: {  	_ = 	snop  }
0x6: {  	_ = 	snop  }
0x7: {  	_ = 	snop  }
__scs_overlays_trampoline_lowered:
0x8: {  	[smem:$0x3F95] =	sst s0  }
0x9: {  	[smem:$0x3F96] =	sst s1  }
0xa: {  	[smem:$0x3F97] =	sst s2  }
0xb: {  	[smem:$0x3F98] =	sst s3  }
0xc: {  	[smem:$0x3F99] =	sst s4  }
0xd: {  	[smem:$0x3F9A] =	sst s5  }
0xe: {  	[smem:$0x3F9B] =	sst s6  }
0xf: {  	[smem:$0x3F9C] =	sst s7  }
0x10: {  	[smem:$0x3F9D] =	sst s8  }
0x11: {  	[smem:$0x3F9E] =	sst s9;
	s0 =	simm.s32 @!p0 $0x0  }
0x12: {  	s1 =	sld [smem:$0x3F84];
	s0 =	simm.s32 @p0 $0x1  }
0x13: {  	[smem:$0x3F9F] =	sst s0;
	s0 =	simm.s32 @!p1 $0x0  }
0x14: {  	s2 =	sld [smem:$0x3F83];
	s0 =	simm.s32 @p1 $0x1  }
0x15: {  	[smem:$0x3FA0] =	sst s0;
	s0 =	simm.s32 @!p2 $0x0  }
0x16: {  	s3 =	sld [smem:$0x3FDB];
	s0 =	simm.s32 @p2 $0x1  }
0x17: {  	s4 =	simm.s32 $0x1BF5;
	[smem:$0x3FA2] =	sst s0  }
0x18: {  	s0 =	sld [smem:$0x3F85];
	_ =	swait.ge [sflag:s4], $0x0  }
0x19: {  	s7 =	sld [smem:$0x3F86]  }
0x1a: {  	s8 =	sadd.s32 $0xFFFFE003, lr  }
0x1b: {  	s9 =	sadd.s32 $0xFFFFFEF7, lr;
	s5 =	simm.s32 $0xFFFFFFFF;
	p2 =	slt.u32 s8, $0xFFFFF086  }
0x1c: {  	p1 =	slt.u32 s9, $0xF7A;
	s5 =	simm.s32 @!p2 $0x0  }
0x1d: {  	s5 =	simm.s32 @p1 $0x1;
	p0 =	seq.s32 s7, s2  }
0x1e: {  	s7 =	smul.u32 @!p0 $0xF7A, s2;
	p2 =	seq.s32 @!p0 s5, $0x0  }
0x1f: {  	s9 =	smul.u32 $0xF7A, s1;
	s8 =	simm.s32 @!p0 $0x1BF5;
	p2 =	por !p2, p0  }
0x20: {  	[sflag:s8] =	ssyncset.s32 @!p0 $0xFFFFF086;
	s6 =	sadd.s32 @!p0 s3, s7;
	s7 =	simm.s32 @!p0 $0x108  }
0x21: {  	s3 =	sadd.s32 s3, s9;
	s6 =	sadd.s32 @!p0 $0x88, s6;
	s7 =	simm.s32 @p2 $0x1082  }
0x22: {  	[simem:s7], [sflag:s8] =	dma.local @!p0 [hbm:s6], $0xF7A  }
0x23: {  	s9 =	sor.u32 $0xD0000000, s2;
	s6 =	simm.s32 $0x108;
	_ =	swait.ge @!p0 [sflag:s8], $0x0  }
0x24: {  	s3 =	sadd.s32 $0x88, s3;
	s6 =	simm.s32 @!p1 $0x1082;
	[sflag:s4] =	ssyncset.s32 $0xFFFFF086  }
0x25: {  	[simem:s6], [sflag:s4] =	dma.local [hbm:s3], $0xF7A  }
0x26: {  	[smem:$0x3F86] =	sst s1;
	(tag) =	ssettag s2;
	_ =	strace s9  }
0x27: {  	s1 =	sld [smem:$0x3F96]  }
0x28: {  	s2 =	sld [smem:$0x3F97]  }
0x29: {  	s4 =	sld [smem:$0x3F99]  }
0x2a: {  	p0 =	seq.s32 s5, $0x0;
	s5 =	sld [smem:$0x3F9A]  }
0x2b: {  	s6 =	sld [smem:$0x3F9B]  }
0x2c: {  	s7 =	sld [smem:$0x3F9C]  }
0x2d: {  	s3 =	simm.s32 $0x108;
	s8 =	sld [smem:$0x3F9D]  }
0x2e: {  	s3 =	simm.s32 @!p0 $0x1082;
	s9 =	sld [smem:$0x3F9E]  }
0x2f: {  	lr =	sadd.s32 s0, s3;
	s0 =	sld [smem:$0x3F95]  }
0x30: {  	s3 =	sld [smem:$0x3F98]  }
0x31: {  	[smem:$0x3FA1] =	sst s10  }
0x32: {  	s10 =	sld [smem:$0x3F9F];
	_ =	sdelay $0x3  }
0x33: {  	p0 =	seq.s32 s10, $0x1;
	s10 =	sld [smem:$0x3FA1];
	_ =	sdelay $0x3  }
0x34: {  	[smem:$0x3FA1] =	sst s10  }
0x35: {  	s10 =	sld [smem:$0x3FA0];
	_ =	sdelay $0x3  }
0x36: {  	p1 =	seq.s32 s10, $0x1;
	s10 =	sld [smem:$0x3FA1];
	_ =	sdelay $0x3  }
0x37: {  	[smem:$0x3FA1] =	sst s10  }
0x38: {  	s10 =	sld [smem:$0x3FA2]  }
0x39: {  	_ = 	snop;
	(pc) =	sbr.ind lr, $3  }
0x3a: {  	_ = 	snop  }
0x3b: {  	_ = 	snop  }
0x3c: {  	p2 =	seq.s32 s10, $0x1;
	s10 =	sld [smem:$0x3FA1]  }
0x3d: {  	_ =	shalt  }
0x3e: {  	_ =	shalt  }
0x3f: {  	_ =	shalt  }
0x40: {  	_ =	shalt  }
0x41: {  	_ =	shalt  }
0x42: {  	_ =	shalt  }
0x43: {  	_ =	shalt  }
0x44: {  	_ =	shalt  }
0x45: {  	_ =	shalt  }
0x46: {  	_ =	shalt  }
0x47: {  	_ =	shalt  }
0x48: {  	_ =	shalt  }
0x49: {  	_ =	shalt  }
0x4a: {  	_ =	shalt  }
0x4b: {  	_ =	shalt  }
0x4c: {  	_ =	shalt  }
0x4d: {  	_ =	shalt  }
0x4e: {  	_ =	shalt  }
0x4f: {  	_ =	shalt  }
0x50: {  	_ =	shalt  }
0x51: {  	_ =	shalt  }
0x52: {  	_ =	shalt  }
0x53: {  	_ =	shalt  }
0x54: {  	_ =	shalt  }
0x55: {  	_ =	shalt  }
0x56: {  	_ =	shalt  }
0x57: {  	_ =	shalt  }
0x58: {  	_ =	shalt  }
0x59: {  	_ =	shalt  }
0x5a: {  	_ =	shalt  }
0x5b: {  	_ =	shalt  }
0x5c: {  	_ =	shalt  }
0x5d: {  	_ =	shalt  }
0x5e: {  	_ =	shalt  }
0x5f: {  	_ =	shalt  }
0x60: {  	_ =	shalt  }
0x61: {  	_ =	shalt  }
0x62: {  	_ =	shalt  }
0x63: {  	_ =	shalt  }
0x64: {  	_ =	shalt  }
0x65: {  	_ =	shalt  }
0x66: {  	_ =	shalt  }
0x67: {  	_ =	shalt  }
0x68: {  	_ =	shalt  }
0x69: {  	_ =	shalt  }
0x6a: {  	_ =	shalt  }
0x6b: {  	_ =	shalt  }
0x6c: {  	_ =	shalt  }
0x6d: {  	_ =	shalt  }
0x6e: {  	_ =	shalt  }
0x6f: {  	_ =	shalt  }
0x70: {  	_ =	shalt  }
0x71: {  	_ =	shalt  }
0x72: {  	_ =	shalt  }
0x73: {  	_ =	shalt  }
0x74: {  	_ =	shalt  }
0x75: {  	_ =	shalt  }
0x76: {  	_ =	shalt  }
0x77: {  	_ =	shalt  }
0x78: {  	_ =	shalt  }
0x79: {  	_ =	shalt  }
0x7a: {  	_ =	shalt  }
0x7b: {  	_ =	shalt  }
0x7c: {  	_ =	shalt  }
0x7d: {  	_ =	shalt  }
0x7e: {  	_ =	shalt  }
0x7f: {  	_ =	shalt  }
0x80: {  	_ =	shalt  }
0x81: {  	_ =	shalt  }
0x82: {  	_ =	shalt  }
0x83: {  	_ =	shalt  }
0x84: {  	_ =	shalt  }
0x85: {  	_ =	shalt  }
0x86: {  	_ =	shalt  }
0x87: {  	_ =	shalt  }
.Lfunc_end0:
.L_simem_size_0:
called_computation_lowered:
.L_overlay_start_0:
0x88: {  	s0 =	sld [smem:$0x3FD9]  }
0x89: {  	s1 =	sld [smem:$0x3FFE];
	_ =	sdelay $0x3  }
0x8a: {  	s0 =	sadd.s32 s1, s0  }
0x8b: {  	[smem:$0x3FAD] =	sst s0  }
0x8c: {  	_ = 	snop  }
0x8d: {  	s0 =	sld [smem:$0x3FD0];
	(tm) =	ssettm $0x1  }
0x8e: {  	s16 =	sld [smem:$0x3FFB];
	_ =	sdelay $0x3  }
0x8f: {  	_ =	strace s16  }
0x90: {  	s1 =	sld [smem:$0x3FFC];
	_ =	sdelay $0x3  }
0x91: {  	_ =	strace s1  }
0x92: {  	s1 =	sld [smem:$0x3FFD];
	_ =	sdelay $0x3  }
0x93: {  	_ =	strace s1  }
0x94: {  	_ =	strace $0x8FFFFFFF  }
0x95: {  	s17 =	sld [smem:$0x3FDB];
	_ =	sdelay $0x1  }
0x96: {  	s2 =	simm.s32 $_scs_section_size  }
0x97: {  	s3 =	simm.s32 $_size__tile_overlayer_lowered;
	s4 =	simm.s32 $_tile_overlayer_lowered  }
0x98: {  	s20 =	simm.s32 $0x1BFF;
	s19 =	sshll.u32 s4, $0x1;
	s1 =	sadd.s32 s2, s17  }
0x99: {  	s5 =	simm.s32 $0x0;
	s18 =	sshll.u32 s3, $0x1;
	s3 =	sadd.s32 s19, s1  }
0x9a: {  	[timem:s5], [sflag:s20] =	dma.local [hbm:s3], s18  }
0x9b: {  	_ =	swait.ge [sflag:s20], s18  }
0x9c: {  	s2 =	ssub.s32 $0x0, s18;
	[sflag:s20] =	ssyncset.done $0x0  }
0x9d: {  	[sflag:s20] =	ssyncadd.s32 s2;
	_ =	sdelay $0x1  }
0x9e: {  	s21 =	simm.s32 $0x1B8B  }
0x9f: {  	_ =	swait.ge [sflag:s21], $0x1  }
0xa0: {  	[sflag:s21] =	ssyncset.done $0x0  }
0xa1: {  	s23 =	simm.s32 $0x1B8E;
	s22 =	sld [smem:$0x3FFE];
	[sflag:s21] =	ssyncadd.s32 $0xFFFFFFFF  }
0xa2: {  	s24 =	simm.s32 $execute0_lowered;
	[smem:$0x3FD2] =	sst s23  }
0xa3: {  	s3 =	sshll.u32 s24, $0x1;
	_ =	strace $0x80000055;
	[dreg:$0x1] =	wrdreg $0xFFFFFFFF  }
0xa4: {  	s25 =	simm.s32 $_size_execute0_lowered;
	s1 =	sadd.s32 s1, s3;
	[dreg:$0x0] =	wrdreg $0x0  }
0xa5: {  	s3 =	sshll.u32 s25, $0x1;
	[dreg:$0x2] =	wrdreg s1  }
0xa6: {  	[dreg:$0x3] =	wrdreg s3  }
0xa7: {  	[dreg:$0x4] =	wrdreg $0xC0  }
0xa8: {  	_ =	task [dreg:s5], $0x5FFFF  }
0xa9: {  	[dreg:$0x1] =	wrdreg $0xFFFFFFFF  }
0xaa: {  	[dreg:$0x0] =	wrdreg $0x60  }
0xab: {  	[dreg:$0x2] =	wrdreg s0  }
0xac: {  	[dreg:$0x3] =	wrdreg s22  }
0xad: {  	[dreg:$0x4] =	wrdreg $0x9  }
0xae: {  	_ =	task.clear_ibuf [dreg:s5], $0x5FFFF;
	_ =	strace $0x90000055  }
0xaf: {  	s26 =	simm.s32 $0x9;
	_ =	strace $0x80000057  }
0xb0: {  	_ =	swait.ge [sflag:s26], $0x1  }
0xb1: {  	[sflag:s26] =	ssyncadd.s32 $0xFFFFFFFF  }
0xb2: {  	_ =	strace $0x90000057  }
0xb3: {  	_ =	sfence  }
0xb4: {  	s28 =	sld [smem:$0x0];
	_ =	sdelay $0x1  }
0xb5: {  	s29 =	srdreg.scid  }
0xb6: {  	s30 =	sshll.u32 s29, $0xD;
	s31 =	sshrl.u32 s29, $0x2  }
0xb7: {  	s2 =	sand.u32 $0x4000, s30;
	s1 =	sand.u32 $0x1, s29;
	s0 =	sadd.s32 s31, s28  }
0xb8: {  	s1 =	sor.u32 s2, s1;
	s0 =	sshll.u32 s0, $0x11  }
0xb9: {  	s0 =	sor.u32 s0, s1  }
0xba: {  	s0 =	sadd.s32 $0x8F2B, s0  }
0xbb: {  	[sflag:s0] =	ssyncadd.remote.s32 $0x1  }
0xbc: {  	_ =	sfence.sel $0xFFFF  }
0xbd: {  	[dreg:$0x0] =	wrdreg $0xFFFFFFFF;
	(pc) =	sbr.abs _section_cstart, $3  }
0xbe: {  	[dreg:$0x1] =	wrdreg $0xFFFFFFFF  }
0xbf: {  	_ =	task.clear_ibuf [dreg:s5], $0x2FFFF;
	_ =	strace $0x9FFFFFFF  }
0xc0: {  	(tm) =	ssettm $0x7FFFFFFF  }
0xc1: {  	_ =	shalt  }
tec
execute0_lowered:
.L_overlay_start_1:
0x0: {  	(tag) =	ssettag $0x1  }
0x1: {  	s1 =	rddreg [dreg:$0x0]  }
0x2: {  	s2 =	rddreg [dreg:$0x1]  }
0x3: {  	s0 =	rddreg [dreg:$0x2]  }
0x4: {  	s4 =	stileid.u32;
	_ =	strace $0x80000056;
	s5 =	simm.s32 $0x3E  }
0x5: {  	p0 =	sne.s32 s4, $0x0;
	[sflag:s5] =	ssyncpa.u1 $0x0  }
0x6: {  	s30 =	smin.u32 s4, $0x9;
	s3 =	simm.s32 @!p0 $0x1C3E;
	s6 =	simm.s32 @!p0 $0x0  }
0x7: {  	[spmem:s6], [sflag:s3] =	dma.local @!p0 [hbm:s1], $0x10  }
0x8: {  	s3 =	sadd.s32 s4, s30  }
0x9: {  	p1 =	slt.u32 s4, $0x9;
	s4 =	simm.s32 $0xFA0;
	s3 =	smul.u32 $0x7D0, s3  }
0xa: {  	s4 =	simm.s32 @!p1 $0x7D0  }
0xb: {  	s4 =	sadd.s32 s4, s3  }
0xc: {  	s4 =	smin.u32 s4, $0xC350  }
0xd: {  	s7 =	ssub.s32 s4, s3  }
0xe: {  	p1 =	sgt.s32 s7, $0x0  }
0xf: {  	s7 =	simm.s32 @!p1 $0x0  }
0x10: {  	s8 =	sand.u32 $0xFFF0, s7  }
0x11: {  	s8 =	sshrl.u32 s8, $0x4  }
0x12: {  	s6 =	simm.s32 @!p0 $0x3E;
	s31 =	smul.u32 $0x1063, s8  }
0x13: {  	_ =	swait.ge @!p0 [sflag:s6], $0x10  }
0x14: {  	[sflag:s6] =	ssyncset.done @!p0 $0x0;
	s8 =	sshrl.u32 s31, $0x13  }
0x15: {  	s11 =	simm.s32 $0x0;
	[sflag:s6] =	ssyncadd.s32 @!p0 $0xFFFFFFF0;
	s9 =	smul.u32 $0x7D0, s8  }
.Ltmp0:
0x16: {  	s6 =	simm.s32 $0x2;
	[bflag:$0x0] =	sbarrier.arrive $0xFFFF;
	(pc) =	sbr.rel .LBB2_1-.Ltmp0, $4  }
0x17: {  	s10 =	smov.u32 s3;
	[sflag:s5] =	ssyncpa.u1 $0x1;
	s5 =	simm.s32 $0x1  }
0x18: {  	[sflag:s5] =	ssyncpa.u1 $0x0;
	p1 =	sne.s32 s7, s9;
	s9 =	simm.s32 $0x1  }
0x19: {  	(ifvalue) =	ssetifvalue $0x80;
	[sflag:s6] =	ssyncpa.u1 $0x0;
	s9 =	simm.s32 @!p1 $0x0  }
0x1a: {  	vm0 =	vmmov $0xffff;
	s7 =	sadd.s32 $0x6B400, s2;
	s8 =	sadd.s32 s8, s9;
	s9 =	simm.s32 $0x0  }
.LBB2_5:
0x1b: {  	p2 =	sne.s32 s11, s8  }
.Ltmp1:
0x1c: {  	_ = 	snop;
	(pc) =	sbr.rel @!p2 .LBB2_6-.Ltmp1, $4  }
0x1d: {  	_ = 	snop  }
0x1e: {  	s12 =	sadd.s32 $0x7D0, s10  }
0x1f: {  	s10 =	smov.u32 s3;
	s13 =	sadd.s32 $0x1, s11;
	p1 =	slt.s32 s12, s4  }
0x20: {  	s11 =	smov.u32 s13;
	s10 =	smov.u32 @p1 s12  }
.LBB2_1:
0x21: {  	p1 =	sge.u32 s11, s8  }
0x22: {  	s12 =	sxor.u32 @!p1 $0xFFFFFFFF, s11  }
0x23: {  	s12 =	sand.u32 @!p1 $0x1, s12  }
0x24: {  	s12 =	smul.u32 @!p1 $0x7D0, s12  }
0x25: {  	s13 =	sshrl.u32 @!p1 s10, $0x3  }
0x26: {  	s16 =	sand.u32 @!p1 $0x7, s10;
	s14 =	sadd.s32 @!p1 s7, s13;
	s15 =	sor.u32 @!p1 $0x8, s12  }
0x27: {  	[tilespmem:s15], [sflag:$0x2] =	stream.linear.gather @!p1 [hbm4b:s14+s16], $0x7D0, $0x38;
	[tilespmem:$0x1F48] =	vst v63  }
0x28: {  	s13 =	sadd.s32 @!p1 s2, s13;
	s12 =	sadd.s32 @!p1 $0xFA8, s12  }
0x29: {  	[tilespmem:s12], [sflag:$0x2] =	stream.linear.gather @!p1 [hbm4b:s13+s16], $0x7D0, $0x38;
	[tilespmem:$0x1F48] =	vst v63  }
0x2a: {  	p1 =	seq.s32 s11, $0x0  }
.Ltmp2:
0x2b: {  	_ = 	snop;
	(pc) =	sbr.rel @p1 .LBB2_5-.Ltmp2, $1  }
0x2c: {  	_ =	sdelay $0x3  }
0x2d: {  	s12 =	sand.u32 $0x1, s11  }
0x2e: {  	_ =	swait.ge [sflag:s6], $0xFA0;
	p1 =	seq.s32 s12, $0x1;
	s12 =	simm.s32 $0x7D0  }
0x2f: {  	[sflag:s6] =	ssyncset.done $0x0;
	s12 =	simm.s32 @!p1 $0x0  }
0x30: {  	[sflag:s6] =	ssyncadd.s32 $0xFFFFF060;
	s14 =	sor.u32 $0x8, s12  }
0x31: {  	v0 =	vld.msk [tilespmem:s14+$0x0 ss:$0x1], $0xffff;
	_ =	sdelay $0x4  }
0x32: {  	v0 =	vmin.u32 v0, $0x80;
	_ =	sdelay $0x3  }
0x33: {  	s13 =	simm.s32 $0x0;
	s12 =	sadd.s32 $0xFA8, s12;
	s14 =	sadd.s32 $0x10, s14  }
0x34: {  	[spmem:s9] =	stream.indirect_vreg.scatter.add.s32 [tilespmem:s12], [sflag:$0x1], $0x1, v0, vm0, $0x4038;
	[tilespmem:$0x1F48] =	vst v63  }
.LBB2_3:
0x35: {  	v0 =	vld.msk [tilespmem:s14+$0x0 ss:$0x1], $0xffff;
	s13 =	sadd.s32 $0x10, s13  }
0x36: {  	p1 =	slt.u32 s13, $0x7C0;
	_ =	sdelay $0x4  }
0x37: {  	v0 =	vmin.u32 v0, $0x80  }
.Ltmp3:
0x38: {  	(pc) =	sbr.rel @p1 .LBB2_3-.Ltmp3, $3  }
0x39: {  	_ =	sdelay $0x1  }
0x3a: {  	s14 =	sadd.s32 $0x10, s14;
	s12 =	sadd.s32 $0x10, s12  }
0x3b: {  	[spmem:s9] =	stream.indirect_vreg.scatter.add.s32 [tilespmem:s12], [sflag:$0x1], $0x1, v0, vm0, $0x4038;
	[tilespmem:$0x1F48] =	vst v63  }
.Ltmp4:
0x3c: {  	(pc) =	sbr.rel .LBB2_5-.Ltmp4, $4  }
0x3d: {  	_ = 	snop  }
0x3e: {  	_ =	swait.ge [sflag:s5], $0x7D0  }
0x3f: {  	[sflag:s5] =	ssyncset.done $0x0  }
0x40: {  	[sflag:s5] =	ssyncadd.s32 $0xFFFFF830  }
.LBB2_6:
0x41: {  	_ =	sfence.sel $0x180000  }
0x42: {  	s2 =	simm.s32 $0x2;
	[bflag:$0x0] =	sbarrier.arrive $0xFFFF  }
0x43: {  	s30 =	simm.s32 $0x1;
	[sflag:s2] =	ssyncpa.u1 $0x1  }
0x44: {  	[sflag:s30] =	ssyncpa.u1 $0x1  }
0x45: {  	_ =	sfence.stream.spmem  }
0x46: {  	s31 =	simm.s32 $0x3D;
	[bflag:$0x0] =	sbarrier.arrive $0xFFFF  }
0x47: {  	s2 =	simm.s32 @p0 $0x3D;
	[sflag:s31] =	ssyncpa.u1 $0x0  }
0x48: {  	[sflag:s2] =	ssyncpa.u1 @p0 $0x1  }
0x49: {  	[bflag:$0x0] =	sbarrier.arrive @p0 $0xFFFF  }
0x4a: {  	_ =	strace @p0 $0x90000056  }
0x4b: {  	s3 =	simm.s32 @!p0 $0x1C3D;
	s2 =	simm.s32 @!p0 $0x0;
	[bflag:$0x2] =	sbarrier.arrive @p0 $0xFFFF  }
0x4c: {  	[hbm:s1], [sflag:s3] =	dma.local @!p0 [spmem:s2], $0x10  }
0x4d: {  	s1 =	simm.s32 @!p0 $0x3D  }
0x4e: {  	_ =	swait.ge @!p0 [sflag:s1], $0x10  }
0x4f: {  	[sflag:s1] =	ssyncset.done @!p0 $0x0  }
0x50: {  	[sflag:s1] =	ssyncadd.s32 @!p0 $0xFFFFFFF0  }
0x51: {  	[sflag:s1] =	ssyncpa.u1 @!p0 $0x1  }
0x52: {  	[bflag:$0x0] =	sbarrier.arrive @!p0 $0xFFFF  }
0x53: {  	_ =	strace @!p0 $0x90000056  }
0x54: {  	s0 =	sadd.s32 @!p0 $0x100000, s0;
	[bflag:$0x2] =	sbarrier.arrive @!p0 $0xFFFF  }
0x55: {  	[sflag:s0] =	ssyncadd.tile.s32 @!p0 $0x1;
	_ =	shalt  }
.Lfunc_end2:
_tile_overlayer_lowered:
.L_overlay_start_2:
0x56: {  	(tag) =	ssettag $0x2  }
0x57: {  	s0 =	rddreg [dreg:$0x0];
	s2 =	stileid.u32  }
0x58: {  	s1 =	rddreg [dreg:$0x1];
	p0 =	sne.s32 s2, $0x0  }
0x59: {  	s3 =	rddreg [dreg:$0x2];
	[bflag:$0x3] =	sbarrier.arrive $0xFFFF;
	s2 =	simm.s32 @!p0 $0x1C01  }
0x5a: {  	[timem:s3], [sflag:s2] =	dma.local @!p0 [hbm:s0], s1  }
0x5b: {  	s0 =	simm.s32 @!p0 $0x1  }
0x5c: {  	_ =	swait.ge @!p0 [sflag:s0], s1  }
0x5d: {  	s1 =	ssub.s32 @!p0 $0x0, s1;
	[sflag:s0] =	ssyncset.done @!p0 $0x0  }
0x5e: {  	[sflag:s0] =	ssyncadd.s32 @!p0 s1  }
0x5f: {  	[bflag:$0x3] =	sbarrier.arrive $0xFFFF  }
0x60: {  	_ =	shalt  }

// kernel: sparse-core-data-format-call.1.cloned.1.call-start
scs
called_computation.3_lowered:
.L_overlay_start_0:
0x0: {  	s2 =	sld [smem:$0x3FD9]  }
0x1: {  	s3 =	sld [smem:$0x3FFE];
	_ =	sdelay $0x1  }
0x2: {  	s1 =	srdreg.scid  }
0x3: {  	s0 =	sand.u32 $0x1, s1  }
0x4: {  	s18 =	sshll.u32 s0, $0xA;
	s2 =	sadd.s32 s3, s2  }
0x5: {  	s2 =	sadd.s32 s2, s18  }
0x6: {  	[smem:$0x3FAD] =	sst s2  }
0x7: {  	_ = 	snop  }
0x8: {  	(tm) =	ssettm $0x1  }
0x9: {  	s19 =	sld [smem:$0x3FFB];
	_ =	sdelay $0x3  }
0xa: {  	_ =	strace s19  }
0xb: {  	s2 =	sld [smem:$0x3FFC];
	_ =	sdelay $0x3  }
0xc: {  	_ =	strace s2  }
0xd: {  	s2 =	sld [smem:$0x3FFD];
	_ =	sdelay $0x3  }
0xe: {  	_ =	strace s2  }
0xf: {  	_ =	strace $0x8FFFFFFF  }
0x10: {  	s20 =	sld [smem:$0x3FDB];
	_ =	sdelay $0x1  }
0x11: {  	s21 =	simm.s32 $_scs_section_size  }
0x12: {  	s4 =	simm.s32 $_size__tile_overlayer_lowered;
	s5 =	simm.s32 $_tile_overlayer_lowered  }
0x13: {  	s6 =	simm.s32 $0x1BFF;
	s22 =	sshll.u32 s5, $0x1;
	s3 =	sadd.s32 s21, s20  }
0x14: {  	s23 =	simm.s32 $0x0;
	s4 =	sshll.u32 s4, $0x1;
	s5 =	sadd.s32 s22, s3  }
0x15: {  	[timem:s23], [sflag:s6] =	dma.local [hbm:s5], s4  }
0x16: {  	_ =	swait.ge [sflag:s6], s4  }
0x17: {  	s4 =	ssub.s32 $0x0, s4;
	[sflag:s6] =	ssyncset.done $0x0  }
0x18: {  	[sflag:s6] =	ssyncadd.s32 s4;
	_ =	sdelay $0x1  }
0x19: {  	s24 =	simm.s32 $0x1B8B  }
0x1a: {  	_ =	swait.ge [sflag:s24], $0x1  }
0x1b: {  	[sflag:s24] =	ssyncset.done $0x0  }
0x1c: {  	[sflag:s24] =	ssyncadd.s32 $0xFFFFFFFF  }
0x1d: {  	s4 =	sld [smem:$0x0]  }
0x1e: {  	s5 =	sand.u32 $0xFFFFFFFE, s1  }
0x1f: {  	p0 =	sne.s32 s1, s5  }
0x20: {  	s5 =	sshll.u32 @p0 s5, $0xE  }
0x21: {  	s5 =	sadd.s32 @p0 $0x11B8D, s5;
	s6 =	sshll.u32 @p0 s4, $0x11  }
0x22: {  	s5 =	sor.u32 @p0 s6, s5  }
0x23: {  	[sflag:s5] =	ssyncadd.remote.s32 @p0 $0x1;
	_ =	sdelay $0x1  }
0x24: {  	s5 =	simm.s32 @p0 $0x1B8D  }
0x25: {  	_ =	swait.eq @p0 [sflag:s5], $0x1  }
0x26: {  	[sflag:s5] =	ssyncadd.s32 @p0 $0xFFFFFFFF  }
0x27: {  	s6 =	sshll.u32 @!p0 s1, $0xE  }
0x28: {  	s6 =	sor.u32 @!p0 $0x4000, s6;
	s5 =	simm.s32 @!p0 $0x1B8D  }
0x29: {  	s4 =	sshll.u32 @!p0 s4, $0x11;
	s6 =	sadd.s32 @!p0 $0x11B8D, s6;
	_ =	swait.eq @!p0 [sflag:s5], $0x1  }
0x2a: {  	s4 =	sor.u32 @!p0 s4, s6;
	[sflag:s5] =	ssyncadd.s32 @!p0 $0xFFFFFFFF  }
0x2b: {  	s26 =	simm.s32 $0x1B8E;
	s25 =	sld [smem:$0x3FFE];
	[sflag:s4] =	ssyncadd.remote.s32 @!p0 $0x1  }
0x2c: {  	s27 =	simm.s32 $execute0_lowered;
	[smem:$0x3FD2] =	sst s26  }
0x2d: {  	s5 =	sshll.u32 s27, $0x1;
	_ =	strace $0x80000049;
	[dreg:$0x1] =	wrdreg $0xFFFFFFFF  }
0x2e: {  	s28 =	simm.s32 $_size_execute0_lowered;
	s3 =	sadd.s32 s3, s5;
	[dreg:$0x0] =	wrdreg $0x0  }
0x2f: {  	s5 =	sshll.u32 s28, $0x1;
	[dreg:$0x2] =	wrdreg s3  }
0x30: {  	[dreg:$0x3] =	wrdreg s5  }
0x31: {  	[dreg:$0x4] =	wrdreg $0xC0  }
0x32: {  	_ =	task [dreg:s23], $0x5FFFF  }
0x33: {  	[dreg:$0x1] =	wrdreg $0xFFFFFFFF  }
0x34: {  	[dreg:$0x0] =	wrdreg $0x60  }
0x35: {  	[dreg:$0x2] =	wrdreg s25  }
0x36: {  	[dreg:$0x3] =	wrdreg $0x9  }
0x37: {  	_ =	task.clear_ibuf [dreg:s23], $0x4FFFF;
	_ =	strace $0x90000049  }
0x38: {  	s29 =	simm.s32 $0x9;
	_ =	strace $0x8000004B  }
0x39: {  	_ =	swait.ge [sflag:s29], $0x1  }
0x3a: {  	[sflag:s29] =	ssyncadd.s32 $0xFFFFFFFF  }
0x3b: {  	_ =	strace $0x9000004B  }
0x3c: {  	_ =	sfence  }
0x3d: {  	s30 =	sld [smem:$0x0];
	_ =	sdelay $0x2  }
0x3e: {  	s31 =	sshll.u32 s1, $0xD;
	s1 =	sshrl.u32 s1, $0x2  }
0x3f: {  	s4 =	sand.u32 $0x4000, s31;
	s1 =	sadd.s32 s1, s30  }
0x40: {  	s0 =	sor.u32 s4, s0;
	s1 =	sshll.u32 s1, $0x11  }
0x41: {  	s0 =	sor.u32 s1, s0  }
0x42: {  	s0 =	sadd.s32 $0x8F2B, s0  }
0x43: {  	[sflag:s0] =	ssyncadd.remote.s32 $0x1  }
0x44: {  	_ =	sfence.sel $0xFFFF  }
0x45: {  	[dreg:$0x0] =	wrdreg $0xFFFFFFFF;
	(pc) =	sbr.abs _section_cstart, $3  }
0x46: {  	[dreg:$0x1] =	wrdreg $0xFFFFFFFF  }
0x47: {  	_ =	task.clear_ibuf [dreg:s23], $0x2FFFF;
	_ =	strace $0x9FFFFFFF  }
0x48: {  	(tm) =	ssettm $0x7FFFFFFF  }
0x49: {  	_ =	shalt  }
tec
execute0_lowered:
.L_overlay_start_1:
0x0: {  	(tag) =	ssettag $0x1  }
0x1: {  	s0 =	srdreg.scid  }
0x2: {  	s0 =	sshll.u32 s0, $0x4  }
0x3: {  	s1 =	stileid.u32;
	s0 =	sand.u32 $0x10, s0  }
0x4: {  	s0 =	sor.u32 s1, s0  }
0x5: {  	s29 =	rddreg [dreg:$0x0];
	s10 =	sshll.u32 s0, $0x7  }
0x6: {  	_ =	strace $0x8000004A;
	s2 =	simm.s32 $0x1;
	s0 =	ssub.s32 $0xC300, s10  }
0x7: {  	s30 =	simm.s32 $0x2;
	s15 =	simm.s32 $0x0;
	s0 =	sshrl.u32 s0, $0xC  }
0x8: {  	s14 =	simm.s32 $0x0;
	s3 =	sadd.s32 $0x9C1600, s29;
	s0 =	smul.u32 $0x7, s0  }
.Ltmp0:
0x9: {  	[dreg:$0x3] =	wrdreg s3;
	s1 =	sadd.s32 $0xE87400, s29;
	(pc) =	sbr.rel .LBB1_1-.Ltmp0, $4  }
0xa: {  	s9 =	simm.s32 $0x0;
	s11 =	simm.s32 $0x0;
	[dreg:$0x4] =	wrdreg s1  }
0xb: {  	s12 =	simm.s32 $0x0;
	[dreg:$0x2] =	wrdreg s10;
	s31 =	sadd.s32 $0x7, s0  }
0xc: {  	[sflag:s2] =	ssyncpa.u1 $0x0;
	s8 =	sadd.s32 $0x8, s0;
	[dreg:$0x5] =	wrdreg s31  }
0xd: {  	s13 =	simm.s32 $0x0;
	[sflag:s30] =	ssyncpa.u1 $0x0;
	[dreg:$0x6] =	wrdreg s8  }
.LBB1_12:
0xe: {  	s9 =	rddreg [dreg:$0x7]  }
0xf: {  	s1 =	sshll.u32 s11, $0x3;
	s0 =	sshrl.u32 s9, $0x3  }
0x10: {  	s3 =	smov.u32 s11;
	s4 =	rddreg [dreg:$0xb];
	s0 =	smul.u32 $0x1C00, s0  }
0x11: {  	s6 =	rddreg [dreg:$0xa];
	s1 =	sand.u32 $0xFFFFFC00, s1;
	s2 =	sshll.u32 s9, $0x7  }
0x12: {  	s26 =	sand.u32 $0x7F, s11;
	s24 =	sand.u32 $0x380, s2;
	s0 =	sadd.s32 s1, s0  }
0x13: {  	s30 =	rddreg [dreg:$0x4];
	s31 =	simm.s32 $0x1C00;
	s0 =	sor.u32 s24, s0  }
0x14: {  	p0 =	sgt.s32 s9, $0xC2D0;
	s2 =	smov.u32 s9;
	s1 =	sshrl.u32 s0, $0x7  }
0x15: {  	s8 =	rddreg [dreg:$0x6];
	s2 =	simm.s32 @!p0 $0xC2D0;
	s1 =	smulhi.u32 $0x24924925, s1  }
0x16: {  	s14 =	rddreg [dreg:$0x8];
	p0 =	sgt.s32 s11, $0x300;
	s2 =	sadd.s32 s4, s2  }
0x17: {  	s3 =	simm.s32 @!p0 $0x300;
	s5 =	sadd.s32 $0xFFFF3D30, s2;
	s25 =	smulhi.u32 $0xA7C5AD, s1  }
0x18: {  	s3 =	sadd.s32 s6, s3;
	s2 =	ssub.s32 $0xC350, s2;
	p0 =	sgt.s32 s5, $0x7F  }
0x19: {  	s27 =	sadd.s32 $0xFFFFFD00, s3;
	s28 =	smul.u32 $0x380, s1;
	s4 =	sshrl.u32 s25, $0x7  }
0x1a: {  	s3 =	ssub.s32 $0x380, s3;
	p1 =	sgt.s32 s27, $0x7F;
	s4 =	smul.u32 $0xC350, s4  }
0x1b: {  	s0 =	sor.u32 s26, s0;
	s2 =	simm.s32 @p0 $0x0;
	s3 =	simm.s32 @p1 $0x0  }
0x1c: {  	s2 =	smul.u32 s3, s2;
	s0 =	ssub.s32 s0, s28;
	s1 =	ssub.s32 s1, s4  }
0x1d: {  	s29 =	sshrl.u32 s0, $0x3;
	s0 =	sand.u32 $0x7, s0;
	s1 =	smul.u32 $0x70, s1  }
0x1e: {  	s15 =	rddreg [dreg:$0x9];
	s3 =	sadd.s32 s30, s29;
	s0 =	sshll.u32 s0, $0x12  }
0x1f: {  	s2 =	sand.u32 $0x3FFFFFFF, s2;
	s0 =	sor.u32 $0x400, s0;
	s1 =	sadd.s32 s1, s3  }
0x20: {  	[hbm4b:s1+s0] =	stream.strided.scatter [tilespmem:s17], [sflag:$0x2], s2, s31, s0, $0x20;
	[tilespmem:$0x10100] =	vst v63  }
.LBB1_13:
0x21: {  	p0 =	slt.u32 s13, $0x2  }
0x22: {  	s1 =	smov.u32 s15;
	s2 =	smov.u32 s14;
	p1 =	sgt.s32 @!p0 s15, $0xC2D0  }
0x23: {  	s0 =	sshra.s32 @!p0 s15, $0x1F;
	p2 =	sgt.s32 @!p0 s14, $0x300;
	s3 =	sshra.s32 @!p0 s14, $0x1F  }
0x24: {  	p1 =	por !p1, p0;
	s0 =	sand.u32 @!p0 s0, s15;
	p2 =	por !p2, p0  }
0x25: {  	s3 =	sand.u32 @!p0 s3, s14;
	s1 =	simm.s32 @p1 $0xC2D0;
	s2 =	simm.s32 @p2 $0x300  }
0x26: {  	s0 =	ssub.s32 @!p0 s1, s0;
	s1 =	ssub.s32 @!p0 s2, s3  }
0x27: {  	s2 =	sadd.s32 @!p0 $0xFFFF3D30, s0;
	s3 =	sadd.s32 @!p0 $0xFFFFFD00, s1  }
0x28: {  	s0 =	ssub.s32 @!p0 $0xC350, s0;
	p1 =	sgt.s32 @!p0 s2, $0x7F;
	p2 =	sgt.s32 @!p0 s3, $0x7F  }
0x29: {  	s1 =	ssub.s32 @!p0 $0x380, s1;
	p1 =	por !p1, p0;
	p2 =	por !p2, p0  }
0x2a: {  	s0 =	simm.s32 @!p1 $0x0;
	s1 =	simm.s32 @!p2 $0x0  }
0x2b: {  	s0 =	smul.u32 @!p0 s1, s0  }
0x2c: {  	s4 =	smov.u32 s12  }
0x2d: {  	s2 =	simm.s32 @!p0 $0x2;
	s1 =	sadd.s32 $0x1000, s10;
	s0 =	sand.u32 @!p0 $0x3FFFFFFF, s0  }
0x2e: {  	s3 =	sadd.s32 $0x80, s12;
	p1 =	sgt.s32 s1, $0xC34F;
	_ =	swait.ge @!p0 [sflag:s2], s0  }
0x2f: {  	s4 =	smov.u32 @p1 s3;
	s3 =	rddreg [dreg:$0x2]  }
0x30: {  	s1 =	smov.u32 @p1 s3;
	p1 =	sgt.s32 s4, $0x31F  }
0x31: {  	s4 =	simm.s32 @p1 $0x0;
	p1 =	sne.s32 s13, s8  }
.Ltmp1:
0x32: {  	_ = 	snop;
	(pc) =	sbr.rel @!p1 .LBB1_14-.Ltmp1, $4  }
0x33: {  	s15 =	smov.u32 s9  }
0x34: {  	s14 =	smov.u32 s11;
	s0 =	ssub.s32 @!p0 $0x0, s0;
	[sflag:s2] =	ssyncset.done @!p0 $0x0  }
0x35: {  	s9 =	smov.u32 s10;
	s11 =	smov.u32 s12;
	[sflag:s2] =	ssyncadd.s32 @!p0 s0  }
0x36: {  	s13 =	sadd.s32 $0x1, s13;
	s10 =	smov.u32 s1;
	s12 =	smov.u32 s4  }
.LBB1_1:
0x37: {  	s0 =	rddreg [dreg:$0x5]  }
0x38: {  	s3 =	smov.u32 s12;
	s5 =	smov.u32 s10;
	p0 =	sge.u32 s13, s0  }
0x39: {  	s0 =	sshrl.u32 @!p0 s12, $0x3;
	s1 =	sshll.u32 @!p0 s10, $0x3;
	s2 =	sshll.u32 @!p0 s12, $0x7  }
0x3a: {  	p1 =	sgt.s32 @!p0 s12, $0x2A0;
	s4 =	sshra.s32 @!p0 s12, $0x1F;
	s6 =	sshra.s32 @!p0 s10, $0x1F  }
0x3b: {  	s0 =	smul.u32 @!p0 $0x61C00, s0;
	s1 =	sand.u32 @!p0 $0xFFFFFC00, s1;
	p1 =	por !p1, p0  }
0x3c: {  	s4 =	sand.u32 @!p0 s4, s12;
	s6 =	sand.u32 @!p0 s6, s10;
	s3 =	simm.s32 @p1 $0x2A0  }
0x3d: {  	p1 =	sgt.s32 @!p0 s10, $0xC300;
	s0 =	sadd.s32 @!p0 s0, s1;
	s1 =	sand.u32 @!p0 $0x380, s2  }
0x3e: {  	s2 =	sand.u32 @!p0 $0x7F, s10;
	p1 =	por !p1, p0;
	s0 =	sor.u32 @!p0 s1, s0  }
0x3f: {  	s3 =	ssub.s32 @!p0 s3, s4;
	s5 =	simm.s32 @p1 $0xC300;
	s1 =	sor.u32 @!p0 s2, s0  }
0x40: {  	s0 =	smulhi.u32 @!p0 $0xA79C7B17, s0;
	s4 =	ssub.s32 @!p0 s5, s6;
	s6 =	sadd.s32 @!p0 $0xFFFFFD60, s3  }
0x41: {  	s3 =	ssub.s32 @!p0 $0x320, s3;
	s2 =	smulhi.u32 @!p0 $0xA79C7B17, s1;
	s7 =	sadd.s32 @!p0 $0xFFFF3D00, s4  }
0x42: {  	p1 =	sgt.s32 @!p0 s6, $0x7F;
	s4 =	ssub.s32 @!p0 $0xC380, s4;
	s0 =	sshrl.u32 @!p0 s0, $0xF  }
0x43: {  	p2 =	sgt.s32 @!p0 s7, $0x7F;
	s2 =	sshrl.u32 @!p0 s2, $0xF;
	s5 =	smulhi.u32 @!p0 $0x51EB86, s0  }
0x44: {  	p1 =	por !p1, p0;
	p2 =	por !p2, p0;
	s2 =	smul.u32 @!p0 $0xC380, s2  }
0x45: {  	s3 =	simm.s32 @!p1 $0x0;
	s4 =	simm.s32 @!p2 $0x0  }
0x46: {  	s5 =	smul.u32 @!p0 $0x320, s5;
	s1 =	ssub.s32 @!p0 s1, s2;
	s2 =	sxor.u32 @!p0 $0xFFFFFFFF, s13  }
0x47: {  	s3 =	smul.u32 @!p0 s3, s4;
	s2 =	sshll.u32 @!p0 s2, $0xE  }
0x48: {  	s0 =	ssub.s32 @!p0 s0, s5;
	s4 =	sshrl.u32 @!p0 s1, $0x3;
	s1 =	sand.u32 @!p0 $0x7, s1  }
0x49: {  	s3 =	sand.u32 @!p0 $0x3FFFFFFF, s3;
	s5 =	rddreg [dreg:$0x3];
	s0 =	smul.u32 @!p0 $0x1870, s0  }
0x4a: {  	s2 =	sand.u32 @!p0 $0x4000, s2;
	s4 =	sadd.s32 @!p0 s5, s4;
	s1 =	sshll.u32 @!p0 s1, $0x12  }
0x4b: {  	s1 =	sor.u32 @!p0 $0x400, s1;
	s0 =	sadd.s32 @!p0 s0, s4;
	s4 =	simm.s32 @!p0 $0x61C00  }
0x4c: {  	[tilespmem:s2], [sflag:$0x1] =	stream.strided.gather @!p0 [hbm4b:s0+s1], s3, s4, s1, $0x38;
	[tilespmem:$0x10100] =	vst v63  }
0x4d: {  	p0 =	seq.s32 s13, $0x0  }
0x4e: {  	p1 =	sge.u32 @!p0 s13, s8  }
0x4f: {  	p0 =	por p0, p1  }
.Ltmp2:
0x50: {  	_ = 	snop;
	(pc) =	sbr.rel @p0 .LBB1_13-.Ltmp2, $1  }
0x51: {  	_ =	sdelay $0x3  }
0x52: {  	s0 =	ssub.s32 $0x0, s11;
	s1 =	sshra.s32 s11, $0x1F;
	p0 =	sgt.s32 s11, $0x2A0  }
0x53: {  	s2 =	smov.u32 s11;
	s25 =	ssub.s32 $0x0, s9;
	s26 =	sshra.s32 s9, $0x1F  }
0x54: {  	s3 =	smov.u32 s9;
	s2 =	simm.s32 @!p0 $0x2A0;
	p0 =	sgt.s32 s9, $0xC300  }
0x55: {  	s4 =	sand.u32 s0, s1;
	s1 =	sand.u32 s25, s26;
	s3 =	simm.s32 @!p0 $0xC300  }
0x56: {  	s2 =	sadd.s32 s4, s2;
	[dreg:$0xb] =	wrdreg s1;
	s1 =	sadd.s32 s1, s3  }
0x57: {  	s27 =	sadd.s32 $0xFFFFFD60, s2;
	s2 =	ssub.s32 $0x320, s2;
	s28 =	sadd.s32 $0xFFFF3D00, s1  }
0x58: {  	p0 =	sgt.s32 s27, $0x7F;
	s0 =	ssub.s32 $0xC380, s1;
	p1 =	sgt.s32 s28, $0x7F  }
0x59: {  	s2 =	simm.s32 @p0 $0x0;
	s0 =	simm.s32 @p1 $0x0  }
0x5a: {  	s29 =	smul.u32 s2, s0;
	s2 =	sadd.s32 $0x80, s11  }
0x5b: {  	p0 =	slt.s32 s2, $0x320  }
0x5c: {  	s2 =	simm.s32 @!p0 $0x320  }
0x5d: {  	[dreg:$0x9] =	wrdreg s15;
	s19 =	ssub.s32 s2, s11  }
0x5e: {  	[dreg:$0x8] =	wrdreg s14;
	p0 =	slt.s32 s19, $0x1  }
.Ltmp3:
0x5f: {  	[dreg:$0x7] =	wrdreg s9;
	s30 =	simm.s32 $0x1;
	(pc) =	sbr.rel @p0 .LBB1_12-.Ltmp3, $4  }
0x60: {  	[dreg:$0xa] =	wrdreg s4;
	s0 =	sand.u32 $0x1, s13;
	s1 =	sand.u32 $0x3FFFFFFF, s29  }
0x61: {  	s31 =	smul.u32 $0x4080, s0;
	_ =	swait.ge [sflag:s30], s1  }
0x62: {  	s1 =	ssub.s32 $0x0, s1;
	[sflag:s30] =	ssyncset.done $0x0  }
0x63: {  	s17 =	sor.u32 $0x8000, s31;
	[sflag:s30] =	ssyncadd.s32 s1  }
0x64: {  	s2 =	rddreg [dreg:$0x7]  }
0x65: {  	s1 =	sadd.s32 $0x80, s2  }
0x66: {  	p0 =	slt.s32 s1, $0xC350  }
.Ltmp4:
0x67: {  	s1 =	simm.s32 @!p0 $0xC350;
	(pc) =	sbr.rel .LBB1_4-.Ltmp4, $4  }
0x68: {  	s22 =	sshll.u32 s0, $0xE;
	s1 =	ssub.s32 s1, s2  }
0x69: {  	s24 =	simm.s32 $0x0;
	s25 =	simm.s32 $0x400;
	s1 =	sadd.s32 $0xF, s1  }
0x6a: {  	s20 =	sand.u32 $0xFFFFFFF0, s1;
	s21 =	sand.u32 $0xFFFFFF00, s1;
	s31 =	sshll.u32 s1, $0x3  }
0x6b: {  	p0 =	slt.s32 s1, $0x100;
	s23 =	sand.u32 $0xFFFFF800, s31;
	p1 =	sge.s32 s21, s20  }
.LBB1_11:
0x6c: {  	s24 =	sadd.s32 $0x1, s24  }
0x6d: {  	p2 =	sne.s32 s24, s19  }
.Ltmp5:
0x6e: {  	_ = 	snop;
	(pc) =	sbr.rel @!p2 .LBB1_12-.Ltmp5, $2  }
0x6f: {  	_ =	sdelay $0x2  }
0x70: {  	s25 =	sadd.s32 $0x80, s25  }
.LBB1_4:
.Ltmp6:
0x71: {  	(pc) =	sbr.rel @p0 .LBB1_8-.Ltmp6, $2  }
0x72: {  	_ =	sdelay $0x2  }
0x73: {  	s26 =	sshll.u32 s24, $0x7;
	s27 =	sand.u32 $0x7F, s24  }
0x74: {  	s0 =	sshll.u32 s24, $0x3  }
0x75: {  	s5 =	sand.u32 $0x380, s26;
	s2 =	sshrl.u32 s0, $0x7  }
0x76: {  	s3 =	sadd.s32 $0x800, s0;
	s6 =	sadd.s32 $0x1000, s0;
	s18 =	sadd.s32 s5, s22  }
0x77: {  	s16 =	sadd.s32 $0x1800, s0;
	s7 =	sadd.s32 $0x2800, s0;
	s14 =	sadd.s32 $0x3000, s0  }
0x78: {  	s0 =	sadd.s32 $0x3800, s0;
	s1 =	sand.u32 $0x78, s2;
	s3 =	sshrl.u32 s3, $0x7  }
0x79: {  	s15 =	sshrl.u32 s6, $0x7;
	s6 =	sshrl.u32 s16, $0x7;
	s8 =	sshrl.u32 s7, $0x7  }
0x7a: {  	s16 =	sshrl.u32 s0, $0x7;
	s4 =	smul.u32 $0x204, s1;
	s3 =	sand.u32 $0x78, s3  }
0x7b: {  	s7 =	sadd.s32 $0x20, s2;
	v0 =	vmov s18;
	s18 =	sand.u32 $0x3C00, s25;
	s3 =	smul.u32 $0x204, s3  }
0x7c: {  	s5 =	sand.u32 $0x78, s15;
	s1 =	sxor.u32 $0x40, s1;
	s15 =	sshrl.u32 s14, $0x7  }
0x7d: {  	s5 =	smul.u32 $0x204, s5;
	s4 =	sshrl.u32 s4, $0x2;
	s3 =	sshrl.u32 s3, $0x2  }
0x7e: {  	s1 =	smul.u32 $0x204, s1;
	s4 =	sadd.s32 s4, s17;
	s3 =	sadd.s32 s3, s17  }
0x7f: {  	s28 =	sadd.s32 s27, s4;
	s4 =	sand.u32 $0x78, s6;
	s6 =	sshrl.u32 s5, $0x2  }
0x80: {  	s29 =	sadd.s32 s27, s3;
	s3 =	smul.u32 $0x204, s4;
	s4 =	sadd.s32 s6, s17  }
0x81: {  	s14 =	sand.u32 $0x78, s7;
	s30 =	sadd.s32 s27, s4;
	s4 =	sand.u32 $0x78, s8  }
0x82: {  	s7 =	sadd.s32 $0x30, s2;
	s1 =	sshrl.u32 s1, $0x2;
	s4 =	smul.u32 $0x204, s4  }
0x83: {  	s9 =	sadd.s32 s1, s17;
	s5 =	sand.u32 $0x78, s16;
	s3 =	sshrl.u32 s3, $0x2  }
0x84: {  	s31 =	sadd.s32 s27, s9;
	s3 =	sadd.s32 s3, s17;
	s4 =	sshrl.u32 s4, $0x2  }
0x85: {  	s1 =	sadd.s32 s27, s3;
	s3 =	sand.u32 $0x78, s15;
	s4 =	sadd.s32 s4, s17  }
0x86: {  	s6 =	sadd.s32 $0x10, s2;
	s3 =	smul.u32 $0x204, s3;
	s0 =	sadd.s32 s27, s4  }
0x87: {  	s4 =	smul.u32 $0x204, s5;
	s5 =	sand.u32 $0x78, s6;
	s6 =	sand.u32 $0x78, s7  }
0x88: {  	s7 =	sadd.s32 $0x50, s2;
	s3 =	sshrl.u32 s3, $0x2;
	s5 =	smul.u32 $0x204, s5  }
0x89: {  	s6 =	smul.u32 $0x204, s6;
	s7 =	sand.u32 $0x78, s7;
	s3 =	sadd.s32 s3, s17  }
0x8a: {  	s9 =	sshrl.u32 s4, $0x2;
	s4 =	smul.u32 $0x204, s14;
	s14 =	sadd.s32 $0x60, s2  }
0x8b: {  	s7 =	smul.u32 $0x204, s7;
	s2 =	sadd.s32 $0x70, s2;
	s8 =	sadd.s32 s27, s3  }
0x8c: {  	s3 =	sadd.s32 s9, s17;
	s15 =	sshrl.u32 s5, $0x2;
	s14 =	sand.u32 $0x78, s14  }
0x8d: {  	s6 =	sshrl.u32 s6, $0x2;
	s2 =	sand.u32 $0x78, s2;
	s5 =	sadd.s32 s27, s3  }
0x8e: {  	v1 =	vld.idx.msk [tilespmem:v0+s18+$0x0 ss:$0x1], $0xffff;
	s16 =	sadd.s32 s15, s17;
	s4 =	sshrl.u32 s4, $0x2;
	s14 =	smul.u32 $0x204, s14  }
0x8f: {  	s2 =	smul.u32 $0x204, s2;
	s7 =	sshrl.u32 s7, $0x2;
	s4 =	sadd.s32 s4, s17  }
0x90: {  	s15 =	sadd.s32 s6, s17;
	s7 =	sadd.s32 s7, s17;
	s3 =	sadd.s32 s27, s4  }
0x91: {  	s4 =	sadd.s32 s27, s15;
	s14 =	sshrl.u32 s14, $0x2;
	s2 =	sshrl.u32 s2, $0x2  }
0x92: {  	s15 =	sadd.s32 $0xFFFFFC00, s25;
	s14 =	sadd.s32 s14, s17;
	s9 =	sadd.s32 s2, s17  }
0x93: {  	[tilespmem:s28+$0x0 ss:$0x81] =	vst.msk $0xffff, v1;
	v1 =	vld.idx.msk [tilespmem:v0+s18+$0x20 ss:$0x1], $0xffff;
	s2 =	sadd.s32 s27, s7;
	s7 =	sadd.s32 s27, s14;
	s14 =	sand.u32 $0x3C00, s15  }
0x94: {  	v2 =	vld.idx.msk [tilespmem:v0+s14+$0x70 ss:$0x1], $0xffff  }
0x95: {  	v3 =	vld.idx.msk [tilespmem:v0+s14+$0x0 ss:$0x1], $0xffff  }
0x96: {  	v4 =	vld.idx.msk [tilespmem:v0+s14+$0x10 ss:$0x1], $0xffff  }
0x97: {  	v5 =	vld.idx.msk [tilespmem:v0+s14+$0x20 ss:$0x1], $0xffff  }
0x98: {  	v6 =	vld.idx.msk [tilespmem:v0+s14+$0x30 ss:$0x1], $0xffff  }
0x99: {  	v7 =	vld.idx.msk [tilespmem:v0+s14+$0x40 ss:$0x1], $0xffff;
	[tilespmem:s5+$0x0 ss:$0x81] =	vst.msk $0xffff, v2  }
0x9a: {  	v8 =	vld.idx.msk [tilespmem:v0+s14+$0x50 ss:$0x1], $0xffff;
	[tilespmem:s28+$0x0 ss:$0x81] =	vst.msk $0xffff, v3  }
0x9b: {  	p2 =	sgt.s32 s21, $0x100;
	v9 =	vld.idx.msk [tilespmem:v0+s14+$0x60 ss:$0x1], $0xffff;
	[tilespmem:s29+$0x0 ss:$0x81] =	vst.msk $0xffff, v4  }
.Ltmp7:
0x9c: {  	v4 =	vld.idx.msk [tilespmem:v0+s18+$0x10 ss:$0x1], $0xffff;
	[tilespmem:s30+$0x0 ss:$0x81] =	vst.msk $0xffff, v5;
	(pc) =	sbr.rel @!p2 .LBB1_7-.Ltmp7, $4  }
0x9d: {  	[tilespmem:s1+$0x0 ss:$0x81] =	vst.msk $0xffff, v6;
	v2 =	vld.idx.msk [tilespmem:v0+s18+$0x30 ss:$0x1], $0xffff  }
0x9e: {  	[tilespmem:s31+$0x0 ss:$0x81] =	vst.msk $0xffff, v7;
	v3 =	vld.idx.msk [tilespmem:v0+s18+$0x40 ss:$0x1], $0xffff  }
0x9f: {  	s6 =	sadd.s32 s27, s16;
	[tilespmem:s0+$0x0 ss:$0x81] =	vst.msk $0xffff, v8;
	v5 =	vld.idx.msk [tilespmem:v0+s18+$0x50 ss:$0x1], $0xffff  }
0xa0: {  	s16 =	sadd.s32 s27, s9;
	s15 =	sadd.s32 $0x800, s25;
	s14 =	simm.s32 $0x100;
	[tilespmem:s8+$0x0 ss:$0x81] =	vst.msk $0xffff, v9;
	v6 =	vld.idx.msk [tilespmem:v0+s18+$0x60 ss:$0x1], $0xffff  }
.LBB1_6:
0xa1: {  	s9 =	sadd.s32 $0xFFFFFC00, s15;
	s14 =	sadd.s32 $0x100, s14;
	[tilespmem:s6+$0x0 ss:$0x81] =	vst.msk $0xffff, v4;
	v4 =	vld.idx.msk [tilespmem:v0+s18+$0x70 ss:$0x1], $0xffff;
	s18 =	sand.u32 $0x3C00, s15  }
0xa2: {  	s9 =	sand.u32 $0x3C00, s9;
	v7 =	vld.idx.msk [tilespmem:v0+s18+$0x0 ss:$0x1], $0xffff;
	p2 =	slt.s32 s14, s21;
	[tilespmem:s3+$0x0 ss:$0x81] =	vst.msk $0xffff, v1  }
0xa3: {  	v1 =	vld.idx.msk [tilespmem:v0+s9+$0x70 ss:$0x1], $0xffff;
	[tilespmem:s4+$0x0 ss:$0x81] =	vst.msk $0xffff, v2  }
0xa4: {  	v2 =	vld.idx.msk [tilespmem:v0+s9+$0x0 ss:$0x1], $0xffff;
	[tilespmem:s31+$0x0 ss:$0x81] =	vst.msk $0xffff, v3  }
0xa5: {  	v3 =	vld.idx.msk [tilespmem:v0+s9+$0x10 ss:$0x1], $0xffff;
	[tilespmem:s2+$0x0 ss:$0x81] =	vst.msk $0xffff, v5  }
0xa6: {  	v5 =	vld.idx.msk [tilespmem:v0+s9+$0x20 ss:$0x1], $0xffff;
	[tilespmem:s7+$0x0 ss:$0x81] =	vst.msk $0xffff, v6  }
0xa7: {  	v6 =	vld.idx.msk [tilespmem:v0+s9+$0x30 ss:$0x1], $0xffff;
	[tilespmem:s16+$0x0 ss:$0x81] =	vst.msk $0xffff, v4  }
0xa8: {  	v8 =	vld.idx.msk [tilespmem:v0+s9+$0x40 ss:$0x1], $0xffff;
	[tilespmem:s28+$0x0 ss:$0x81] =	vst.msk $0xffff, v7  }
0xa9: {  	v7 =	vld.idx.msk [tilespmem:v0+s9+$0x50 ss:$0x1], $0xffff;
	[tilespmem:s5+$0x0 ss:$0x81] =	vst.msk $0xffff, v1  }
0xaa: {  	[tilespmem:s28+$0x0 ss:$0x81] =	vst.msk $0xffff, v2;
	v9 =	vld.idx.msk [tilespmem:v0+s9+$0x60 ss:$0x1], $0xffff  }
0xab: {  	[tilespmem:s29+$0x0 ss:$0x81] =	vst.msk $0xffff, v3;
	v4 =	vld.idx.msk [tilespmem:v0+s18+$0x10 ss:$0x1], $0xffff  }
.Ltmp8:
0xac: {  	[tilespmem:s30+$0x0 ss:$0x81] =	vst.msk $0xffff, v5;
	v1 =	vld.idx.msk [tilespmem:v0+s18+$0x20 ss:$0x1], $0xffff;
	(pc) =	sbr.rel @p2 .LBB1_6-.Ltmp8, $4  }
0xad: {  	[tilespmem:s1+$0x0 ss:$0x81] =	vst.msk $0xffff, v6;
	v2 =	vld.idx.msk [tilespmem:v0+s18+$0x30 ss:$0x1], $0xffff  }
0xae: {  	[tilespmem:s31+$0x0 ss:$0x81] =	vst.msk $0xffff, v8;
	v3 =	vld.idx.msk [tilespmem:v0+s18+$0x40 ss:$0x1], $0xffff  }
0xaf: {  	[tilespmem:s0+$0x0 ss:$0x81] =	vst.msk $0xffff, v7;
	v5 =	vld.idx.msk [tilespmem:v0+s18+$0x50 ss:$0x1], $0xffff  }
0xb0: {  	s15 =	sadd.s32 $0x800, s15;
	[tilespmem:s8+$0x0 ss:$0x81] =	vst.msk $0xffff, v9;
	v6 =	vld.idx.msk [tilespmem:v0+s18+$0x60 ss:$0x1], $0xffff  }
.LBB1_7:
0xb1: {  	_ =	sdelay $0x2  }
0xb2: {  	[tilespmem:s6+$0x0 ss:$0x81] =	vst.msk $0xffff, v4  }
0xb3: {  	v0 =	vld.idx.msk [tilespmem:v0+s18+$0x70 ss:$0x1], $0xffff;
	[tilespmem:s3+$0x0 ss:$0x81] =	vst.msk $0xffff, v1  }
0xb4: {  	[tilespmem:s4+$0x0 ss:$0x81] =	vst.msk $0xffff, v2  }
0xb5: {  	[tilespmem:s31+$0x0 ss:$0x81] =	vst.msk $0xffff, v3  }
0xb6: {  	[tilespmem:s2+$0x0 ss:$0x81] =	vst.msk $0xffff, v5  }
0xb7: {  	[tilespmem:s7+$0x0 ss:$0x81] =	vst.msk $0xffff, v6  }
0xb8: {  	[tilespmem:s16+$0x0 ss:$0x81] =	vst.msk $0xffff, v0  }
.LBB1_8:
.Ltmp9:
0xb9: {  	(pc) =	sbr.rel @p1 .LBB1_11-.Ltmp9, $1  }
0xba: {  	_ =	sdelay $0x3  }
0xbb: {  	s1 =	sand.u32 $0x380, s26;
	s0 =	sshrl.u32 s24, $0x4;
	s2 =	sadd.s32 s27, s17  }
0xbc: {  	s3 =	smov.u32 s23;
	s4 =	smov.u32 s21;
	s1 =	sadd.s32 s1, s22  }
.LBB1_10:
0xbd: {  	s5 =	sand.u32 $0x3C00, s3  }
0xbe: {  	s5 =	sadd.s32 s26, s5  }
0xbf: {  	s5 =	sand.u32 $0x3C00, s5  }
0xc0: {  	s6 =	sand.u32 $0x70, s4;
	s30 =	sadd.s32 s4, s0;
	s5 =	sadd.s32 s5, s1  }
0xc1: {  	s4 =	sadd.s32 $0x10, s4;
	s31 =	sand.u32 $0x78, s30;
	s5 =	sadd.s32 s6, s5  }
0xc2: {  	p2 =	slt.s32 s4, s20;
	v0 =	vld [tilespmem:s5+$0x0];
	s5 =	smul.u32 $0x204, s31  }
.Ltmp10:
0xc3: {  	_ = 	snop;
	(pc) =	sbr.rel @p2 .LBB1_10-.Ltmp10, $4  }
0xc4: {  	_ = 	snop  }
0xc5: {  	s5 =	sshrl.u32 s5, $0x2  }
0xc6: {  	s5 =	sadd.s32 s5, s2  }
0xc7: {  	s3 =	sadd.s32 $0x80, s3;
	[tilespmem:s5+$0x0 ss:$0x81] =	vst.msk $0xffff, v0  }
.Ltmp11:
0xc8: {  	_ = 	snop;
	(pc) =	sbr.rel .LBB1_11-.Ltmp11, $1  }
0xc9: {  	_ =	sdelay $0x3  }
.LBB1_14:
0xca: {  	_ =	sfence.sel $0x180000  }
0xcb: {  	s0 =	simm.s32 $0x1;
	[bflag:$0x0] =	sbarrier.arrive $0xFFFF  }
0xcc: {  	s30 =	simm.s32 $0x2;
	[sflag:s0] =	ssyncpa.u1 $0x1  }
0xcd: {  	[sflag:s30] =	ssyncpa.u1 $0x1  }
0xce: {  	_ =	strace $0x9000004A  }
0xcf: {  	s31 =	stileid.u32;
	[bflag:$0x2] =	sbarrier.arrive $0xFFFF  }
0xd0: {  	p0 =	sne.s32 s31, $0x0;
	s0 =	rddreg [dreg:$0x1]  }
0xd1: {  	s0 =	sadd.s32 @!p0 $0x100000, s0  }
0xd2: {  	[sflag:s0] =	ssyncadd.tile.s32 @!p0 $0x1;
	_ =	shalt  }
.Lfunc_end1:
_tile_overlayer_lowered:
.L_overlay_start_2:
0xd3: {  	(tag) =	ssettag $0x2  }
0xd4: {  	s0 =	rddreg [dreg:$0x0];
	s2 =	stileid.u32  }
0xd5: {  	s1 =	rddreg [dreg:$0x1];
	p0 =	sne.s32 s2, $0x0  }
0xd6: {  	s3 =	rddreg [dreg:$0x2];
	[bflag:$0x3] =	sbarrier.arrive $0xFFFF;
	s2 =	simm.s32 @!p0 $0x1C01  }
0xd7: {  	[timem:s3], [sflag:s2] =	dma.local @!p0 [hbm:s0], s1  }
0xd8: {  	s0 =	simm.s32 @!p0 $0x1  }
0xd9: {  	_ =	swait.ge @!p0 [sflag:s0], s1  }
0xda: {  	s1 =	ssub.s32 @!p0 $0x0, s1;
	[sflag:s0] =	ssyncset.done @!p0 $0x0  }
0xdb: {  	[sflag:s0] =	ssyncadd.s32 @!p0 s1  }
0xdc: {  	[bflag:$0x3] =	sbarrier.arrive $0xFFFF  }
0xdd: {  	_ =	shalt  }

// kernel: sparse-core-data-format-call.cloned.1.call-start
scs
called_computation.2_lowered:
.L_overlay_start_0:
0x0: {  	s1 =	sld [smem:$0x3FD9]  }
0x1: {  	s2 =	sld [smem:$0x3FFE];
	_ =	sdelay $0x1  }
0x2: {  	s3 =	srdreg.scid  }
0x3: {  	s0 =	sand.u32 $0x1, s3  }
0x4: {  	s17 =	sshll.u32 s0, $0xA;
	s1 =	sadd.s32 s2, s1  }
0x5: {  	s1 =	sadd.s32 s1, s17  }
0x6: {  	[smem:$0x3FAD] =	sst s1  }
0x7: {  	_ = 	snop  }
0x8: {  	(tm) =	ssettm $0x1  }
0x9: {  	s18 =	sld [smem:$0x3FFB];
	_ =	sdelay $0x3  }
0xa: {  	_ =	strace s18  }
0xb: {  	s1 =	sld [smem:$0x3FFC];
	_ =	sdelay $0x3  }
0xc: {  	_ =	strace s1  }
0xd: {  	s1 =	sld [smem:$0x3FFD];
	_ =	sdelay $0x3  }
0xe: {  	_ =	strace s1  }
0xf: {  	_ =	strace $0x8FFFFFFF  }
0x10: {  	s19 =	sld [smem:$0x3FDB];
	_ =	sdelay $0x1  }
0x11: {  	s20 =	simm.s32 $_scs_section_size  }
0x12: {  	s4 =	simm.s32 $_size__tile_overlayer_lowered;
	s5 =	simm.s32 $_tile_overlayer_lowered  }
0x13: {  	s23 =	simm.s32 $0x1BFF;
	s22 =	sshll.u32 s5, $0x1;
	s1 =	sadd.s32 s20, s19  }
0x14: {  	s6 =	simm.s32 $0x0;
	s21 =	sshll.u32 s4, $0x1;
	s4 =	sadd.s32 s22, s1  }
0x15: {  	[timem:s6], [sflag:s23] =	dma.local [hbm:s4], s21  }
0x16: {  	_ =	swait.ge [sflag:s23], s21  }
0x17: {  	s2 =	ssub.s32 $0x0, s21;
	[sflag:s23] =	ssyncset.done $0x0  }
0x18: {  	[sflag:s23] =	ssyncadd.s32 s2;
	_ =	sdelay $0x1  }
0x19: {  	s24 =	simm.s32 $0x1B8B  }
0x1a: {  	_ =	swait.ge [sflag:s24], $0x1  }
0x1b: {  	[sflag:s24] =	ssyncset.done $0x0  }
0x1c: {  	s26 =	simm.s32 $0x1B8E;
	s25 =	sld [smem:$0x3FFE];
	[sflag:s24] =	ssyncadd.s32 $0xFFFFFFFF  }
0x1d: {  	s27 =	simm.s32 $execute0_lowered;
	[smem:$0x3FD2] =	sst s26  }
0x1e: {  	s4 =	sshll.u32 s27, $0x1;
	_ =	strace $0x80000052;
	[dreg:$0x1] =	wrdreg $0xFFFFFFFF  }
0x1f: {  	s28 =	simm.s32 $_size_execute0_lowered;
	s1 =	sadd.s32 s1, s4;
	[dreg:$0x0] =	wrdreg $0x0  }
0x20: {  	s4 =	sshll.u32 s28, $0x1;
	[dreg:$0x2] =	wrdreg s1  }
0x21: {  	[dreg:$0x3] =	wrdreg s4  }
0x22: {  	[dreg:$0x4] =	wrdreg $0xC0  }
0x23: {  	_ =	task [dreg:s6], $0x5FFFF  }
0x24: {  	[dreg:$0x1] =	wrdreg $0xFFFFFFFF  }
0x25: {  	[dreg:$0x0] =	wrdreg $0x60  }
0x26: {  	[dreg:$0x2] =	wrdreg s25  }
0x27: {  	[dreg:$0x3] =	wrdreg $0x9  }
0x28: {  	_ =	task.clear_ibuf [dreg:s6], $0x4FFFF;
	_ =	strace $0x90000052  }
0x29: {  	s29 =	simm.s32 $0x9;
	_ =	strace $0x80000054  }
0x2a: {  	_ =	swait.ge [sflag:s29], $0x1  }
0x2b: {  	[sflag:s29] =	ssyncadd.s32 $0xFFFFFFFF  }
0x2c: {  	_ =	strace $0x90000054  }
0x2d: {  	_ =	sfence  }
0x2e: {  	s30 =	sld [smem:$0x0];
	_ =	sdelay $0x2  }
0x2f: {  	s31 =	sshll.u32 s3, $0xD;
	s3 =	sshrl.u32 s3, $0x2  }
0x30: {  	s2 =	sand.u32 $0x4000, s31;
	s1 =	sadd.s32 s3, s30  }
0x31: {  	s0 =	sor.u32 s2, s0;
	s1 =	sshll.u32 s1, $0x11  }
0x32: {  	s0 =	sor.u32 s1, s0  }
0x33: {  	s0 =	sadd.s32 $0x8F2B, s0  }
0x34: {  	[sflag:s0] =	ssyncadd.remote.s32 $0x1  }
0x35: {  	_ =	sfence.sel $0xFFFF  }
0x36: {  	[dreg:$0x0] =	wrdreg $0xFFFFFFFF;
	(pc) =	sbr.abs _section_cstart, $3  }
0x37: {  	[dreg:$0x1] =	wrdreg $0xFFFFFFFF  }
0x38: {  	_ =	task.clear_ibuf [dreg:s6], $0x2FFFF;
	_ =	strace $0x9FFFFFFF  }
0x39: {  	(tm) =	ssettm $0x7FFFFFFF  }
tec
execute0_lowered:
.L_overlay_start_1:
0x0: {  	(tag) =	ssettag $0x1  }
0x1: {  	s0 =	srdreg.scid  }
0x2: {  	s0 =	sshll.u32 s0, $0x4  }
0x3: {  	s1 =	stileid.u32;
	s0 =	sand.u32 $0x10, s0  }
0x4: {  	s0 =	sor.u32 s1, s0  }
0x5: {  	s29 =	rddreg [dreg:$0x0];
	s12 =	sshll.u32 s0, $0x7  }
0x6: {  	_ =	strace $0x80000053;
	s2 =	simm.s32 $0x1;
	s0 =	ssub.s32 $0xC300, s12  }
0x7: {  	s30 =	simm.s32 $0x2;
	s14 =	simm.s32 $0x0;
	s0 =	sshrl.u32 s0, $0xC  }
0x8: {  	s9 =	simm.s32 $0x0;
	s3 =	sadd.s32 $0xB6400, s29;
	s0 =	smul.u32 $0x7, s0  }
.Ltmp0:
0x9: {  	[dreg:$0x3] =	wrdreg s3;
	s1 =	sadd.s32 $0x60D800, s29;
	(pc) =	sbr.rel .LBB1_1-.Ltmp0, $4  }
0xa: {  	s8 =	simm.s32 $0x0;
	s11 =	simm.s32 $0x0;
	[dreg:$0x4] =	wrdreg s1  }
0xb: {  	s10 =	simm.s32 $0x0;
	[dreg:$0x2] =	wrdreg s12;
	s31 =	sadd.s32 $0x7, s0  }
0xc: {  	[sflag:s2] =	ssyncpa.u1 $0x0;
	s7 =	sadd.s32 $0x8, s0;
	[dreg:$0x5] =	wrdreg s31  }
0xd: {  	s13 =	simm.s32 $0x0;
	[sflag:s30] =	ssyncpa.u1 $0x0;
	[dreg:$0x6] =	wrdreg s7  }
.LBB1_12:
0xe: {  	s8 =	rddreg [dreg:$0x7]  }
0xf: {  	s1 =	sshll.u32 s11, $0x3;
	s25 =	sand.u32 $0x7F, s11;
	s5 =	rddreg [dreg:$0xb]  }
0x10: {  	p1 =	sgt.s32 s11, $0xC300;
	s26 =	rddreg [dreg:$0xa];
	s0 =	sshrl.u32 s8, $0x3  }
0x11: {  	s4 =	smov.u32 s11;
	s30 =	rddreg [dreg:$0x4];
	s0 =	smul.u32 $0x61C00, s0  }
0x12: {  	s31 =	simm.s32 $0x61C00;
	s1 =	sand.u32 $0xFFFFFC00, s1;
	s2 =	sshll.u32 s8, $0x7  }
0x13: {  	s9 =	rddreg [dreg:$0x8];
	s24 =	sand.u32 $0x380, s2;
	s0 =	sadd.s32 s1, s0  }
0x14: {  	p0 =	sgt.s32 s8, $0x2A0;
	s3 =	smov.u32 s8;
	s0 =	sor.u32 s24, s0  }
0x15: {  	s4 =	simm.s32 @!p1 $0xC300;
	s1 =	sor.u32 s25, s0;
	s0 =	smulhi.u32 $0xA79C7B17, s0  }
0x16: {  	s3 =	simm.s32 @!p0 $0x2A0;
	s4 =	sadd.s32 s26, s4;
	s2 =	smulhi.u32 $0xA79C7B17, s1  }
0x17: {  	s3 =	sadd.s32 s5, s3;
	s7 =	sadd.s32 $0xFFFF3D00, s4;
	s0 =	sshrl.u32 s0, $0xF  }
0x18: {  	s4 =	ssub.s32 $0xC380, s4;
	s2 =	sshrl.u32 s2, $0xF;
	s27 =	smulhi.u32 $0x51EB86, s0  }
0x19: {  	s6 =	sadd.s32 $0xFFFFFD60, s3;
	p1 =	sgt.s32 s7, $0x7F;
	s2 =	smul.u32 $0xC380, s2  }
0x1a: {  	s3 =	ssub.s32 $0x320, s3;
	p0 =	sgt.s32 s6, $0x7F;
	s5 =	smul.u32 $0x320, s27  }
0x1b: {  	s14 =	rddreg [dreg:$0x9];
	s4 =	simm.s32 @p1 $0x0;
	s3 =	simm.s32 @p0 $0x0  }
0x1c: {  	s28 =	smul.u32 s4, s3;
	s1 =	ssub.s32 s1, s2;
	s0 =	ssub.s32 s0, s5  }
0x1d: {  	s29 =	sshrl.u32 s1, $0x3;
	s1 =	sand.u32 $0x7, s1;
	s0 =	smul.u32 $0x1870, s0  }
0x1e: {  	s7 =	rddreg [dreg:$0x6];
	s3 =	sadd.s32 s30, s29;
	s1 =	sshll.u32 s1, $0x12  }
0x1f: {  	s2 =	sand.u32 $0x3FFFFFFF, s28;
	s1 =	sor.u32 $0x400, s1;
	s0 =	sadd.s32 s0, s3  }
0x20: {  	[hbm4b:s0+s1] =	stream.strided.scatter [tilespmem:s18], [sflag:$0x2], s2, s31, s1, $0x20;
	[tilespmem:$0x10100] =	vst v63  }
.LBB1_13:
0x21: {  	p0 =	slt.u32 s13, $0x2  }
0x22: {  	s1 =	smov.u32 s14;
	s2 =	smov.u32 s9;
	p1 =	sgt.s32 @!p0 s14, $0x2A0  }
0x23: {  	s0 =	sshra.s32 @!p0 s14, $0x1F;
	p2 =	sgt.s32 @!p0 s9, $0xC300;
	s3 =	sshra.s32 @!p0 s9, $0x1F  }
0x24: {  	p1 =	por !p1, p0;
	s0 =	sand.u32 @!p0 s0, s14;
	p2 =	por !p2, p0  }
0x25: {  	s3 =	sand.u32 @!p0 s3, s9;
	s1 =	simm.s32 @p1 $0x2A0;
	s2 =	simm.s32 @p2 $0xC300  }
0x26: {  	s0 =	ssub.s32 @!p0 s1, s0;
	s1 =	ssub.s32 @!p0 s2, s3  }
0x27: {  	s2 =	sadd.s32 @!p0 $0xFFFFFD60, s0;
	s3 =	sadd.s32 @!p0 $0xFFFF3D00, s1  }
0x28: {  	s0 =	ssub.s32 @!p0 $0x320, s0;
	p1 =	sgt.s32 @!p0 s2, $0x7F;
	p2 =	sgt.s32 @!p0 s3, $0x7F  }
0x29: {  	s1 =	ssub.s32 @!p0 $0xC380, s1;
	p1 =	por !p1, p0;
	p2 =	por !p2, p0  }
0x2a: {  	s0 =	simm.s32 @!p1 $0x0;
	s1 =	simm.s32 @!p2 $0x0  }
0x2b: {  	s0 =	smul.u32 @!p0 s1, s0  }
0x2c: {  	s4 =	smov.u32 s12;
	s2 =	simm.s32 @!p0 $0x2;
	s1 =	sadd.s32 $0x80, s10  }
0x2d: {  	s3 =	sadd.s32 $0x1000, s12;
	p1 =	sgt.s32 s1, $0x31F;
	s0 =	sand.u32 @!p0 $0x3FFFFFFF, s0  }
0x2e: {  	s4 =	smov.u32 @p1 s3;
	_ =	swait.ge @!p0 [sflag:s2], s0  }
0x2f: {  	s1 =	simm.s32 @p1 $0x0;
	p1 =	sgt.s32 s4, $0xC34F;
	s3 =	rddreg [dreg:$0x2]  }
0x30: {  	s4 =	smov.u32 @p1 s3;
	p1 =	sne.s32 s13, s7  }
.Ltmp1:
0x31: {  	_ = 	snop;
	(pc) =	sbr.rel @!p1 .LBB1_14-.Ltmp1, $4  }
0x32: {  	s14 =	smov.u32 s8  }
0x33: {  	s9 =	smov.u32 s11;
	s8 =	smov.u32 s10;
	s11 =	smov.u32 s12  }
0x34: {  	s0 =	ssub.s32 @!p0 $0x0, s0;
	s10 =	smov.u32 s1;
	[sflag:s2] =	ssyncset.done @!p0 $0x0  }
0x35: {  	s13 =	sadd.s32 $0x1, s13;
	[sflag:s2] =	ssyncadd.s32 @!p0 s0;
	s12 =	smov.u32 s4  }
.LBB1_1:
0x36: {  	s0 =	rddreg [dreg:$0x5]  }
0x37: {  	p0 =	sge.u32 s13, s0  }
0x38: {  	s0 =	sshrl.u32 @!p0 s12, $0x3  }
0x39: {  	s1 =	sshll.u32 @!p0 s10, $0x3;
	s0 =	smul.u32 @!p0 $0x1C00, s0  }
0x3a: {  	s2 =	sshll.u32 @!p0 s12, $0x7;
	s1 =	sand.u32 @!p0 $0xFFFFFC00, s1  }
0x3b: {  	s5 =	smov.u32 s10;
	s0 =	sadd.s32 @!p0 s0, s1;
	s1 =	sand.u32 @!p0 $0x380, s2  }
0x3c: {  	p1 =	sgt.s32 @!p0 s12, $0xC2D0;
	s4 =	sshra.s32 @!p0 s12, $0x1F;
	s0 =	sor.u32 @!p0 s1, s0  }
0x3d: {  	p1 =	por !p1, p0;
	s2 =	sand.u32 @!p0 $0x7F, s10;
	s1 =	sshrl.u32 @!p0 s0, $0x7  }
0x3e: {  	s0 =	sor.u32 @!p0 s2, s0;
	s2 =	smov.u32 s12;
	s1 =	smulhi.u32 @!p0 $0x24924925, s1  }
0x3f: {  	s6 =	sshra.s32 @!p0 s10, $0x1F;
	s2 =	simm.s32 @p1 $0xC2D0;
	p1 =	sgt.s32 @!p0 s10, $0x300  }
0x40: {  	s4 =	sand.u32 @!p0 s4, s12;
	p1 =	por !p1, p0;
	s3 =	smul.u32 @!p0 $0x380, s1  }
0x41: {  	s6 =	sand.u32 @!p0 s6, s10;
	s2 =	ssub.s32 @!p0 s2, s4;
	s5 =	simm.s32 @p1 $0x300  }
0x42: {  	s4 =	smulhi.u32 @!p0 $0xA7C5AD, s1;
	s5 =	ssub.s32 @!p0 s5, s6;
	s0 =	ssub.s32 @!p0 s0, s3  }
0x43: {  	s3 =	sadd.s32 @!p0 $0xFFFF3D30, s2;
	s6 =	sadd.s32 @!p0 $0xFFFFFD00, s5;
	s2 =	ssub.s32 @!p0 $0xC350, s2  }
0x44: {  	s5 =	ssub.s32 @!p0 $0x380, s5;
	p1 =	sgt.s32 @!p0 s3, $0x7F;
	s3 =	sshrl.u32 @!p0 s4, $0x7  }
0x45: {  	p2 =	sgt.s32 @!p0 s6, $0x7F;
	s4 =	sxor.u32 @!p0 $0xFFFFFFFF, s13;
	s3 =	smul.u32 @!p0 $0xC350, s3  }
0x46: {  	p1 =	por !p1, p0;
	p2 =	por !p2, p0;
	s4 =	sshll.u32 @!p0 s4, $0xE  }
0x47: {  	s2 =	simm.s32 @!p1 $0x0;
	s5 =	simm.s32 @!p2 $0x0;
	s4 =	sand.u32 @!p0 $0x4000, s4  }
0x48: {  	s1 =	ssub.s32 @!p0 s1, s3;
	s2 =	smul.u32 @!p0 s2, s5;
	s3 =	sshrl.u32 @!p0 s0, $0x3  }
0x49: {  	s0 =	sand.u32 @!p0 $0x7, s0;
	s5 =	rddreg [dreg:$0x3];
	s1 =	smul.u32 @!p0 $0x70, s1  }
0x4a: {  	s3 =	sadd.s32 @!p0 s5, s3;
	s0 =	sshll.u32 @!p0 s0, $0x12;
	s2 =	sand.u32 @!p0 $0x3FFFFFFF, s2  }
0x4b: {  	s0 =	sor.u32 @!p0 $0x400, s0;
	s1 =	sadd.s32 @!p0 s1, s3;
	s3 =	simm.s32 @!p0 $0x1C00  }
0x4c: {  	[tilespmem:s4], [sflag:$0x1] =	stream.strided.gather @!p0 [hbm4b:s1+s0], s2, s3, s0, $0x38;
	[tilespmem:$0x10100] =	vst v63  }
0x4d: {  	p0 =	seq.s32 s13, $0x0  }
0x4e: {  	p1 =	sge.u32 @!p0 s13, s7  }
0x4f: {  	p0 =	por p0, p1  }
.Ltmp2:
0x50: {  	_ = 	snop;
	(pc) =	sbr.rel @p0 .LBB1_13-.Ltmp2, $1  }
0x51: {  	_ =	sdelay $0x3  }
0x52: {  	s0 =	ssub.s32 $0x0, s11;
	s1 =	sshra.s32 s11, $0x1F;
	p0 =	sgt.s32 s11, $0xC2D0  }
0x53: {  	s2 =	smov.u32 s11;
	s25 =	ssub.s32 $0x0, s8;
	s26 =	sshra.s32 s8, $0x1F  }
0x54: {  	s3 =	smov.u32 s8;
	s2 =	simm.s32 @!p0 $0xC2D0;
	p0 =	sgt.s32 s8, $0x300  }
0x55: {  	s4 =	sand.u32 s0, s1;
	s1 =	sand.u32 s25, s26;
	s3 =	simm.s32 @!p0 $0x300  }
0x56: {  	s2 =	sadd.s32 s4, s2;
	[dreg:$0xb] =	wrdreg s1;
	s1 =	sadd.s32 s1, s3  }
0x57: {  	s27 =	sadd.s32 $0xFFFF3D30, s2;
	s2 =	ssub.s32 $0xC350, s2;
	s28 =	sadd.s32 $0xFFFFFD00, s1  }
0x58: {  	p0 =	sgt.s32 s27, $0x7F;
	s0 =	ssub.s32 $0x380, s1;
	p1 =	sgt.s32 s28, $0x7F  }
0x59: {  	s2 =	simm.s32 @p0 $0x0;
	s0 =	simm.s32 @p1 $0x0  }
0x5a: {  	s29 =	smul.u32 s2, s0;
	s2 =	sadd.s32 $0x80, s11  }
0x5b: {  	p0 =	slt.s32 s2, $0xC350  }
0x5c: {  	s2 =	simm.s32 @!p0 $0xC350  }
0x5d: {  	[dreg:$0x9] =	wrdreg s14;
	s19 =	ssub.s32 s2, s11  }
0x5e: {  	[dreg:$0x8] =	wrdreg s9;
	p0 =	slt.s32 s19, $0x1  }
.Ltmp3:
0x5f: {  	[dreg:$0x7] =	wrdreg s8;
	s30 =	simm.s32 $0x1;
	(pc) =	sbr.rel @p0 .LBB1_12-.Ltmp3, $4  }
0x60: {  	[dreg:$0xa] =	wrdreg s4;
	s0 =	sand.u32 $0x1, s13;
	s1 =	sand.u32 $0x3FFFFFFF, s29  }
0x61: {  	s31 =	smul.u32 $0x4080, s0;
	_ =	swait.ge [sflag:s30], s1  }
0x62: {  	s1 =	ssub.s32 $0x0, s1;
	[sflag:s30] =	ssyncset.done $0x0  }
0x63: {  	s18 =	sor.u32 $0x8000, s31;
	[sflag:s30] =	ssyncadd.s32 s1  }
0x64: {  	s2 =	rddreg [dreg:$0x7]  }
0x65: {  	s1 =	sadd.s32 $0x80, s2  }
0x66: {  	p0 =	slt.s32 s1, $0x320  }
.Ltmp4:
0x67: {  	s1 =	simm.s32 @!p0 $0x320;
	(pc) =	sbr.rel .LBB1_4-.Ltmp4, $4  }
0x68: {  	s22 =	sshll.u32 s0, $0xE;
	s1 =	ssub.s32 s1, s2  }
0x69: {  	s24 =	simm.s32 $0x0;
	s25 =	simm.s32 $0x400;
	s1 =	sadd.s32 $0xF, s1  }
0x6a: {  	s20 =	sand.u32 $0xFFFFFFF0, s1;
	s21 =	sand.u32 $0xFFFFFF00, s1;
	s31 =	sshll.u32 s1, $0x3  }
0x6b: {  	p0 =	slt.s32 s1, $0x100;
	s23 =	sand.u32 $0xFFFFF800, s31;
	p1 =	sge.s32 s21, s20  }
.LBB1_11:
0x6c: {  	s24 =	sadd.s32 $0x1, s24  }
0x6d: {  	p2 =	sne.s32 s24, s19  }
.Ltmp5:
0x6e: {  	_ = 	snop;
	(pc) =	sbr.rel @!p2 .LBB1_12-.Ltmp5, $2  }
0x6f: {  	_ =	sdelay $0x2  }
0x70: {  	s25 =	sadd.s32 $0x80, s25  }
.LBB1_4:
.Ltmp6:
0x71: {  	(pc) =	sbr.rel @p0 .LBB1_8-.Ltmp6, $2  }
0x72: {  	_ =	sdelay $0x2  }
0x73: {  	s26 =	sshll.u32 s24, $0x7;
	s27 =	sand.u32 $0x7F, s24  }
0x74: {  	s0 =	sshll.u32 s24, $0x3  }
0x75: {  	s5 =	sand.u32 $0x380, s26;
	s2 =	sshrl.u32 s0, $0x7  }
0x76: {  	s3 =	sadd.s32 $0x800, s0;
	s6 =	sadd.s32 $0x1000, s0;
	s17 =	sadd.s32 s5, s22  }
0x77: {  	s16 =	sadd.s32 $0x1800, s0;
	s7 =	sadd.s32 $0x2800, s0;
	s14 =	sadd.s32 $0x3000, s0  }
0x78: {  	s0 =	sadd.s32 $0x3800, s0;
	s1 =	sand.u32 $0x78, s2;
	s3 =	sshrl.u32 s3, $0x7  }
0x79: {  	s15 =	sshrl.u32 s6, $0x7;
	s6 =	sshrl.u32 s16, $0x7;
	s8 =	sshrl.u32 s7, $0x7  }
0x7a: {  	s16 =	sshrl.u32 s0, $0x7;
	s4 =	smul.u32 $0x204, s1;
	s3 =	sand.u32 $0x78, s3  }
0x7b: {  	s7 =	sadd.s32 $0x20, s2;
	v0 =	vmov s17;
	s17 =	sand.u32 $0x3C00, s25;
	s3 =	smul.u32 $0x204, s3  }
0x7c: {  	s5 =	sand.u32 $0x78, s15;
	s1 =	sxor.u32 $0x40, s1;
	s15 =	sshrl.u32 s14, $0x7  }
0x7d: {  	s5 =	smul.u32 $0x204, s5;
	s4 =	sshrl.u32 s4, $0x2;
	s3 =	sshrl.u32 s3, $0x2  }
0x7e: {  	s1 =	smul.u32 $0x204, s1;
	s4 =	sadd.s32 s4, s18;
	s3 =	sadd.s32 s3, s18  }
0x7f: {  	s28 =	sadd.s32 s27, s4;
	s4 =	sand.u32 $0x78, s6;
	s6 =	sshrl.u32 s5, $0x2  }
0x80: {  	s29 =	sadd.s32 s27, s3;
	s3 =	smul.u32 $0x204, s4;
	s4 =	sadd.s32 s6, s18  }
0x81: {  	s14 =	sand.u32 $0x78, s7;
	s30 =	sadd.s32 s27, s4;
	s4 =	sand.u32 $0x78, s8  }
0x82: {  	s7 =	sadd.s32 $0x30, s2;
	s1 =	sshrl.u32 s1, $0x2;
	s4 =	smul.u32 $0x204, s4  }
0x83: {  	s9 =	sadd.s32 s1, s18;
	s5 =	sand.u32 $0x78, s16;
	s3 =	sshrl.u32 s3, $0x2  }
0x84: {  	s31 =	sadd.s32 s27, s9;
	s3 =	sadd.s32 s3, s18;
	s4 =	sshrl.u32 s4, $0x2  }
0x85: {  	s1 =	sadd.s32 s27, s3;
	s3 =	sand.u32 $0x78, s15;
	s4 =	sadd.s32 s4, s18  }
0x86: {  	s6 =	sadd.s32 $0x10, s2;
	s3 =	smul.u32 $0x204, s3;
	s0 =	sadd.s32 s27, s4  }
0x87: {  	s4 =	smul.u32 $0x204, s5;
	s5 =	sand.u32 $0x78, s6;
	s6 =	sand.u32 $0x78, s7  }
0x88: {  	s7 =	sadd.s32 $0x50, s2;
	s3 =	sshrl.u32 s3, $0x2;
	s5 =	smul.u32 $0x204, s5  }
0x89: {  	s6 =	smul.u32 $0x204, s6;
	s7 =	sand.u32 $0x78, s7;
	s3 =	sadd.s32 s3, s18  }
0x8a: {  	s9 =	sshrl.u32 s4, $0x2;
	s4 =	smul.u32 $0x204, s14;
	s14 =	sadd.s32 $0x60, s2  }
0x8b: {  	s7 =	smul.u32 $0x204, s7;
	s2 =	sadd.s32 $0x70, s2;
	s8 =	sadd.s32 s27, s3  }
0x8c: {  	s3 =	sadd.s32 s9, s18;
	s15 =	sshrl.u32 s5, $0x2;
	s14 =	sand.u32 $0x78, s14  }
0x8d: {  	s6 =	sshrl.u32 s6, $0x2;
	s2 =	sand.u32 $0x78, s2;
	s5 =	sadd.s32 s27, s3  }
0x8e: {  	v1 =	vld.idx.msk [tilespmem:v0+s17+$0x0 ss:$0x1], $0xffff;
	s16 =	sadd.s32 s15, s18;
	s4 =	sshrl.u32 s4, $0x2;
	s14 =	smul.u32 $0x204, s14  }
0x8f: {  	s2 =	smul.u32 $0x204, s2;
	s7 =	sshrl.u32 s7, $0x2;
	s4 =	sadd.s32 s4, s18  }
0x90: {  	s15 =	sadd.s32 s6, s18;
	s7 =	sadd.s32 s7, s18;
	s3 =	sadd.s32 s27, s4  }
0x91: {  	s4 =	sadd.s32 s27, s15;
	s14 =	sshrl.u32 s14, $0x2;
	s2 =	sshrl.u32 s2, $0x2  }
0x92: {  	s15 =	sadd.s32 $0xFFFFFC00, s25;
	s14 =	sadd.s32 s14, s18;
	s9 =	sadd.s32 s2, s18  }
0x93: {  	[tilespmem:s28+$0x0 ss:$0x81] =	vst.msk $0xffff, v1;
	v1 =	vld.idx.msk [tilespmem:v0+s17+$0x20 ss:$0x1], $0xffff;
	s2 =	sadd.s32 s27, s7;
	s7 =	sadd.s32 s27, s14;
	s14 =	sand.u32 $0x3C00, s15  }
0x94: {  	v2 =	vld.idx.msk [tilespmem:v0+s14+$0x70 ss:$0x1], $0xffff  }
0x95: {  	v3 =	vld.idx.msk [tilespmem:v0+s14+$0x0 ss:$0x1], $0xffff  }
0x96: {  	v4 =	vld.idx.msk [tilespmem:v0+s14+$0x10 ss:$0x1], $0xffff  }
0x97: {  	v5 =	vld.idx.msk [tilespmem:v0+s14+$0x20 ss:$0x1], $0xffff  }
0x98: {  	v6 =	vld.idx.msk [tilespmem:v0+s14+$0x30 ss:$0x1], $0xffff  }
0x99: {  	v7 =	vld.idx.msk [tilespmem:v0+s14+$0x40 ss:$0x1], $0xffff;
	[tilespmem:s5+$0x0 ss:$0x81] =	vst.msk $0xffff, v2  }
0x9a: {  	v8 =	vld.idx.msk [tilespmem:v0+s14+$0x50 ss:$0x1], $0xffff;
	[tilespmem:s28+$0x0 ss:$0x81] =	vst.msk $0xffff, v3  }
0x9b: {  	p2 =	sgt.s32 s21, $0x100;
	v9 =	vld.idx.msk [tilespmem:v0+s14+$0x60 ss:$0x1], $0xffff;
	[tilespmem:s29+$0x0 ss:$0x81] =	vst.msk $0xffff, v4  }
.Ltmp7:
0x9c: {  	v4 =	vld.idx.msk [tilespmem:v0+s17+$0x10 ss:$0x1], $0xffff;
	[tilespmem:s30+$0x0 ss:$0x81] =	vst.msk $0xffff, v5;
	(pc) =	sbr.rel @!p2 .LBB1_7-.Ltmp7, $4  }
0x9d: {  	[tilespmem:s1+$0x0 ss:$0x81] =	vst.msk $0xffff, v6;
	v2 =	vld.idx.msk [tilespmem:v0+s17+$0x30 ss:$0x1], $0xffff  }
0x9e: {  	[tilespmem:s31+$0x0 ss:$0x81] =	vst.msk $0xffff, v7;
	v3 =	vld.idx.msk [tilespmem:v0+s17+$0x40 ss:$0x1], $0xffff  }
0x9f: {  	s6 =	sadd.s32 s27, s16;
	[tilespmem:s0+$0x0 ss:$0x81] =	vst.msk $0xffff, v8;
	v5 =	vld.idx.msk [tilespmem:v0+s17+$0x50 ss:$0x1], $0xffff  }
0xa0: {  	s16 =	sadd.s32 s27, s9;
	s15 =	sadd.s32 $0x800, s25;
	s14 =	simm.s32 $0x100;
	[tilespmem:s8+$0x0 ss:$0x81] =	vst.msk $0xffff, v9;
	v6 =	vld.idx.msk [tilespmem:v0+s17+$0x60 ss:$0x1], $0xffff  }
.LBB1_6:
0xa1: {  	s9 =	sadd.s32 $0xFFFFFC00, s15;
	s14 =	sadd.s32 $0x100, s14;
	[tilespmem:s6+$0x0 ss:$0x81] =	vst.msk $0xffff, v4;
	v4 =	vld.idx.msk [tilespmem:v0+s17+$0x70 ss:$0x1], $0xffff;
	s17 =	sand.u32 $0x3C00, s15  }
0xa2: {  	s9 =	sand.u32 $0x3C00, s9;
	v7 =	vld.idx.msk [tilespmem:v0+s17+$0x0 ss:$0x1], $0xffff;
	p2 =	slt.s32 s14, s21;
	[tilespmem:s3+$0x0 ss:$0x81] =	vst.msk $0xffff, v1  }
0xa3: {  	v1 =	vld.idx.msk [tilespmem:v0+s9+$0x70 ss:$0x1], $0xffff;
	[tilespmem:s4+$0x0 ss:$0x81] =	vst.msk $0xffff, v2  }
0xa4: {  	v2 =	vld.idx.msk [tilespmem:v0+s9+$0x0 ss:$0x1], $0xffff;
	[tilespmem:s31+$0x0 ss:$0x81] =	vst.msk $0xffff, v3  }
0xa5: {  	v3 =	vld.idx.msk [tilespmem:v0+s9+$0x10 ss:$0x1], $0xffff;
	[tilespmem:s2+$0x0 ss:$0x81] =	vst.msk $0xffff, v5  }
0xa6: {  	v5 =	vld.idx.msk [tilespmem:v0+s9+$0x20 ss:$0x1], $0xffff;
	[tilespmem:s7+$0x0 ss:$0x81] =	vst.msk $0xffff, v6  }
0xa7: {  	v6 =	vld.idx.msk [tilespmem:v0+s9+$0x30 ss:$0x1], $0xffff;
	[tilespmem:s16+$0x0 ss:$0x81] =	vst.msk $0xffff, v4  }
0xa8: {  	v8 =	vld.idx.msk [tilespmem:v0+s9+$0x40 ss:$0x1], $0xffff;
	[tilespmem:s28+$0x0 ss:$0x81] =	vst.msk $0xffff, v7  }
0xa9: {  	v7 =	vld.idx.msk [tilespmem:v0+s9+$0x50 ss:$0x1], $0xffff;
	[tilespmem:s5+$0x0 ss:$0x81] =	vst.msk $0xffff, v1  }
0xaa: {  	[tilespmem:s28+$0x0 ss:$0x81] =	vst.msk $0xffff, v2;
	v9 =	vld.idx.msk [tilespmem:v0+s9+$0x60 ss:$0x1], $0xffff  }
0xab: {  	[tilespmem:s29+$0x0 ss:$0x81] =	vst.msk $0xffff, v3;
	v4 =	vld.idx.msk [tilespmem:v0+s17+$0x10 ss:$0x1], $0xffff  }
.Ltmp8:
0xac: {  	[tilespmem:s30+$0x0 ss:$0x81] =	vst.msk $0xffff, v5;
	v1 =	vld.idx.msk [tilespmem:v0+s17+$0x20 ss:$0x1], $0xffff;
	(pc) =	sbr.rel @p2 .LBB1_6-.Ltmp8, $4  }
0xad: {  	[tilespmem:s1+$0x0 ss:$0x81] =	vst.msk $0xffff, v6;
	v2 =	vld.idx.msk [tilespmem:v0+s17+$0x30 ss:$0x1], $0xffff  }
0xae: {  	[tilespmem:s31+$0x0 ss:$0x81] =	vst.msk $0xffff, v8;
	v3 =	vld.idx.msk [tilespmem:v0+s17+$0x40 ss:$0x1], $0xffff  }
0xaf: {  	[tilespmem:s0+$0x0 ss:$0x81] =	vst.msk $0xffff, v7;
	v5 =	vld.idx.msk [tilespmem:v0+s17+$0x50 ss:$0x1], $0xffff  }
0xb0: {  	s15 =	sadd.s32 $0x800, s15;
	[tilespmem:s8+$0x0 ss:$0x81] =	vst.msk $0xffff, v9;
	v6 =	vld.idx.msk [tilespmem:v0+s17+$0x60 ss:$0x1], $0xffff  }
.LBB1_7:
0xb1: {  	_ =	sdelay $0x2  }
0xb2: {  	[tilespmem:s6+$0x0 ss:$0x81] =	vst.msk $0xffff, v4  }
0xb3: {  	v0 =	vld.idx.msk [tilespmem:v0+s17+$0x70 ss:$0x1], $0xffff;
	[tilespmem:s3+$0x0 ss:$0x81] =	vst.msk $0xffff, v1  }
0xb4: {  	[tilespmem:s4+$0x0 ss:$0x81] =	vst.msk $0xffff, v2  }
0xb5: {  	[tilespmem:s31+$0x0 ss:$0x81] =	vst.msk $0xffff, v3  }
0xb6: {  	[tilespmem:s2+$0x0 ss:$0x81] =	vst.msk $0xffff, v5  }
0xb7: {  	[tilespmem:s7+$0x0 ss:$0x81] =	vst.msk $0xffff, v6  }
0xb8: {  	[tilespmem:s16+$0x0 ss:$0x81] =	vst.msk $0xffff, v0  }
.LBB1_8:
.Ltmp9:
0xb9: {  	(pc) =	sbr.rel @p1 .LBB1_11-.Ltmp9, $1  }
0xba: {  	_ =	sdelay $0x3  }
0xbb: {  	s1 =	sand.u32 $0x380, s26;
	s0 =	sshrl.u32 s24, $0x4;
	s2 =	sadd.s32 s27, s18  }
0xbc: {  	s3 =	smov.u32 s23;
	s4 =	smov.u32 s21;
	s1 =	sadd.s32 s1, s22  }
.LBB1_10:
0xbd: {  	s5 =	sand.u32 $0x3C00, s3  }
0xbe: {  	s5 =	sadd.s32 s26, s5  }
0xbf: {  	s5 =	sand.u32 $0x3C00, s5  }
0xc0: {  	s6 =	sand.u32 $0x70, s4;
	s30 =	sadd.s32 s4, s0;
	s5 =	sadd.s32 s5, s1  }
0xc1: {  	s4 =	sadd.s32 $0x10, s4;
	s31 =	sand.u32 $0x78, s30;
	s5 =	sadd.s32 s6, s5  }
0xc2: {  	p2 =	slt.s32 s4, s20;
	v0 =	vld [tilespmem:s5+$0x0];
	s5 =	smul.u32 $0x204, s31  }
.Ltmp10:
0xc3: {  	_ = 	snop;
	(pc) =	sbr.rel @p2 .LBB1_10-.Ltmp10, $4  }
0xc4: {  	_ = 	snop  }
0xc5: {  	s5 =	sshrl.u32 s5, $0x2  }
0xc6: {  	s5 =	sadd.s32 s5, s2  }
0xc7: {  	s3 =	sadd.s32 $0x80, s3;
	[tilespmem:s5+$0x0 ss:$0x81] =	vst.msk $0xffff, v0  }
.Ltmp11:
0xc8: {  	_ = 	snop;
	(pc) =	sbr.rel .LBB1_11-.Ltmp11, $1  }
0xc9: {  	_ =	sdelay $0x3  }
.LBB1_14:
0xca: {  	_ =	sfence.sel $0x180000  }
0xcb: {  	s0 =	simm.s32 $0x1;
	[bflag:$0x0] =	sbarrier.arrive $0xFFFF  }
0xcc: {  	s30 =	simm.s32 $0x2;
	[sflag:s0] =	ssyncpa.u1 $0x1  }
0xcd: {  	[sflag:s30] =	ssyncpa.u1 $0x1  }
0xce: {  	_ =	strace $0x90000053  }
0xcf: {  	s31 =	stileid.u32;
	[bflag:$0x2] =	sbarrier.arrive $0xFFFF  }
0xd0: {  	p0 =	sne.s32 s31, $0x0;
	s0 =	rddreg [dreg:$0x1]  }
0xd1: {  	s0 =	sadd.s32 @!p0 $0x100000, s0  }
0xd2: {  	[sflag:s0] =	ssyncadd.tile.s32 @!p0 $0x1;
	_ =	shalt  }
.Lfunc_end1:
_tile_overlayer_lowered:
.L_overlay_start_2:
0xd3: {  	(tag) =	ssettag $0x2  }
0xd4: {  	s0 =	rddreg [dreg:$0x0];
	s2 =	stileid.u32  }
0xd5: {  	s1 =	rddreg [dreg:$0x1];
	p0 =	sne.s32 s2, $0x0  }
0xd6: {  	s3 =	rddreg [dreg:$0x2];
	[bflag:$0x3] =	sbarrier.arrive $0xFFFF;
	s2 =	simm.s32 @!p0 $0x1C01  }
0xd7: {  	[timem:s3], [sflag:s2] =	dma.local @!p0 [hbm:s0], s1  }
0xd8: {  	s0 =	simm.s32 @!p0 $0x1  }
0xd9: {  	_ =	swait.ge @!p0 [sflag:s0], s1  }
0xda: {  	s1 =	ssub.s32 @!p0 $0x0, s1;
	[sflag:s0] =	ssyncset.done @!p0 $0x0  }
0xdb: {  	[sflag:s0] =	ssyncadd.s32 @!p0 s1  }
0xdc: {  	[bflag:$0x3] =	sbarrier.arrive $0xFFFF  }
0xdd: {  	_ =	shalt  }

</sc_bundles>
